<compile_context>
chip_gen: v7x
topology: tpu7x:2x2x1
jax: 0.10.2.dev20260603
libtpu: 0.0.44.dev20260713+nightly
codegen_flags: <defaults>
</compile_context>

<pallas_src>
import functools

import jax
import jax.numpy as jnp
from jax import lax
from jax.experimental import pallas as pl
from jax.experimental.pallas import tpu as pltpu
from jax.experimental.pallas import tpu_sc as plsc

N = 10000
E = 320000
DN = 128
DE = 16
DG = 128
H1 = 256
H2 = 128


_BE = 2000
_EGRID = E // _BE


def _edge_mlp_a_body(edges_ref, we1a_ref, be1a_ref, e1a_ref):
    x = edges_ref[...]
    e1a_ref[...] = jnp.maximum(
        jnp.dot(x, we1a_ref[...], preferred_element_type=jnp.float32)
        + be1a_ref[...], 0.0)


def _edge_mlp_a(edges, W_e1a, b_e1a):
    full = lambda r, c: pl.BlockSpec((r, c), lambda i: (0, 0))
    return pl.pallas_call(
        _edge_mlp_a_body,
        grid=(_EGRID,),
        in_specs=[
            pl.BlockSpec((_BE, DE), lambda i: (i, 0)),
            full(DE, H2), full(1, H2),
        ],
        out_specs=[pl.BlockSpec((_BE, H2), lambda i: (i, 0))],
        out_shape=[jax.ShapeDtypeStruct((E, H2), jnp.float32)],
    )(edges, W_e1a, b_e1a.reshape(1, H2))[0]


def _edge_mlp_b_body(edges_ref, we1_ref, be1_ref, we2_ref, be2_ref,
                     e1b_ref, e2_ref, cs1_ref, cs2_ref):
    i = pl.program_id(0)
    x = edges_ref[...]
    e1 = jnp.maximum(
        jnp.dot(x, we1_ref[...], preferred_element_type=jnp.float32)
        + be1_ref[...], 0.0)
    e2 = jnp.maximum(
        jnp.dot(e1, we2_ref[...], preferred_element_type=jnp.float32)
        + be2_ref[...], 0.0)
    e1b_ref[...] = e1[:, H2:]
    e2_ref[...] = e2

    @pl.when(i == 0)
    def _():
        cs1_ref[...] = jnp.zeros_like(cs1_ref)
        cs2_ref[...] = jnp.zeros_like(cs2_ref)

    cs1_ref[...] += jnp.sum(e1, axis=0, keepdims=True)
    cs2_ref[...] += jnp.sum(e2, axis=0, keepdims=True)


def _edge_mlp_b(edges, W_e1, b_e1, W_e2, b_e2):
    full = lambda r, c: pl.BlockSpec((r, c), lambda i: (0, 0))
    return pl.pallas_call(
        _edge_mlp_b_body,
        grid=(_EGRID,),
        in_specs=[
            pl.BlockSpec((_BE, DE), lambda i: (i, 0)),
            full(DE, H1), full(1, H1), full(H1, H2), full(1, H2),
        ],
        out_specs=[
            pl.BlockSpec((_BE, H2), lambda i: (i, 0)),
            pl.BlockSpec((_BE, H2), lambda i: (i, 0)),
            full(1, H1), full(1, H2),
        ],
        out_shape=[
            jax.ShapeDtypeStruct((E, H2), jnp.float32),
            jax.ShapeDtypeStruct((E, H2), jnp.float32),
            jax.ShapeDtypeStruct((1, H1), jnp.float32),
            jax.ShapeDtypeStruct((1, H2), jnp.float32),
        ],
    )(edges, W_e1, b_e1.reshape(1, H1), W_e2, b_e2.reshape(1, H2))



_CHUNK = 80
_EPT = E // 32
_RPT = _EPT // _CHUNK
_EPC_T = E // 16
_RC = _EPC_T // _CHUNK
_NPT = N // 16
_FS = 64


_SCW = 50
_NSC = _RC // _SCW


def _sc_counts_body(rids, sids, zeros, ones, cntr, cnts,
                    tab_c, idbuf, ones_v, sem_s):
    c = lax.axis_index("c")
    s = lax.axis_index("s")

    pltpu.sync_copy(ones, ones_v)

    pltpu.sync_copy(zeros.at[:, pl.ds(0, 16)],
                    tab_c.at[pl.ds(_NPT * s, _NPT), :])
    plsc.subcore_barrier()

    def _count_pass(ids):
        def outer(m, _):
            row0 = s * _RC + m * _SCW
            pltpu.sync_copy(ids.at[pl.ds(row0, _SCW), :], idbuf)

            def inner(j, _):
                pltpu.async_copy(ones_v, tab_c.at[idbuf.at[j]], sem_s,
                                 add=True)
                return 0
            lax.fori_loop(0, _SCW, inner, 0)

            def drain(j, _):
                pltpu.make_async_copy(
                    ones_v, tab_c.at[pl.ds(0, _CHUNK), :], sem_s).wait()
                return 0
            lax.fori_loop(0, _SCW, drain, 0)
            return 0
        lax.fori_loop(0, _NSC, outer, 0)

    @pl.when(c == 0)
    def _():
        _count_pass(rids)

    @pl.when(c == 1)
    def _():
        _count_pass(sids)

    plsc.subcore_barrier()

    @pl.when(c == 0)
    def _():
        pltpu.sync_copy(tab_c.at[pl.ds(_NPT * s, _NPT), :],
                        cntr.at[pl.ds(_NPT * s, _NPT), :])

    @pl.when(c == 1)
    def _():
        pltpu.sync_copy(tab_c.at[pl.ds(_NPT * s, _NPT), :],
                        cnts.at[pl.ds(_NPT * s, _NPT), :])


def _sc_counts(rids, sids, zeros, ones):
    mesh = plsc.VectorSubcoreMesh(core_axis_name="c", subcore_axis_name="s")
    f32 = jnp.float32
    fn = pl.kernel(
        _sc_counts_body,
        out_type=[
            jax.ShapeDtypeStruct((N, 16), f32),
            jax.ShapeDtypeStruct((N, 16), f32),
        ],
        mesh=mesh,
        compiler_params=pltpu.CompilerParams(use_tc_tiling_on_sc=False),
        scratch_types=[
            pltpu.VMEM_SHARED((N, 16), f32),
            pltpu.VMEM((_SCW, _CHUNK), jnp.int32),
            pltpu.VMEM((_CHUNK, 16), f32),
            pltpu.SemaphoreType.DMA,
        ],
    )
    return fn(rids, sids, zeros, ones)


_HRC = _RC // 2


def _sc_seg_kernel(srcs, rids_r, sids_r, zeros_r):
    npass = len(srcs)

    def body(*refs):
        e_refs = refs[:npass]
        rids, sids, zeros = refs[npass:npass + 3]
        dsts = refs[npass + 3:npass + 3 + 2 * npass]
        (tab_a, tab_b, rid_v, sid_v, vc0, vc1,
         sem_v, sem_s, sem_z) = refs[npass + 3 + 2 * npass:]
        c = lax.axis_index("c")
        s = lax.axis_index("s")
        col0 = c * _FS

        def load_ids(half):
            row0 = s * _RC + half * _HRC
            pltpu.sync_copy(rids.at[pl.ds(row0, _HRC), :], rid_v)
            pltpu.sync_copy(sids.at[pl.ds(row0, _HRC), :], sid_v)

        def drain2(buf):
            pltpu.make_async_copy(buf, tab_a.at[pl.ds(0, _CHUNK), :],
                                  sem_s).wait()
            pltpu.make_async_copy(buf, tab_b.at[pl.ds(0, _CHUNK), :],
                                  sem_s).wait()

        for p in range(npass):
            src = e_refs[p]
            dst_a = dsts[2 * p]
            dst_b = dsts[2 * p + 1]

            def vload(j, buf):
                base = (s * _RC + j) * _CHUNK
                return pltpu.make_async_copy(
                    src.at[pl.ds(base, _CHUNK), pl.ds(col0, _FS)], buf,
                    sem_v)

            za = pltpu.async_copy(zeros, tab_a.at[pl.ds(_NPT * s, _NPT), :],
                                  sem_z)
            zb = pltpu.async_copy(zeros, tab_b.at[pl.ds(_NPT * s, _NPT), :],
                                  sem_z)
            load_ids(0)
            vload(0, vc0).start()
            za.wait()
            zb.wait()
            plsc.subcore_barrier()

            def outer(g, _):
                for b in (0, 1):
                    vb_, vbn = (vc0, vc1) if b == 0 else (vc1, vc0)
                    j = 2 * g + b

                    @pl.when(j > 0)
                    def _():
                        drain2(vbn)

                    if b == 1:
                        @pl.when(j == _HRC)
                        def _():
                            load_ids(1)

                    jr = lax.select(j >= _HRC, j - _HRC, j)
                    vload(j, vb_).wait()

                    @pl.when(j < _RC - 1)
                    def _():
                        vload(j + 1, vbn).start()

                    pltpu.async_copy(vb_, tab_a.at[rid_v.at[jr]], sem_s,
                                     add=True)
                    pltpu.async_copy(vb_, tab_b.at[sid_v.at[jr]], sem_s,
                                     add=True)
                return 0
            lax.fori_loop(0, _RC // 2, outer, 0)
            drain2(vc1)
            plsc.subcore_barrier()

            da = pltpu.async_copy(tab_a.at[pl.ds(_NPT * s, _NPT), :],
                                  dst_a.at[pl.ds(_NPT * s, _NPT),
                                           pl.ds(col0, _FS)], sem_z)
            db = pltpu.async_copy(tab_b.at[pl.ds(_NPT * s, _NPT), :],
                                  dst_b.at[pl.ds(_NPT * s, _NPT),
                                           pl.ds(col0, _FS)], sem_z)
            da.wait()
            db.wait()

    mesh = plsc.VectorSubcoreMesh(core_axis_name="c", subcore_axis_name="s")
    f32 = jnp.float32
    fn = pl.kernel(
        body,
        out_type=[jax.ShapeDtypeStruct((N, H2), f32)] * (2 * npass),
        mesh=mesh,
        compiler_params=pltpu.CompilerParams(use_tc_tiling_on_sc=False),
        scratch_types=[
            pltpu.VMEM_SHARED((N, _FS), f32),
            pltpu.VMEM_SHARED((N, _FS), f32),
            pltpu.VMEM((_HRC, _CHUNK), jnp.int32),
            pltpu.VMEM((_HRC, _CHUNK), jnp.int32),
            pltpu.VMEM((_CHUNK, _FS), f32),
            pltpu.VMEM((_CHUNK, _FS), f32),
            pltpu.SemaphoreType.DMA,
            pltpu.SemaphoreType.DMA,
            pltpu.SemaphoreType.DMA,
        ],
    )
    return fn(*srcs, rids_r, sids_r, zeros_r)



_BN = 1000
_NGRID = N // _BN


def _node_body(nodes_ref, inc1a_ref, inc1b_ref, outg1a_ref, outg1b_ref,
               inc2_ref, outg2_ref,
               cntr_ref, cnts_ref, cs1_ref, cs2_ref, g_ref,
               wn1, win1a, win1b, wout1a, wout1b, bn1,
               wg1, wgn1, wge1, bg1,
               wn2, win2, wout2, bn2, wg2, wgn2, wge2, bg2,
               n2_ref, g2_ref, csn1_acc, csn2_acc):
    i = pl.program_id(0)
    dot = functools.partial(jnp.dot, preferred_element_type=jnp.float32)
    cr = jnp.maximum(cntr_ref[:, 0:1], 1.0)
    cs = jnp.maximum(cnts_ref[:, 0:1], 1.0)
    n1 = jnp.maximum(
        dot(nodes_ref[...], wn1[...])
        + dot(inc1a_ref[...] / cr, win1a[...])
        + dot(inc1b_ref[...] / cr, win1b[...])
        + dot(outg1a_ref[...] / cs, wout1a[...])
        + dot(outg1b_ref[...] / cs, wout1b[...])
        + bn1[...], 0.0)
    n2 = jnp.maximum(
        dot(n1, wn2[...]) + dot(inc2_ref[...] / cr, win2[...])
        + dot(outg2_ref[...] / cs, wout2[...]) + bn2[...], 0.0)
    n2_ref[...] = n2

    @pl.when(i == 0)
    def _():
        csn1_acc[...] = jnp.zeros_like(csn1_acc)
        csn2_acc[...] = jnp.zeros_like(csn2_acc)

    csn1_acc[...] += jnp.sum(n1, axis=0, keepdims=True)
    csn2_acc[...] += jnp.sum(n2, axis=0, keepdims=True)

    @pl.when(i == _NGRID - 1)
    def _():
        g1 = jnp.maximum(
            dot(g_ref[...], wg1[...]) + dot(csn1_acc[...] / N, wgn1[...])
            + dot(cs1_ref[...] / E, wge1[...]) + bg1[...], 0.0)
        g2_ref[...] = jnp.maximum(
            dot(g1, wg2[...]) + dot(csn2_acc[...] / N, wgn2[...])
            + dot(cs2_ref[...] / E, wge2[...]) + bg2[...], 0.0)


def _node_global(nodes, inc1a, inc1b, outg1a, outg1b, inc2s, outg2s,
                 cntr, cnts, cs1, cs2, globals_,
                 W_n1, W_in1, W_out1, b_n1, W_g1, W_gn1, W_ge1, b_g1,
                 W_n2, W_in2, W_out2, b_n2, W_g2, W_gn2, W_ge2, b_g2):
    full = lambda r, c: pl.BlockSpec((r, c), lambda i: (0, 0))
    blk = lambda cdim: pl.BlockSpec((_BN, cdim), lambda i: (i, 0))
    return pl.pallas_call(
        _node_body,
        grid=(_NGRID,),
        in_specs=[
            blk(DN), blk(H2), blk(H2), blk(H2), blk(H2), blk(H2), blk(H2),
            blk(16), blk(16),
            full(1, H1), full(1, H2), full(1, DG),
            full(DN, H1), full(H2, H1), full(H2, H1),
            full(H2, H1), full(H2, H1), full(1, H1),
            full(DG, H1), full(H1, H1), full(H1, H1), full(1, H1),
            full(H1, H2), full(H2, H2), full(H2, H2), full(1, H2),
            full(H1, H2), full(H2, H2), full(H2, H2), full(1, H2),
        ],
        out_specs=[
            pl.BlockSpec((_BN, H2), lambda i: (i, 0)),
            full(1, H2),
        ],
        out_shape=[
            jax.ShapeDtypeStruct((N, H2), jnp.float32),
            jax.ShapeDtypeStruct((1, H2), jnp.float32),
        ],
        scratch_shapes=[
            pltpu.VMEM((1, H1), jnp.float32),
            pltpu.VMEM((1, H2), jnp.float32),
        ],
    )(nodes, inc1a, inc1b, outg1a, outg1b, inc2s, outg2s, cntr, cnts,
      cs1, cs2, globals_.reshape(1, DG),
      W_n1, W_in1[:H2], W_in1[H2:], W_out1[:H2], W_out1[H2:],
      b_n1.reshape(1, H1),
      W_g1, W_gn1, W_ge1, b_g1.reshape(1, H1),
      W_n2, W_in2, W_out2, b_n2.reshape(1, H2),
      W_g2, W_gn2, W_ge2, b_g2.reshape(1, H2))


def kernel(nodes, edges, globals_, senders, receivers,
           W_e1, b_e1, W_n1, W_in1, W_out1, b_n1, W_g1, W_gn1, W_ge1, b_g1,
           W_e2, b_e2, W_n2, W_in2, W_out2, b_n2, W_g2, W_gn2, W_ge2, b_g2):
    rids = receivers.astype(jnp.int32).reshape(E // _CHUNK, _CHUNK)
    sids = senders.astype(jnp.int32).reshape(E // _CHUNK, _CHUNK)
    zeros = jnp.zeros((_NPT, _FS), jnp.float32)
    ones = jnp.ones((_CHUNK, 16), jnp.float32)

    cntr, cnts = _sc_counts(rids, sids, zeros, ones)
    e1a = _edge_mlp_a(edges, W_e1[:, :H2], b_e1[:H2])
    inc1a, outg1a = _sc_seg_kernel([e1a], rids, sids, zeros)
    e1b, e2, cs1, cs2 = _edge_mlp_b(edges, W_e1, b_e1, W_e2, b_e2)
    inc1b, outg1b, inc2s, outg2s = _sc_seg_kernel([e1b, e2], rids, sids,
                                                  zeros)
    n2, g2 = _node_global(
        nodes, inc1a, inc1b, outg1a, outg1b, inc2s, outg2s, cntr, cnts,
        cs1, cs2, globals_,
        W_n1, W_in1, W_out1, b_n1, W_g1, W_gn1, W_ge1, b_g1,
        W_n2, W_in2, W_out2, b_n2, W_g2, W_gn2, W_ge2, b_g2)
    return (n2, e2, g2.reshape(H2))

# --- scband reference (transcript-rebuilt; emitter-appended) ---
"""Pipeline reference for scband-graph-network-10651518894531 (READ-ONLY COPY).

The authoritative reference and input builder live on the scoring server;
editing this copy changes nothing except your own understanding.
"""

import jax, jax.numpy as jnp
import numpy as np

N = 10000
E = 320000
DN = 128
DE = 16
DG = 128
H1 = 256
H2 = 128


def _seg_mean(data, seg, n):
    s = jax.ops.segment_sum(data, seg, num_segments=n)
    c = jax.ops.segment_sum(jnp.ones((data.shape[0],), dtype=data.dtype), seg, num_segments=n)
    return s / jnp.maximum(c, 1.0)[:, None]


def setup_inputs(seed: int = 0) -> dict:
    key = jax.random.key(seed)
    ks = jax.random.split(key, 32)

    def w(i, a, b):
        return jax.random.normal(ks[i], (a, b), dtype=jnp.float32) / jnp.sqrt(float(a))

    inp = {}
    inp["nodes"] = jax.random.normal(ks[0], (N, DN), dtype=jnp.float32)
    inp["edges"] = jax.random.normal(ks[1], (E, DE), dtype=jnp.float32)
    inp["globals_"] = jax.random.normal(ks[2], (DG,), dtype=jnp.float32)
    inp["senders"] = jax.random.randint(ks[3], (E,), 0, N)
    inp["receivers"] = jax.random.randint(ks[4], (E,), 0, N)
    # block 1 (hidden 256)
    inp["W_e1"] = w(5, DE, H1); inp["b_e1"] = jnp.zeros((H1,), dtype=jnp.float32)
    inp["W_n1"] = w(6, DN, H1); inp["W_in1"] = w(7, H1, H1); inp["W_out1"] = w(8, H1, H1); inp["b_n1"] = jnp.zeros((H1,), dtype=jnp.float32)
    inp["W_g1"] = w(9, DG, H1); inp["W_gn1"] = w(10, H1, H1); inp["W_ge1"] = w(11, H1, H1); inp["b_g1"] = jnp.zeros((H1,), dtype=jnp.float32)
    # block 2 (hidden 128)
    inp["W_e2"] = w(12, H1, H2); inp["b_e2"] = jnp.zeros((H2,), dtype=jnp.float32)
    inp["W_n2"] = w(13, H1, H2); inp["W_in2"] = w(14, H2, H2); inp["W_out2"] = w(15, H2, H2); inp["b_n2"] = jnp.zeros((H2,), dtype=jnp.float32)
    inp["W_g2"] = w(16, H1, H2); inp["W_gn2"] = w(17, H2, H2); inp["W_ge2"] = w(18, H2, H2); inp["b_g2"] = jnp.zeros((H2,), dtype=jnp.float32)
    return inp


def reference(nodes, edges, globals_, senders, receivers,
              W_e1, b_e1, W_n1, W_in1, W_out1, b_n1, W_g1, W_gn1, W_ge1, b_g1,
              W_e2, b_e2, W_n2, W_in2, W_out2, b_n2, W_g2, W_gn2, W_ge2, b_g2):
    n = nodes.shape[0]
    # edge1 + relu
    e1 = jax.nn.relu(edges @ W_e1 + b_e1)
    # node1 + relu: node feats + avg incoming (by receiver) + avg outgoing (by sender)
    inc1 = _seg_mean(e1, receivers, n)
    outg1 = _seg_mean(e1, senders, n)
    n1 = jax.nn.relu(nodes @ W_n1 + inc1 @ W_in1 + outg1 @ W_out1 + b_n1)
    # global1 + relu: global feats + avg nodes + avg edges
    g1 = jax.nn.relu(globals_ @ W_g1 + jnp.mean(n1, axis=0) @ W_gn1 + jnp.mean(e1, axis=0) @ W_ge1 + b_g1)
    # edge2 + relu
    e2 = jax.nn.relu(e1 @ W_e2 + b_e2)
    # node2 + relu
    inc2 = _seg_mean(e2, receivers, n)
    outg2 = _seg_mean(e2, senders, n)
    n2 = jax.nn.relu(n1 @ W_n2 + inc2 @ W_in2 + outg2 @ W_out2 + b_n2)
    # global2 + relu
    g2 = jax.nn.relu(g1 @ W_g2 + jnp.mean(n2, axis=0) @ W_gn2 + jnp.mean(e2, axis=0) @ W_ge2 + b_g2)
    return (n2, e2, g2)

if __name__ == "__main__":
    import jax
    _d = setup_inputs()
    print(jax.jit(kernel)(*tuple(_d.values())))

</pallas_src>

<mosaic_0001>
#map = affine_map<(d0, d1) -> (0, 0)>
module attributes {stable_mosaic.version = 14 : i64} {
  func.func @_sc_counts_body(%arg0: i32, %arg1: i32, %arg2: memref<4000x80xi32, #tpu.memory_space<hbm>>, %arg3: memref<4000x80xi32, #tpu.memory_space<hbm>>, %arg4: memref<625x64xf32, #tpu.memory_space<hbm>>, %arg5: memref<80x16xf32, #tpu.memory_space<hbm>>, %arg6: memref<10000x16xf32, #tpu.memory_space<hbm>>, %arg7: memref<10000x16xf32, #tpu.memory_space<hbm>>, %arg8: memref<10000x16xf32, #tpu.memory_space<vmem_shared>>, %arg9: memref<50x80xi32, #tpu.memory_space<vmem>>, %arg10: memref<80x16xf32, #tpu.memory_space<vmem>>, %arg11: memref<!tpu.dma_semaphore, #tpu.memory_space<semaphore_mem>>) attributes {dimension_semantics = [#tpu.dimension_semantics<core_parallel>, #tpu.dimension_semantics<subcore_parallel>], iteration_bounds = array<i64: 2, 16>, scalar_prefetch = 0 : i64, scratch_operands = 4 : i64, tpu.core_type = #tpu.core_type<sc_vector_subcore>, window_params = [{transform_indices = #map}, {transform_indices = #map}, {transform_indices = #map}, {transform_indices = #map}, {transform_indices = #map}, {transform_indices = #map}]} {
    "tpu.region"() ({
      %run_scoped3A = tpu.sem_alloc : memref<!tpu.dma_semaphore, #tpu.memory_space<semaphore_mem>>
      tpu.enqueue_dma source(%arg5 : memref<80x16xf32, #tpu.memory_space<hbm>>) target(%arg10 : memref<80x16xf32, #tpu.memory_space<vmem>>) target_semaphore(%run_scoped3A : memref<!tpu.dma_semaphore, #tpu.memory_space<semaphore_mem>>)
      tpu.wait_dma2 semaphore(%run_scoped3A : memref<!tpu.dma_semaphore, #tpu.memory_space<semaphore_mem>>) src(%arg5 : memref<80x16xf32, #tpu.memory_space<hbm>>) dst(%arg10 : memref<80x16xf32, #tpu.memory_space<vmem>>)
      tpu.yield
    }) : () -> ()
    %mul3A = arith.constant 625 : i32
    %mul3A_0 = arith.muli %mul3A, %arg1 : i32
    "tpu.region"() ({
      %run_scoped3A = tpu.sem_alloc : memref<!tpu.dma_semaphore, #tpu.memory_space<semaphore_mem>>
      %dma_start3A = arith.constant 0 : i32
      %dma_start3A_19 = tpu.memref_slice %arg8[%mul3A_0, %dma_start3A] : memref<10000x16xf32, #tpu.memory_space<vmem_shared>> -> memref<625x16xf32, #tpu.memory_space<vmem_shared>>
      %dma_start3A_20 = arith.constant 0 : i32
      %dma_start3A_21 = arith.constant 0 : i32
      %dma_start3A_22 = tpu.memref_slice %arg4[%dma_start3A_20, %dma_start3A_21] : memref<625x64xf32, #tpu.memory_space<hbm>> -> memref<625x16xf32, #tpu.memory_space<hbm>>
      tpu.enqueue_dma source(%dma_start3A_22 : memref<625x16xf32, #tpu.memory_space<hbm>>) target(%dma_start3A_19 : memref<625x16xf32, #tpu.memory_space<vmem_shared>>) target_semaphore(%run_scoped3A : memref<!tpu.dma_semaphore, #tpu.memory_space<semaphore_mem>>)
      %dma_wait3A = arith.constant 0 : i32
      %dma_wait3A_23 = tpu.memref_slice %arg8[%mul3A_0, %dma_wait3A] : memref<10000x16xf32, #tpu.memory_space<vmem_shared>> -> memref<625x16xf32, #tpu.memory_space<vmem_shared>>
      %dma_wait3A_24 = arith.constant 0 : i32
      %dma_wait3A_25 = arith.constant 0 : i32
      %dma_wait3A_26 = tpu.memref_slice %arg4[%dma_wait3A_24, %dma_wait3A_25] : memref<625x64xf32, #tpu.memory_space<hbm>> -> memref<625x16xf32, #tpu.memory_space<hbm>>
      tpu.wait_dma2 semaphore(%run_scoped3A : memref<!tpu.dma_semaphore, #tpu.memory_space<semaphore_mem>>) src(%dma_wait3A_26 : memref<625x16xf32, #tpu.memory_space<hbm>>) dst(%dma_wait3A_23 : memref<625x16xf32, #tpu.memory_space<vmem_shared>>)
      tpu.yield
    }) : () -> ()
    %barrier3A = arith.constant 0 : index
    tpu.barrier barrier_id(%barrier3A)
    %eq3A = arith.constant 0 : i32
    %eq3A_1 = arith.cmpi eq, %arg0, %eq3A : i32
    %convert_element_type3A = arith.extui %eq3A_1 : i1 to i32
    %cond3A = arith.constant 0 : i32
    %cond3A_2 = arith.cmpi ne, %convert_element_type3A, %cond3A : i32
    scf.if %cond3A_2 {
      %scan3A = arith.constant 0 : i32
      %scan3A_19 = arith.constant 0 : i32
      %scan3A_20 = arith.constant 5 : i32
      %scan3A_21 = arith.addi %scan3A_19, %scan3A_20 : i32
      %scan3A_22 = arith.constant 1 : i32
      %scan3A_23 = scf.for %scan3A_25 = %scan3A_19 to %scan3A_21 step %scan3A_22 iter_args(%scan3A_26 = %scan3A) -> (i32)  : i32 {
        %mul3A_27 = arith.constant 250 : i32
        %mul3A_28 = arith.muli %arg1, %mul3A_27 : i32
        %mul3A_29 = arith.constant 50 : i32
        %mul3A_30 = arith.muli %scan3A_25, %mul3A_29 : i32
        %add3A = arith.addi %mul3A_28, %mul3A_30 : i32
        "tpu.region"() ({
          %run_scoped3A = tpu.sem_alloc : memref<!tpu.dma_semaphore, #tpu.memory_space<semaphore_mem>>
          %dma_start3A = arith.constant 0 : i32
          %dma_start3A_46 = tpu.memref_slice %arg2[%add3A, %dma_start3A] : memref<4000x80xi32, #tpu.memory_space<hbm>> -> memref<50x80xi32, #tpu.memory_space<hbm>>
          %dma_start3A_47 = arith.constant 0 : i32
          %dma_start3A_48 = tpu.memref_slice %arg2[%add3A, %dma_start3A_47] : memref<4000x80xi32, #tpu.memory_space<hbm>> -> memref<50x80xi32, #tpu.memory_space<hbm>>
          tpu.enqueue_dma source(%dma_start3A_48 : memref<50x80xi32, #tpu.memory_space<hbm>>) target(%arg9 : memref<50x80xi32, #tpu.memory_space<vmem>>) target_semaphore(%run_scoped3A : memref<!tpu.dma_semaphore, #tpu.memory_space<semaphore_mem>>)
          %dma_wait3A = arith.constant 0 : i32
          %dma_wait3A_49 = tpu.memref_slice %arg2[%add3A, %dma_wait3A] : memref<4000x80xi32, #tpu.memory_space<hbm>> -> memref<50x80xi32, #tpu.memory_space<hbm>>
          %dma_wait3A_50 = arith.constant 0 : i32
          %dma_wait3A_51 = tpu.memref_slice %arg2[%add3A, %dma_wait3A_50] : memref<4000x80xi32, #tpu.memory_space<hbm>> -> memref<50x80xi32, #tpu.memory_space<hbm>>
          tpu.wait_dma2 semaphore(%run_scoped3A : memref<!tpu.dma_semaphore, #tpu.memory_space<semaphore_mem>>) src(%dma_wait3A_51 : memref<50x80xi32, #tpu.memory_space<hbm>>) dst(%arg9 : memref<50x80xi32, #tpu.memory_space<vmem>>)
          tpu.yield
        }) : () -> ()
        %scan3A_31 = arith.constant 0 : i32
        %scan3A_32 = arith.constant 0 : i32
        %scan3A_33 = arith.constant 50 : i32
        %scan3A_34 = arith.addi %scan3A_32, %scan3A_33 : i32
        %scan3A_35 = arith.constant 1 : i32
        %scan3A_36 = scf.for %scan3A_46 = %scan3A_32 to %scan3A_34 step %scan3A_35 iter_args(%scan3A_47 = %scan3A_31) -> (i32)  : i32 {
          %dma_start3A = arith.constant 0 : i32
          %dma_start3A_48 = tpu.memref_slice %arg9[%scan3A_46, %dma_start3A] : memref<50x80xi32, #tpu.memory_space<vmem>> -> memref<1x80xi32, #tpu.memory_space<vmem>>
          %dma_start3A_49 = tpu.memref_squeeze %dma_start3A_48 : memref<1x80xi32, #tpu.memory_space<vmem>> -> memref<80xi32, #tpu.memory_space<vmem>>
          %dma_start3A_50 = arith.constant 0 : i32
          %dma_start3A_51 = arith.constant 0 : i32
          %dma_start3A_52 = tpu.memref_slice %arg8[%dma_start3A_50, %dma_start3A_51] : memref<10000x16xf32, #tpu.memory_space<vmem_shared>> -> memref<10000x16xf32, #tpu.memory_space<vmem_shared>>
          tpu.enqueue_indirect_dma source(%arg10 : memref<80x16xf32, #tpu.memory_space<vmem>>) target(%dma_start3A_52 : memref<10000x16xf32, #tpu.memory_space<vmem_shared>>) offsets(%dma_start3A_49 : memref<80xi32, #tpu.memory_space<vmem>>) semaphore(%arg11 : memref<!tpu.dma_semaphore, #tpu.memory_space<semaphore_mem>>) {add = true}
          %scan3A_53 = arith.constant 0 : i32
          scf.yield %scan3A_53 : i32
        }
        %scan3A_37 = arith.constant 50 : i32
        %scan3A_38 = arith.constant 0 : i32
        %scan3A_39 = arith.constant 0 : i32
        %scan3A_40 = arith.constant 50 : i32
        %scan3A_41 = arith.addi %scan3A_39, %scan3A_40 : i32
        %scan3A_42 = arith.constant 1 : i32
        %scan3A_43 = scf.for %scan3A_46 = %scan3A_39 to %scan3A_41 step %scan3A_42 iter_args(%scan3A_47 = %scan3A_38) -> (i32)  : i32 {
          %dma_wait3A = arith.constant 0 : i32
          %dma_wait3A_48 = arith.constant 0 : i32
          %dma_wait3A_49 = tpu.memref_slice %arg8[%dma_wait3A, %dma_wait3A_48] : memref<10000x16xf32, #tpu.memory_space<vmem_shared>> -> memref<80x16xf32, #tpu.memory_space<vmem_shared>>
          %dma_wait3A_50 = arith.constant 0 : i32
          %dma_wait3A_51 = arith.constant 0 : i32
          %dma_wait3A_52 = tpu.memref_slice %arg8[%dma_wait3A_50, %dma_wait3A_51] : memref<10000x16xf32, #tpu.memory_space<vmem_shared>> -> memref<80x16xf32, #tpu.memory_space<vmem_shared>>
          tpu.wait_dma2 semaphore(%arg11 : memref<!tpu.dma_semaphore, #tpu.memory_space<semaphore_mem>>) src(%arg10 : memref<80x16xf32, #tpu.memory_space<vmem>>) dst(%dma_wait3A_52 : memref<80x16xf32, #tpu.memory_space<vmem_shared>>)
          %scan3A_53 = arith.constant 0 : i32
          scf.yield %scan3A_53 : i32
        }
        %scan3A_44 = arith.constant 50 : i32
        %scan3A_45 = arith.constant 0 : i32
        scf.yield %scan3A_45 : i32
      }
      %scan3A_24 = arith.constant 5 : i32
    } else {
    }
    %eq3A_3 = arith.constant 1 : i32
    %eq3A_4 = arith.cmpi eq, %arg0, %eq3A_3 : i32
    %convert_element_type3A_5 = arith.extui %eq3A_4 : i1 to i32
    %cond3A_6 = arith.constant 0 : i32
    %cond3A_7 = arith.cmpi ne, %convert_element_type3A_5, %cond3A_6 : i32
    scf.if %cond3A_7 {
      %scan3A = arith.constant 0 : i32
      %scan3A_19 = arith.constant 0 : i32
      %scan3A_20 = arith.constant 5 : i32
      %scan3A_21 = arith.addi %scan3A_19, %scan3A_20 : i32
      %scan3A_22 = arith.constant 1 : i32
      %scan3A_23 = scf.for %scan3A_25 = %scan3A_19 to %scan3A_21 step %scan3A_22 iter_args(%scan3A_26 = %scan3A) -> (i32)  : i32 {
        %mul3A_27 = arith.constant 250 : i32
        %mul3A_28 = arith.muli %arg1, %mul3A_27 : i32
        %mul3A_29 = arith.constant 50 : i32
        %mul3A_30 = arith.muli %scan3A_25, %mul3A_29 : i32
        %add3A = arith.addi %mul3A_28, %mul3A_30 : i32
        "tpu.region"() ({
          %run_scoped3A = tpu.sem_alloc : memref<!tpu.dma_semaphore, #tpu.memory_space<semaphore_mem>>
          %dma_start3A = arith.constant 0 : i32
          %dma_start3A_46 = tpu.memref_slice %arg3[%add3A, %dma_start3A] : memref<4000x80xi32, #tpu.memory_space<hbm>> -> memref<50x80xi32, #tpu.memory_space<hbm>>
          %dma_start3A_47 = arith.constant 0 : i32
          %dma_start3A_48 = tpu.memref_slice %arg3[%add3A, %dma_start3A_47] : memref<4000x80xi32, #tpu.memory_space<hbm>> -> memref<50x80xi32, #tpu.memory_space<hbm>>
          tpu.enqueue_dma source(%dma_start3A_48 : memref<50x80xi32, #tpu.memory_space<hbm>>) target(%arg9 : memref<50x80xi32, #tpu.memory_space<vmem>>) target_semaphore(%run_scoped3A : memref<!tpu.dma_semaphore, #tpu.memory_space<semaphore_mem>>)
          %dma_wait3A = arith.constant 0 : i32
          %dma_wait3A_49 = tpu.memref_slice %arg3[%add3A, %dma_wait3A] : memref<4000x80xi32, #tpu.memory_space<hbm>> -> memref<50x80xi32, #tpu.memory_space<hbm>>
          %dma_wait3A_50 = arith.constant 0 : i32
          %dma_wait3A_51 = tpu.memref_slice %arg3[%add3A, %dma_wait3A_50] : memref<4000x80xi32, #tpu.memory_space<hbm>> -> memref<50x80xi32, #tpu.memory_space<hbm>>
          tpu.wait_dma2 semaphore(%run_scoped3A : memref<!tpu.dma_semaphore, #tpu.memory_space<semaphore_mem>>) src(%dma_wait3A_51 : memref<50x80xi32, #tpu.memory_space<hbm>>) dst(%arg9 : memref<50x80xi32, #tpu.memory_space<vmem>>)
          tpu.yield
        }) : () -> ()
        %scan3A_31 = arith.constant 0 : i32
        %scan3A_32 = arith.constant 0 : i32
        %scan3A_33 = arith.constant 50 : i32
        %scan3A_34 = arith.addi %scan3A_32, %scan3A_33 : i32
        %scan3A_35 = arith.constant 1 : i32
        %scan3A_36 = scf.for %scan3A_46 = %scan3A_32 to %scan3A_34 step %scan3A_35 iter_args(%scan3A_47 = %scan3A_31) -> (i32)  : i32 {
          %dma_start3A = arith.constant 0 : i32
          %dma_start3A_48 = tpu.memref_slice %arg9[%scan3A_46, %dma_start3A] : memref<50x80xi32, #tpu.memory_space<vmem>> -> memref<1x80xi32, #tpu.memory_space<vmem>>
          %dma_start3A_49 = tpu.memref_squeeze %dma_start3A_48 : memref<1x80xi32, #tpu.memory_space<vmem>> -> memref<80xi32, #tpu.memory_space<vmem>>
          %dma_start3A_50 = arith.constant 0 : i32
          %dma_start3A_51 = arith.constant 0 : i32
          %dma_start3A_52 = tpu.memref_slice %arg8[%dma_start3A_50, %dma_start3A_51] : memref<10000x16xf32, #tpu.memory_space<vmem_shared>> -> memref<10000x16xf32, #tpu.memory_space<vmem_shared>>
          tpu.enqueue_indirect_dma source(%arg10 : memref<80x16xf32, #tpu.memory_space<vmem>>) target(%dma_start3A_52 : memref<10000x16xf32, #tpu.memory_space<vmem_shared>>) offsets(%dma_start3A_49 : memref<80xi32, #tpu.memory_space<vmem>>) semaphore(%arg11 : memref<!tpu.dma_semaphore, #tpu.memory_space<semaphore_mem>>) {add = true}
          %scan3A_53 = arith.constant 0 : i32
          scf.yield %scan3A_53 : i32
        }
        %scan3A_37 = arith.constant 50 : i32
        %scan3A_38 = arith.constant 0 : i32
        %scan3A_39 = arith.constant 0 : i32
        %scan3A_40 = arith.constant 50 : i32
        %scan3A_41 = arith.addi %scan3A_39, %scan3A_40 : i32
        %scan3A_42 = arith.constant 1 : i32
        %scan3A_43 = scf.for %scan3A_46 = %scan3A_39 to %scan3A_41 step %scan3A_42 iter_args(%scan3A_47 = %scan3A_38) -> (i32)  : i32 {
          %dma_wait3A = arith.constant 0 : i32
          %dma_wait3A_48 = arith.constant 0 : i32
          %dma_wait3A_49 = tpu.memref_slice %arg8[%dma_wait3A, %dma_wait3A_48] : memref<10000x16xf32, #tpu.memory_space<vmem_shared>> -> memref<80x16xf32, #tpu.memory_space<vmem_shared>>
          %dma_wait3A_50 = arith.constant 0 : i32
          %dma_wait3A_51 = arith.constant 0 : i32
          %dma_wait3A_52 = tpu.memref_slice %arg8[%dma_wait3A_50, %dma_wait3A_51] : memref<10000x16xf32, #tpu.memory_space<vmem_shared>> -> memref<80x16xf32, #tpu.memory_space<vmem_shared>>
          tpu.wait_dma2 semaphore(%arg11 : memref<!tpu.dma_semaphore, #tpu.memory_space<semaphore_mem>>) src(%arg10 : memref<80x16xf32, #tpu.memory_space<vmem>>) dst(%dma_wait3A_52 : memref<80x16xf32, #tpu.memory_space<vmem_shared>>)
          %scan3A_53 = arith.constant 0 : i32
          scf.yield %scan3A_53 : i32
        }
        %scan3A_44 = arith.constant 50 : i32
        %scan3A_45 = arith.constant 0 : i32
        scf.yield %scan3A_45 : i32
      }
      %scan3A_24 = arith.constant 5 : i32
    } else {
    }
    %barrier3A_8 = arith.constant 0 : index
    tpu.barrier barrier_id(%barrier3A_8)
    %eq3A_9 = arith.constant 0 : i32
    %eq3A_10 = arith.cmpi eq, %arg0, %eq3A_9 : i32
    %convert_element_type3A_11 = arith.extui %eq3A_10 : i1 to i32
    %cond3A_12 = arith.constant 0 : i32
    %cond3A_13 = arith.cmpi ne, %convert_element_type3A_11, %cond3A_12 : i32
    scf.if %cond3A_13 {
      %mul3A_19 = arith.constant 625 : i32
      %mul3A_20 = arith.muli %mul3A_19, %arg1 : i32
      %mul3A_21 = arith.constant 625 : i32
      %mul3A_22 = arith.muli %mul3A_21, %arg1 : i32
      "tpu.region"() ({
        %run_scoped3A = tpu.sem_alloc : memref<!tpu.dma_semaphore, #tpu.memory_space<semaphore_mem>>
        %dma_start3A = arith.constant 0 : i32
        %dma_start3A_23 = tpu.memref_slice %arg6[%mul3A_22, %dma_start3A] : memref<10000x16xf32, #tpu.memory_space<hbm>> -> memref<625x16xf32, #tpu.memory_space<hbm>>
        %dma_start3A_24 = arith.constant 0 : i32
        %dma_start3A_25 = tpu.memref_slice %arg8[%mul3A_20, %dma_start3A_24] : memref<10000x16xf32, #tpu.memory_space<vmem_shared>> -> memref<625x16xf32, #tpu.memory_space<vmem_shared>>
        tpu.enqueue_dma source(%dma_start3A_25 : memref<625x16xf32, #tpu.memory_space<vmem_shared>>) target(%dma_start3A_23 : memref<625x16xf32, #tpu.memory_space<hbm>>) target_semaphore(%run_scoped3A : memref<!tpu.dma_semaphore, #tpu.memory_space<semaphore_mem>>)
        %dma_wait3A = arith.constant 0 : i32
        %dma_wait3A_26 = tpu.memref_slice %arg6[%mul3A_22, %dma_wait3A] : memref<10000x16xf32, #tpu.memory_space<hbm>> -> memref<625x16xf32, #tpu.memory_space<hbm>>
        %dma_wait3A_27 = arith.constant 0 : i32
        %dma_wait3A_28 = tpu.memref_slice %arg8[%mul3A_20, %dma_wait3A_27] : memref<10000x16xf32, #tpu.memory_space<vmem_shared>> -> memref<625x16xf32, #tpu.memory_space<vmem_shared>>
        tpu.wait_dma2 semaphore(%run_scoped3A : memref<!tpu.dma_semaphore, #tpu.memory_space<semaphore_mem>>) src(%dma_wait3A_28 : memref<625x16xf32, #tpu.memory_space<vmem_shared>>) dst(%dma_wait3A_26 : memref<625x16xf32, #tpu.memory_space<hbm>>)
        tpu.yield
      }) : () -> ()
    } else {
    }
    %eq3A_14 = arith.constant 1 : i32
    %eq3A_15 = arith.cmpi eq, %arg0, %eq3A_14 : i32
    %convert_element_type3A_16 = arith.extui %eq3A_15 : i1 to i32
    %cond3A_17 = arith.constant 0 : i32
    %cond3A_18 = arith.cmpi ne, %convert_element_type3A_16, %cond3A_17 : i32
    scf.if %cond3A_18 {
      %mul3A_19 = arith.constant 625 : i32
      %mul3A_20 = arith.muli %mul3A_19, %arg1 : i32
      %mul3A_21 = arith.constant 625 : i32
      %mul3A_22 = arith.muli %mul3A_21, %arg1 : i32
      "tpu.region"() ({
        %run_scoped3A = tpu.sem_alloc : memref<!tpu.dma_semaphore, #tpu.memory_space<semaphore_mem>>
        %dma_start3A = arith.constant 0 : i32
        %dma_start3A_23 = tpu.memref_slice %arg7[%mul3A_22, %dma_start3A] : memref<10000x16xf32, #tpu.memory_space<hbm>> -> memref<625x16xf32, #tpu.memory_space<hbm>>
        %dma_start3A_24 = arith.constant 0 : i32
        %dma_start3A_25 = tpu.memref_slice %arg8[%mul3A_20, %dma_start3A_24] : memref<10000x16xf32, #tpu.memory_space<vmem_shared>> -> memref<625x16xf32, #tpu.memory_space<vmem_shared>>
        tpu.enqueue_dma source(%dma_start3A_25 : memref<625x16xf32, #tpu.memory_space<vmem_shared>>) target(%dma_start3A_23 : memref<625x16xf32, #tpu.memory_space<hbm>>) target_semaphore(%run_scoped3A : memref<!tpu.dma_semaphore, #tpu.memory_space<semaphore_mem>>)
        %dma_wait3A = arith.constant 0 : i32
        %dma_wait3A_26 = tpu.memref_slice %arg7[%mul3A_22, %dma_wait3A] : memref<10000x16xf32, #tpu.memory_space<hbm>> -> memref<625x16xf32, #tpu.memory_space<hbm>>
        %dma_wait3A_27 = arith.constant 0 : i32
        %dma_wait3A_28 = tpu.memref_slice %arg8[%mul3A_20, %dma_wait3A_27] : memref<10000x16xf32, #tpu.memory_space<vmem_shared>> -> memref<625x16xf32, #tpu.memory_space<vmem_shared>>
        tpu.wait_dma2 semaphore(%run_scoped3A : memref<!tpu.dma_semaphore, #tpu.memory_space<semaphore_mem>>) src(%dma_wait3A_28 : memref<625x16xf32, #tpu.memory_space<vmem_shared>>) dst(%dma_wait3A_26 : memref<625x16xf32, #tpu.memory_space<hbm>>)
        tpu.yield
      }) : () -> ()
    } else {
    }
    return
  }
}

#map = affine_map<(d0, d1) -> (0, 0)>
module attributes {stable_mosaic.version = 14 : i64} {
  func.func @body(%arg0: i32, %arg1: i32, %arg2: memref<320000x128xf32, #tpu.memory_space<hbm>>, %arg3: memref<4000x80xi32, #tpu.memory_space<hbm>>, %arg4: memref<4000x80xi32, #tpu.memory_space<hbm>>, %arg5: memref<625x64xf32, #tpu.memory_space<hbm>>, %arg6: memref<10000x128xf32, #tpu.memory_space<hbm>>, %arg7: memref<10000x128xf32, #tpu.memory_space<hbm>>, %arg8: memref<10000x64xf32, #tpu.memory_space<vmem_shared>>, %arg9: memref<10000x64xf32, #tpu.memory_space<vmem_shared>>, %arg10: memref<125x80xi32, #tpu.memory_space<vmem>>, %arg11: memref<125x80xi32, #tpu.memory_space<vmem>>, %arg12: memref<80x64xf32, #tpu.memory_space<vmem>>, %arg13: memref<80x64xf32, #tpu.memory_space<vmem>>, %arg14: memref<!tpu.dma_semaphore, #tpu.memory_space<semaphore_mem>>, %arg15: memref<!tpu.dma_semaphore, #tpu.memory_space<semaphore_mem>>, %arg16: memref<!tpu.dma_semaphore, #tpu.memory_space<semaphore_mem>>) attributes {dimension_semantics = [#tpu.dimension_semantics<core_parallel>, #tpu.dimension_semantics<subcore_parallel>], iteration_bounds = array<i64: 2, 16>, scalar_prefetch = 0 : i64, scratch_operands = 9 : i64, tpu.core_type = #tpu.core_type<sc_vector_subcore>, window_params = [{transform_indices = #map}, {transform_indices = #map}, {transform_indices = #map}, {transform_indices = #map}, {transform_indices = #map}, {transform_indices = #map}]} {
    %mul3A = arith.constant 64 : i32
    %mul3A_0 = arith.muli %arg0, %mul3A : i32
    %mul3A_1 = arith.constant 625 : i32
    %mul3A_2 = arith.muli %mul3A_1, %arg1 : i32
    %dma_start3A = arith.constant 0 : i32
    %dma_start3A_3 = tpu.memref_slice %arg8[%mul3A_2, %dma_start3A] : memref<10000x64xf32, #tpu.memory_space<vmem_shared>> -> memref<625x64xf32, #tpu.memory_space<vmem_shared>>
    tpu.enqueue_dma source(%arg5 : memref<625x64xf32, #tpu.memory_space<hbm>>) target(%dma_start3A_3 : memref<625x64xf32, #tpu.memory_space<vmem_shared>>) target_semaphore(%arg16 : memref<!tpu.dma_semaphore, #tpu.memory_space<semaphore_mem>>)
    %mul3A_4 = arith.constant 625 : i32
    %mul3A_5 = arith.muli %mul3A_4, %arg1 : i32
    %dma_start3A_6 = arith.constant 0 : i32
    %dma_start3A_7 = tpu.memref_slice %arg9[%mul3A_5, %dma_start3A_6] : memref<10000x64xf32, #tpu.memory_space<vmem_shared>> -> memref<625x64xf32, #tpu.memory_space<vmem_shared>>
    tpu.enqueue_dma source(%arg5 : memref<625x64xf32, #tpu.memory_space<hbm>>) target(%dma_start3A_7 : memref<625x64xf32, #tpu.memory_space<vmem_shared>>) target_semaphore(%arg16 : memref<!tpu.dma_semaphore, #tpu.memory_space<semaphore_mem>>)
    %mul3A_8 = arith.constant 250 : i32
    %mul3A_9 = arith.muli %arg1, %mul3A_8 : i32
    %add3A = arith.constant 0 : i32
    %add3A_10 = arith.addi %mul3A_9, %add3A : i32
    "tpu.region"() ({
      %run_scoped3A = tpu.sem_alloc : memref<!tpu.dma_semaphore, #tpu.memory_space<semaphore_mem>>
      %dma_start3A_61 = arith.constant 0 : i32
      %dma_start3A_62 = tpu.memref_slice %arg3[%add3A_10, %dma_start3A_61] : memref<4000x80xi32, #tpu.memory_space<hbm>> -> memref<125x80xi32, #tpu.memory_space<hbm>>
      %dma_start3A_63 = arith.constant 0 : i32
      %dma_start3A_64 = tpu.memref_slice %arg3[%add3A_10, %dma_start3A_63] : memref<4000x80xi32, #tpu.memory_space<hbm>> -> memref<125x80xi32, #tpu.memory_space<hbm>>
      tpu.enqueue_dma source(%dma_start3A_64 : memref<125x80xi32, #tpu.memory_space<hbm>>) target(%arg10 : memref<125x80xi32, #tpu.memory_space<vmem>>) target_semaphore(%run_scoped3A : memref<!tpu.dma_semaphore, #tpu.memory_space<semaphore_mem>>)
      %dma_wait3A_65 = arith.constant 0 : i32
      %dma_wait3A_66 = tpu.memref_slice %arg3[%add3A_10, %dma_wait3A_65] : memref<4000x80xi32, #tpu.memory_space<hbm>> -> memref<125x80xi32, #tpu.memory_space<hbm>>
      %dma_wait3A_67 = arith.constant 0 : i32
      %dma_wait3A_68 = tpu.memref_slice %arg3[%add3A_10, %dma_wait3A_67] : memref<4000x80xi32, #tpu.memory_space<hbm>> -> memref<125x80xi32, #tpu.memory_space<hbm>>
      tpu.wait_dma2 semaphore(%run_scoped3A : memref<!tpu.dma_semaphore, #tpu.memory_space<semaphore_mem>>) src(%dma_wait3A_68 : memref<125x80xi32, #tpu.memory_space<hbm>>) dst(%arg10 : memref<125x80xi32, #tpu.memory_space<vmem>>)
      tpu.yield
    }) : () -> ()
    "tpu.region"() ({
      %run_scoped3A = tpu.sem_alloc : memref<!tpu.dma_semaphore, #tpu.memory_space<semaphore_mem>>
      %dma_start3A_61 = arith.constant 0 : i32
      %dma_start3A_62 = tpu.memref_slice %arg4[%add3A_10, %dma_start3A_61] : memref<4000x80xi32, #tpu.memory_space<hbm>> -> memref<125x80xi32, #tpu.memory_space<hbm>>
      %dma_start3A_63 = arith.constant 0 : i32
      %dma_start3A_64 = tpu.memref_slice %arg4[%add3A_10, %dma_start3A_63] : memref<4000x80xi32, #tpu.memory_space<hbm>> -> memref<125x80xi32, #tpu.memory_space<hbm>>
      tpu.enqueue_dma source(%dma_start3A_64 : memref<125x80xi32, #tpu.memory_space<hbm>>) target(%arg11 : memref<125x80xi32, #tpu.memory_space<vmem>>) target_semaphore(%run_scoped3A : memref<!tpu.dma_semaphore, #tpu.memory_space<semaphore_mem>>)
      %dma_wait3A_65 = arith.constant 0 : i32
      %dma_wait3A_66 = tpu.memref_slice %arg4[%add3A_10, %dma_wait3A_65] : memref<4000x80xi32, #tpu.memory_space<hbm>> -> memref<125x80xi32, #tpu.memory_space<hbm>>
      %dma_wait3A_67 = arith.constant 0 : i32
      %dma_wait3A_68 = tpu.memref_slice %arg4[%add3A_10, %dma_wait3A_67] : memref<4000x80xi32, #tpu.memory_space<hbm>> -> memref<125x80xi32, #tpu.memory_space<hbm>>
      tpu.wait_dma2 semaphore(%run_scoped3A : memref<!tpu.dma_semaphore, #tpu.memory_space<semaphore_mem>>) src(%dma_wait3A_68 : memref<125x80xi32, #tpu.memory_space<hbm>>) dst(%arg11 : memref<125x80xi32, #tpu.memory_space<vmem>>)
      tpu.yield
    }) : () -> ()
    %mul3A_11 = arith.constant 250 : i32
    %mul3A_12 = arith.muli %arg1, %mul3A_11 : i32
    %add3A_13 = arith.constant 0 : i32
    %add3A_14 = arith.addi %mul3A_12, %add3A_13 : i32
    %mul3A_15 = arith.constant 80 : i32
    %mul3A_16 = arith.muli %add3A_14, %mul3A_15 : i32
    %dma_start3A_17 = tpu.memref_slice %arg2[%mul3A_16, %mul3A_0] : memref<320000x128xf32, #tpu.memory_space<hbm>> -> memref<80x64xf32, #tpu.memory_space<hbm>>
    %dma_start3A_18 = tpu.memref_slice %arg2[%mul3A_16, %mul3A_0] : memref<320000x128xf32, #tpu.memory_space<hbm>> -> memref<80x64xf32, #tpu.memory_space<hbm>>
    tpu.enqueue_dma source(%dma_start3A_18 : memref<80x64xf32, #tpu.memory_space<hbm>>) target(%arg12 : memref<80x64xf32, #tpu.memory_space<vmem>>) target_semaphore(%arg14 : memref<!tpu.dma_semaphore, #tpu.memory_space<semaphore_mem>>)
    %dma_wait3A = arith.constant 0 : i32
    %dma_wait3A_19 = tpu.memref_slice %arg8[%mul3A_2, %dma_wait3A] : memref<10000x64xf32, #tpu.memory_space<vmem_shared>> -> memref<625x64xf32, #tpu.memory_space<vmem_shared>>
    tpu.wait_dma2 semaphore(%arg16 : memref<!tpu.dma_semaphore, #tpu.memory_space<semaphore_mem>>) src(%arg5 : memref<625x64xf32, #tpu.memory_space<hbm>>) dst(%dma_wait3A_19 : memref<625x64xf32, #tpu.memory_space<vmem_shared>>)
    %dma_wait3A_20 = arith.constant 0 : i32
    %dma_wait3A_21 = tpu.memref_slice %arg9[%mul3A_5, %dma_wait3A_20] : memref<10000x64xf32, #tpu.memory_space<vmem_shared>> -> memref<625x64xf32, #tpu.memory_space<vmem_shared>>
    tpu.wait_dma2 semaphore(%arg16 : memref<!tpu.dma_semaphore, #tpu.memory_space<semaphore_mem>>) src(%arg5 : memref<625x64xf32, #tpu.memory_space<hbm>>) dst(%dma_wait3A_21 : memref<625x64xf32, #tpu.memory_space<vmem_shared>>)
    %barrier3A = arith.constant 0 : index
    tpu.barrier barrier_id(%barrier3A)
    %scan3A = arith.constant 0 : i32
    %scan3A_22 = arith.constant 0 : i32
    %scan3A_23 = arith.constant 125 : i32
    %scan3A_24 = arith.addi %scan3A_22, %scan3A_23 : i32
    %scan3A_25 = arith.constant 1 : i32
    %scan3A_26 = scf.for %scan3A_61 = %scan3A_22 to %scan3A_24 step %scan3A_25 iter_args(%scan3A_62 = %scan3A) -> (i32)  : i32 {
      %mul3A_63 = arith.constant 2 : i32
      %mul3A_64 = arith.muli %mul3A_63, %scan3A_61 : i32
      %add3A_65 = arith.constant 0 : i32
      %add3A_66 = arith.addi %mul3A_64, %add3A_65 : i32
      %gt3A = arith.constant 0 : i32
      %gt3A_67 = arith.cmpi sgt, %add3A_66, %gt3A : i32
      %convert_element_type3A = arith.extui %gt3A_67 : i1 to i32
      %cond3A = arith.constant 0 : i32
      %cond3A_68 = arith.cmpi ne, %convert_element_type3A, %cond3A : i32
      scf.if %cond3A_68 {
        %dma_wait3A_137 = arith.constant 0 : i32
        %dma_wait3A_138 = arith.constant 0 : i32
        %dma_wait3A_139 = tpu.memref_slice %arg8[%dma_wait3A_137, %dma_wait3A_138] : memref<10000x64xf32, #tpu.memory_space<vmem_shared>> -> memref<80x64xf32, #tpu.memory_space<vmem_shared>>
        %dma_wait3A_140 = arith.constant 0 : i32
        %dma_wait3A_141 = arith.constant 0 : i32
        %dma_wait3A_142 = tpu.memref_slice %arg8[%dma_wait3A_140, %dma_wait3A_141] : memref<10000x64xf32, #tpu.memory_space<vmem_shared>> -> memref<80x64xf32, #tpu.memory_space<vmem_shared>>
        tpu.wait_dma2 semaphore(%arg15 : memref<!tpu.dma_semaphore, #tpu.memory_space<semaphore_mem>>) src(%arg13 : memref<80x64xf32, #tpu.memory_space<vmem>>) dst(%dma_wait3A_142 : memref<80x64xf32, #tpu.memory_space<vmem_shared>>)
        %dma_wait3A_143 = arith.constant 0 : i32
        %dma_wait3A_144 = arith.constant 0 : i32
        %dma_wait3A_145 = tpu.memref_slice %arg9[%dma_wait3A_143, %dma_wait3A_144] : memref<10000x64xf32, #tpu.memory_space<vmem_shared>> -> memref<80x64xf32, #tpu.memory_space<vmem_shared>>
        %dma_wait3A_146 = arith.constant 0 : i32
        %dma_wait3A_147 = arith.constant 0 : i32
        %dma_wait3A_148 = tpu.memref_slice %arg9[%dma_wait3A_146, %dma_wait3A_147] : memref<10000x64xf32, #tpu.memory_space<vmem_shared>> -> memref<80x64xf32, #tpu.memory_space<vmem_shared>>
        tpu.wait_dma2 semaphore(%arg15 : memref<!tpu.dma_semaphore, #tpu.memory_space<semaphore_mem>>) src(%arg13 : memref<80x64xf32, #tpu.memory_space<vmem>>) dst(%dma_wait3A_148 : memref<80x64xf32, #tpu.memory_space<vmem_shared>>)
      } else {
      }
      %ge3A = arith.constant 125 : i32
      %ge3A_69 = arith.cmpi sge, %add3A_66, %ge3A : i32
      %sub3A = arith.constant 125 : i32
      %sub3A_70 = arith.subi %add3A_66, %sub3A : i32
      %select_n3A = arith.select %ge3A_69, %sub3A_70, %add3A_66 : i32
      %mul3A_71 = arith.constant 250 : i32
      %mul3A_72 = arith.muli %arg1, %mul3A_71 : i32
      %add3A_73 = arith.addi %mul3A_72, %add3A_66 : i32
      %mul3A_74 = arith.constant 80 : i32
      %mul3A_75 = arith.muli %add3A_73, %mul3A_74 : i32
      %dma_wait3A_76 = tpu.memref_slice %arg2[%mul3A_75, %mul3A_0] : memref<320000x128xf32, #tpu.memory_space<hbm>> -> memref<80x64xf32, #tpu.memory_space<hbm>>
      %dma_wait3A_77 = tpu.memref_slice %arg2[%mul3A_75, %mul3A_0] : memref<320000x128xf32, #tpu.memory_space<hbm>> -> memref<80x64xf32, #tpu.memory_space<hbm>>
      tpu.wait_dma2 semaphore(%arg14 : memref<!tpu.dma_semaphore, #tpu.memory_space<semaphore_mem>>) src(%dma_wait3A_77 : memref<80x64xf32, #tpu.memory_space<hbm>>) dst(%arg12 : memref<80x64xf32, #tpu.memory_space<vmem>>)
      %lt3A = arith.constant 249 : i32
      %lt3A_78 = arith.cmpi slt, %add3A_66, %lt3A : i32
      %convert_element_type3A_79 = arith.extui %lt3A_78 : i1 to i32
      %cond3A_80 = arith.constant 0 : i32
      %cond3A_81 = arith.cmpi ne, %convert_element_type3A_79, %cond3A_80 : i32
      scf.if %cond3A_81 {
        %add3A_137 = arith.constant 1 : i32
        %add3A_138 = arith.addi %add3A_66, %add3A_137 : i32
        %mul3A_139 = arith.constant 250 : i32
        %mul3A_140 = arith.muli %arg1, %mul3A_139 : i32
        %add3A_141 = arith.addi %mul3A_140, %add3A_138 : i32
        %mul3A_142 = arith.constant 80 : i32
        %mul3A_143 = arith.muli %add3A_141, %mul3A_142 : i32
        %dma_start3A_144 = tpu.memref_slice %arg2[%mul3A_143, %mul3A_0] : memref<320000x128xf32, #tpu.memory_space<hbm>> -> memref<80x64xf32, #tpu.memory_space<hbm>>
        %dma_start3A_145 = tpu.memref_slice %arg2[%mul3A_143, %mul3A_0] : memref<320000x128xf32, #tpu.memory_space<hbm>> -> memref<80x64xf32, #tpu.memory_space<hbm>>
        tpu.enqueue_dma source(%dma_start3A_145 : memref<80x64xf32, #tpu.memory_space<hbm>>) target(%arg13 : memref<80x64xf32, #tpu.memory_space<vmem>>) target_semaphore(%arg14 : memref<!tpu.dma_semaphore, #tpu.memory_space<semaphore_mem>>)
      } else {
      }
      %dma_start3A_82 = arith.constant 0 : i32
      %dma_start3A_83 = tpu.memref_slice %arg10[%select_n3A, %dma_start3A_82] : memref<125x80xi32, #tpu.memory_space<vmem>> -> memref<1x80xi32, #tpu.memory_space<vmem>>
      %dma_start3A_84 = tpu.memref_squeeze %dma_start3A_83 : memref<1x80xi32, #tpu.memory_space<vmem>> -> memref<80xi32, #tpu.memory_space<vmem>>
      %dma_start3A_85 = arith.constant 0 : i32
      %dma_start3A_86 = arith.constant 0 : i32
      %dma_start3A_87 = tpu.memref_slice %arg8[%dma_start3A_85, %dma_start3A_86] : memref<10000x64xf32, #tpu.memory_space<vmem_shared>> -> memref<10000x64xf32, #tpu.memory_space<vmem_shared>>
      tpu.enqueue_indirect_dma source(%arg12 : memref<80x64xf32, #tpu.memory_space<vmem>>) target(%dma_start3A_87 : memref<10000x64xf32, #tpu.memory_space<vmem_shared>>) offsets(%dma_start3A_84 : memref<80xi32, #tpu.memory_space<vmem>>) semaphore(%arg15 : memref<!tpu.dma_semaphore, #tpu.memory_space<semaphore_mem>>) {add = true}
      %dma_start3A_88 = arith.constant 0 : i32
      %dma_start3A_89 = tpu.memref_slice %arg11[%select_n3A, %dma_start3A_88] : memref<125x80xi32, #tpu.memory_space<vmem>> -> memref<1x80xi32, #tpu.memory_space<vmem>>
      %dma_start3A_90 = tpu.memref_squeeze %dma_start3A_89 : memref<1x80xi32, #tpu.memory_space<vmem>> -> memref<80xi32, #tpu.memory_space<vmem>>
      %dma_start3A_91 = arith.constant 0 : i32
      %dma_start3A_92 = arith.constant 0 : i32
      %dma_start3A_93 = tpu.memref_slice %arg9[%dma_start3A_91, %dma_start3A_92] : memref<10000x64xf32, #tpu.memory_space<vmem_shared>> -> memref<10000x64xf32, #tpu.memory_space<vmem_shared>>
      tpu.enqueue_indirect_dma source(%arg12 : memref<80x64xf32, #tpu.memory_space<vmem>>) target(%dma_start3A_93 : memref<10000x64xf32, #tpu.memory_space<vmem_shared>>) offsets(%dma_start3A_90 : memref<80xi32, #tpu.memory_space<vmem>>) semaphore(%arg15 : memref<!tpu.dma_semaphore, #tpu.memory_space<semaphore_mem>>) {add = true}
      %mul3A_94 = arith.constant 2 : i32
      %mul3A_95 = arith.muli %mul3A_94, %scan3A_61 : i32
      %add3A_96 = arith.constant 1 : i32
      %add3A_97 = arith.addi %mul3A_95, %add3A_96 : i32
      %gt3A_98 = arith.constant 0 : i32
      %gt3A_99 = arith.cmpi sgt, %add3A_97, %gt3A_98 : i32
      %convert_element_type3A_100 = arith.extui %gt3A_99 : i1 to i32
      %cond3A_101 = arith.constant 0 : i32
      %cond3A_102 = arith.cmpi ne, %convert_element_type3A_100, %cond3A_101 : i32
      scf.if %cond3A_102 {
        %dma_wait3A_137 = arith.constant 0 : i32
        %dma_wait3A_138 = arith.constant 0 : i32
        %dma_wait3A_139 = tpu.memref_slice %arg8[%dma_wait3A_137, %dma_wait3A_138] : memref<10000x64xf32, #tpu.memory_space<vmem_shared>> -> memref<80x64xf32, #tpu.memory_space<vmem_shared>>
        %dma_wait3A_140 = arith.constant 0 : i32
        %dma_wait3A_141 = arith.constant 0 : i32
        %dma_wait3A_142 = tpu.memref_slice %arg8[%dma_wait3A_140, %dma_wait3A_141] : memref<10000x64xf32, #tpu.memory_space<vmem_shared>> -> memref<80x64xf32, #tpu.memory_space<vmem_shared>>
        tpu.wait_dma2 semaphore(%arg15 : memref<!tpu.dma_semaphore, #tpu.memory_space<semaphore_mem>>) src(%arg12 : memref<80x64xf32, #tpu.memory_space<vmem>>) dst(%dma_wait3A_142 : memref<80x64xf32, #tpu.memory_space<vmem_shared>>)
        %dma_wait3A_143 = arith.constant 0 : i32
        %dma_wait3A_144 = arith.constant 0 : i32
        %dma_wait3A_145 = tpu.memref_slice %arg9[%dma_wait3A_143, %dma_wait3A_144] : memref<10000x64xf32, #tpu.memory_space<vmem_shared>> -> memref<80x64xf32, #tpu.memory_space<vmem_shared>>
        %dma_wait3A_146 = arith.constant 0 : i32
        %dma_wait3A_147 = arith.constant 0 : i32
        %dma_wait3A_148 = tpu.memref_slice %arg9[%dma_wait3A_146, %dma_wait3A_147] : memref<10000x64xf32, #tpu.memory_space<vmem_shared>> -> memref<80x64xf32, #tpu.memory_space<vmem_shared>>
        tpu.wait_dma2 semaphore(%arg15 : memref<!tpu.dma_semaphore, #tpu.memory_space<semaphore_mem>>) src(%arg12 : memref<80x64xf32, #tpu.memory_space<vmem>>) dst(%dma_wait3A_148 : memref<80x64xf32, #tpu.memory_space<vmem_shared>>)
      } else {
      }
      %eq3A = arith.constant 125 : i32
      %eq3A_103 = arith.cmpi eq, %add3A_97, %eq3A : i32
      %convert_element_type3A_104 = arith.extui %eq3A_103 : i1 to i32
      %cond3A_105 = arith.constant 0 : i32
      %cond3A_106 = arith.cmpi ne, %convert_element_type3A_104, %cond3A_105 : i32
      scf.if %cond3A_106 {
        %mul3A_137 = arith.constant 250 : i32
        %mul3A_138 = arith.muli %arg1, %mul3A_137 : i32
        %add3A_139 = arith.constant 125 : i32
        %add3A_140 = arith.addi %mul3A_138, %add3A_139 : i32
        "tpu.region"() ({
          %run_scoped3A = tpu.sem_alloc : memref<!tpu.dma_semaphore, #tpu.memory_space<semaphore_mem>>
          %dma_start3A_141 = arith.constant 0 : i32
          %dma_start3A_142 = tpu.memref_slice %arg3[%add3A_140, %dma_start3A_141] : memref<4000x80xi32, #tpu.memory_space<hbm>> -> memref<125x80xi32, #tpu.memory_space<hbm>>
          %dma_start3A_143 = arith.constant 0 : i32
          %dma_start3A_144 = tpu.memref_slice %arg3[%add3A_140, %dma_start3A_143] : memref<4000x80xi32, #tpu.memory_space<hbm>> -> memref<125x80xi32, #tpu.memory_space<hbm>>
          tpu.enqueue_dma source(%dma_start3A_144 : memref<125x80xi32, #tpu.memory_space<hbm>>) target(%arg10 : memref<125x80xi32, #tpu.memory_space<vmem>>) target_semaphore(%run_scoped3A : memref<!tpu.dma_semaphore, #tpu.memory_space<semaphore_mem>>)
          %dma_wait3A_145 = arith.constant 0 : i32
          %dma_wait3A_146 = tpu.memref_slice %arg3[%add3A_140, %dma_wait3A_145] : memref<4000x80xi32, #tpu.memory_space<hbm>> -> memref<125x80xi32, #tpu.memory_space<hbm>>
          %dma_wait3A_147 = arith.constant 0 : i32
          %dma_wait3A_148 = tpu.memref_slice %arg3[%add3A_140, %dma_wait3A_147] : memref<4000x80xi32, #tpu.memory_space<hbm>> -> memref<125x80xi32, #tpu.memory_space<hbm>>
          tpu.wait_dma2 semaphore(%run_scoped3A : memref<!tpu.dma_semaphore, #tpu.memory_space<semaphore_mem>>) src(%dma_wait3A_148 : memref<125x80xi32, #tpu.memory_space<hbm>>) dst(%arg10 : memref<125x80xi32, #tpu.memory_space<vmem>>)
          tpu.yield
        }) : () -> ()
        "tpu.region"() ({
          %run_scoped3A = tpu.sem_alloc : memref<!tpu.dma_semaphore, #tpu.memory_space<semaphore_mem>>
          %dma_start3A_141 = arith.constant 0 : i32
          %dma_start3A_142 = tpu.memref_slice %arg4[%add3A_140, %dma_start3A_141] : memref<4000x80xi32, #tpu.memory_space<hbm>> -> memref<125x80xi32, #tpu.memory_space<hbm>>
          %dma_start3A_143 = arith.constant 0 : i32
          %dma_start3A_144 = tpu.memref_slice %arg4[%add3A_140, %dma_start3A_143] : memref<4000x80xi32, #tpu.memory_space<hbm>> -> memref<125x80xi32, #tpu.memory_space<hbm>>
          tpu.enqueue_dma source(%dma_start3A_144 : memref<125x80xi32, #tpu.memory_space<hbm>>) target(%arg11 : memref<125x80xi32, #tpu.memory_space<vmem>>) target_semaphore(%run_scoped3A : memref<!tpu.dma_semaphore, #tpu.memory_space<semaphore_mem>>)
          %dma_wait3A_145 = arith.constant 0 : i32
          %dma_wait3A_146 = tpu.memref_slice %arg4[%add3A_140, %dma_wait3A_145] : memref<4000x80xi32, #tpu.memory_space<hbm>> -> memref<125x80xi32, #tpu.memory_space<hbm>>
          %dma_wait3A_147 = arith.constant 0 : i32
          %dma_wait3A_148 = tpu.memref_slice %arg4[%add3A_140, %dma_wait3A_147] : memref<4000x80xi32, #tpu.memory_space<hbm>> -> memref<125x80xi32, #tpu.memory_space<hbm>>
          tpu.wait_dma2 semaphore(%run_scoped3A : memref<!tpu.dma_semaphore, #tpu.memory_space<semaphore_mem>>) src(%dma_wait3A_148 : memref<125x80xi32, #tpu.memory_space<hbm>>) dst(%arg11 : memref<125x80xi32, #tpu.memory_space<vmem>>)
          tpu.yield
        }) : () -> ()
      } else {
      }
      %ge3A_107 = arith.constant 125 : i32
      %ge3A_108 = arith.cmpi sge, %add3A_97, %ge3A_107 : i32
      %sub3A_109 = arith.constant 125 : i32
      %sub3A_110 = arith.subi %add3A_97, %sub3A_109 : i32
      %select_n3A_111 = arith.select %ge3A_108, %sub3A_110, %add3A_97 : i32
      %mul3A_112 = arith.constant 250 : i32
      %mul3A_113 = arith.muli %arg1, %mul3A_112 : i32
      %add3A_114 = arith.addi %mul3A_113, %add3A_97 : i32
      %mul3A_115 = arith.constant 80 : i32
      %mul3A_116 = arith.muli %add3A_114, %mul3A_115 : i32
      %dma_wait3A_117 = tpu.memref_slice %arg2[%mul3A_116, %mul3A_0] : memref<320000x128xf32, #tpu.memory_space<hbm>> -> memref<80x64xf32, #tpu.memory_space<hbm>>
      %dma_wait3A_118 = tpu.memref_slice %arg2[%mul3A_116, %mul3A_0] : memref<320000x128xf32, #tpu.memory_space<hbm>> -> memref<80x64xf32, #tpu.memory_space<hbm>>
      tpu.wait_dma2 semaphore(%arg14 : memref<!tpu.dma_semaphore, #tpu.memory_space<semaphore_mem>>) src(%dma_wait3A_118 : memref<80x64xf32, #tpu.memory_space<hbm>>) dst(%arg13 : memref<80x64xf32, #tpu.memory_space<vmem>>)
      %lt3A_119 = arith.constant 249 : i32
      %lt3A_120 = arith.cmpi slt, %add3A_97, %lt3A_119 : i32
      %convert_element_type3A_121 = arith.extui %lt3A_120 : i1 to i32
      %cond3A_122 = arith.constant 0 : i32
      %cond3A_123 = arith.cmpi ne, %convert_element_type3A_121, %cond3A_122 : i32
      scf.if %cond3A_123 {
        %add3A_137 = arith.constant 1 : i32
        %add3A_138 = arith.addi %add3A_97, %add3A_137 : i32
        %mul3A_139 = arith.constant 250 : i32
        %mul3A_140 = arith.muli %arg1, %mul3A_139 : i32
        %add3A_141 = arith.addi %mul3A_140, %add3A_138 : i32
        %mul3A_142 = arith.constant 80 : i32
        %mul3A_143 = arith.muli %add3A_141, %mul3A_142 : i32
        %dma_start3A_144 = tpu.memref_slice %arg2[%mul3A_143, %mul3A_0] : memref<320000x128xf32, #tpu.memory_space<hbm>> -> memref<80x64xf32, #tpu.memory_space<hbm>>
        %dma_start3A_145 = tpu.memref_slice %arg2[%mul3A_143, %mul3A_0] : memref<320000x128xf32, #tpu.memory_space<hbm>> -> memref<80x64xf32, #tpu.memory_space<hbm>>
        tpu.enqueue_dma source(%dma_start3A_145 : memref<80x64xf32, #tpu.memory_space<hbm>>) target(%arg12 : memref<80x64xf32, #tpu.memory_space<vmem>>) target_semaphore(%arg14 : memref<!tpu.dma_semaphore, #tpu.memory_space<semaphore_mem>>)
      } else {
      }
      %dma_start3A_124 = arith.constant 0 : i32
      %dma_start3A_125 = tpu.memref_slice %arg10[%select_n3A_111, %dma_start3A_124] : memref<125x80xi32, #tpu.memory_space<vmem>> -> memref<1x80xi32, #tpu.memory_space<vmem>>
      %dma_start3A_126 = tpu.memref_squeeze %dma_start3A_125 : memref<1x80xi32, #tpu.memory_space<vmem>> -> memref<80xi32, #tpu.memory_space<vmem>>
      %dma_start3A_127 = arith.constant 0 : i32
      %dma_start3A_128 = arith.constant 0 : i32
      %dma_start3A_129 = tpu.memref_slice %arg8[%dma_start3A_127, %dma_start3A_128] : memref<10000x64xf32, #tpu.memory_space<vmem_shared>> -> memref<10000x64xf32, #tpu.memory_space<vmem_shared>>
      tpu.enqueue_indirect_dma source(%arg13 : memref<80x64xf32, #tpu.memory_space<vmem>>) target(%dma_start3A_129 : memref<10000x64xf32, #tpu.memory_space<vmem_shared>>) offsets(%dma_start3A_126 : memref<80xi32, #tpu.memory_space<vmem>>) semaphore(%arg15 : memref<!tpu.dma_semaphore, #tpu.memory_space<semaphore_mem>>) {add = true}
      %dma_start3A_130 = arith.constant 0 : i32
      %dma_start3A_131 = tpu.memref_slice %arg11[%select_n3A_111, %dma_start3A_130] : memref<125x80xi32, #tpu.memory_space<vmem>> -> memref<1x80xi32, #tpu.memory_space<vmem>>
      %dma_start3A_132 = tpu.memref_squeeze %dma_start3A_131 : memref<1x80xi32, #tpu.memory_space<vmem>> -> memref<80xi32, #tpu.memory_space<vmem>>
      %dma_start3A_133 = arith.constant 0 : i32
      %dma_start3A_134 = arith.constant 0 : i32
      %dma_start3A_135 = tpu.memref_slice %arg9[%dma_start3A_133, %dma_start3A_134] : memref<10000x64xf32, #tpu.memory_space<vmem_shared>> -> memref<10000x64xf32, #tpu.memory_space<vmem_shared>>
      tpu.enqueue_indirect_dma source(%arg13 : memref<80x64xf32, #tpu.memory_space<vmem>>) target(%dma_start3A_135 : memref<10000x64xf32, #tpu.memory_space<vmem_shared>>) offsets(%dma_start3A_132 : memref<80xi32, #tpu.memory_space<vmem>>) semaphore(%arg15 : memref<!tpu.dma_semaphore, #tpu.memory_space<semaphore_mem>>) {add = true}
      %scan3A_136 = arith.constant 0 : i32
      scf.yield %scan3A_136 : i32
    }
    %scan3A_27 = arith.constant 125 : i32
    %dma_wait3A_28 = arith.constant 0 : i32
    %dma_wait3A_29 = arith.constant 0 : i32
    %dma_wait3A_30 = tpu.memref_slice %arg8[%dma_wait3A_28, %dma_wait3A_29] : memref<10000x64xf32, #tpu.memory_space<vmem_shared>> -> memref<80x64xf32, #tpu.memory_space<vmem_shared>>
    %dma_wait3A_31 = arith.constant 0 : i32
    %dma_wait3A_32 = arith.constant 0 : i32
    %dma_wait3A_33 = tpu.memref_slice %arg8[%dma_wait3A_31, %dma_wait3A_32] : memref<10000x64xf32, #tpu.memory_space<vmem_shared>> -> memref<80x64xf32, #tpu.memory_space<vmem_shared>>
    tpu.wait_dma2 semaphore(%arg15 : memref<!tpu.dma_semaphore, #tpu.memory_space<semaphore_mem>>) src(%arg13 : memref<80x64xf32, #tpu.memory_space<vmem>>) dst(%dma_wait3A_33 : memref<80x64xf32, #tpu.memory_space<vmem_shared>>)
    %dma_wait3A_34 = arith.constant 0 : i32
    %dma_wait3A_35 = arith.constant 0 : i32
    %dma_wait3A_36 = tpu.memref_slice %arg9[%dma_wait3A_34, %dma_wait3A_35] : memref<10000x64xf32, #tpu.memory_space<vmem_shared>> -> memref<80x64xf32, #tpu.memory_space<vmem_shared>>
    %dma_wait3A_37 = arith.constant 0 : i32
    %dma_wait3A_38 = arith.constant 0 : i32
    %dma_wait3A_39 = tpu.memref_slice %arg9[%dma_wait3A_37, %dma_wait3A_38] : memref<10000x64xf32, #tpu.memory_space<vmem_shared>> -> memref<80x64xf32, #tpu.memory_space<vmem_shared>>
    tpu.wait_dma2 semaphore(%arg15 : memref<!tpu.dma_semaphore, #tpu.memory_space<semaphore_mem>>) src(%arg13 : memref<80x64xf32, #tpu.memory_space<vmem>>) dst(%dma_wait3A_39 : memref<80x64xf32, #tpu.memory_space<vmem_shared>>)
    %barrier3A_40 = arith.constant 0 : index
    tpu.barrier barrier_id(%barrier3A_40)
    %mul3A_41 = arith.constant 625 : i32
    %mul3A_42 = arith.muli %mul3A_41, %arg1 : i32
    %mul3A_43 = arith.constant 625 : i32
    %mul3A_44 = arith.muli %mul3A_43, %arg1 : i32
    %dma_start3A_45 = tpu.memref_slice %arg6[%mul3A_44, %mul3A_0] : memref<10000x128xf32, #tpu.memory_space<hbm>> -> memref<625x64xf32, #tpu.memory_space<hbm>>
    %dma_start3A_46 = arith.constant 0 : i32
    %dma_start3A_47 = tpu.memref_slice %arg8[%mul3A_42, %dma_start3A_46] : memref<10000x64xf32, #tpu.memory_space<vmem_shared>> -> memref<625x64xf32, #tpu.memory_space<vmem_shared>>
    tpu.enqueue_dma source(%dma_start3A_47 : memref<625x64xf32, #tpu.memory_space<vmem_shared>>) target(%dma_start3A_45 : memref<625x64xf32, #tpu.memory_space<hbm>>) target_semaphore(%arg16 : memref<!tpu.dma_semaphore, #tpu.memory_space<semaphore_mem>>)
    %mul3A_48 = arith.constant 625 : i32
    %mul3A_49 = arith.muli %mul3A_48, %arg1 : i32
    %mul3A_50 = arith.constant 625 : i32
    %mul3A_51 = arith.muli %mul3A_50, %arg1 : i32
    %dma_start3A_52 = tpu.memref_slice %arg7[%mul3A_51, %mul3A_0] : memref<10000x128xf32, #tpu.memory_space<hbm>> -> memref<625x64xf32, #tpu.memory_space<hbm>>
    %dma_start3A_53 = arith.constant 0 : i32
    %dma_start3A_54 = tpu.memref_slice %arg9[%mul3A_49, %dma_start3A_53] : memref<10000x64xf32, #tpu.memory_space<vmem_shared>> -> memref<625x64xf32, #tpu.memory_space<vmem_shared>>
    tpu.enqueue_dma source(%dma_start3A_54 : memref<625x64xf32, #tpu.memory_space<vmem_shared>>) target(%dma_start3A_52 : memref<625x64xf32, #tpu.memory_space<hbm>>) target_semaphore(%arg16 : memref<!tpu.dma_semaphore, #tpu.memory_space<semaphore_mem>>)
    %dma_wait3A_55 = tpu.memref_slice %arg6[%mul3A_44, %mul3A_0] : memref<10000x128xf32, #tpu.memory_space<hbm>> -> memref<625x64xf32, #tpu.memory_space<hbm>>
    %dma_wait3A_56 = arith.constant 0 : i32
    %dma_wait3A_57 = tpu.memref_slice %arg8[%mul3A_42, %dma_wait3A_56] : memref<10000x64xf32, #tpu.memory_space<vmem_shared>> -> memref<625x64xf32, #tpu.memory_space<vmem_shared>>
    tpu.wait_dma2 semaphore(%arg16 : memref<!tpu.dma_semaphore, #tpu.memory_space<semaphore_mem>>) src(%dma_wait3A_57 : memref<625x64xf32, #tpu.memory_space<vmem_shared>>) dst(%dma_wait3A_55 : memref<625x64xf32, #tpu.memory_space<hbm>>)
    %dma_wait3A_58 = tpu.memref_slice %arg7[%mul3A_51, %mul3A_0] : memref<10000x128xf32, #tpu.memory_space<hbm>> -> memref<625x64xf32, #tpu.memory_space<hbm>>
    %dma_wait3A_59 = arith.constant 0 : i32
    %dma_wait3A_60 = tpu.memref_slice %arg9[%mul3A_49, %dma_wait3A_59] : memref<10000x64xf32, #tpu.memory_space<vmem_shared>> -> memref<625x64xf32, #tpu.memory_space<vmem_shared>>
    tpu.wait_dma2 semaphore(%arg16 : memref<!tpu.dma_semaphore, #tpu.memory_space<semaphore_mem>>) src(%dma_wait3A_60 : memref<625x64xf32, #tpu.memory_space<vmem_shared>>) dst(%dma_wait3A_58 : memref<625x64xf32, #tpu.memory_space<hbm>>)
    return
  }
}

#map = affine_map<(d0, d1) -> (0, 0)>
module attributes {stable_mosaic.version = 14 : i64} {
  func.func @body(%arg0: i32, %arg1: i32, %arg2: memref<320000x128xf32, #tpu.memory_space<hbm>>, %arg3: memref<320000x128xf32, #tpu.memory_space<hbm>>, %arg4: memref<4000x80xi32, #tpu.memory_space<hbm>>, %arg5: memref<4000x80xi32, #tpu.memory_space<hbm>>, %arg6: memref<625x64xf32, #tpu.memory_space<hbm>>, %arg7: memref<10000x128xf32, #tpu.memory_space<hbm>>, %arg8: memref<10000x128xf32, #tpu.memory_space<hbm>>, %arg9: memref<10000x128xf32, #tpu.memory_space<hbm>>, %arg10: memref<10000x128xf32, #tpu.memory_space<hbm>>, %arg11: memref<10000x64xf32, #tpu.memory_space<vmem_shared>>, %arg12: memref<10000x64xf32, #tpu.memory_space<vmem_shared>>, %arg13: memref<125x80xi32, #tpu.memory_space<vmem>>, %arg14: memref<125x80xi32, #tpu.memory_space<vmem>>, %arg15: memref<80x64xf32, #tpu.memory_space<vmem>>, %arg16: memref<80x64xf32, #tpu.memory_space<vmem>>, %arg17: memref<!tpu.dma_semaphore, #tpu.memory_space<semaphore_mem>>, %arg18: memref<!tpu.dma_semaphore, #tpu.memory_space<semaphore_mem>>, %arg19: memref<!tpu.dma_semaphore, #tpu.memory_space<semaphore_mem>>) attributes {dimension_semantics = [#tpu.dimension_semantics<core_parallel>, #tpu.dimension_semantics<subcore_parallel>], iteration_bounds = array<i64: 2, 16>, scalar_prefetch = 0 : i64, scratch_operands = 9 : i64, tpu.core_type = #tpu.core_type<sc_vector_subcore>, window_params = [{transform_indices = #map}, {transform_indices = #map}, {transform_indices = #map}, {transform_indices = #map}, {transform_indices = #map}, {transform_indices = #map}, {transform_indices = #map}, {transform_indices = #map}, {transform_indices = #map}]} {
    %mul3A = arith.constant 64 : i32
    %mul3A_0 = arith.muli %arg0, %mul3A : i32
    %mul3A_1 = arith.constant 625 : i32
    %mul3A_2 = arith.muli %mul3A_1, %arg1 : i32
    %dma_start3A = arith.constant 0 : i32
    %dma_start3A_3 = tpu.memref_slice %arg11[%mul3A_2, %dma_start3A] : memref<10000x64xf32, #tpu.memory_space<vmem_shared>> -> memref<625x64xf32, #tpu.memory_space<vmem_shared>>
    tpu.enqueue_dma source(%arg6 : memref<625x64xf32, #tpu.memory_space<hbm>>) target(%dma_start3A_3 : memref<625x64xf32, #tpu.memory_space<vmem_shared>>) target_semaphore(%arg19 : memref<!tpu.dma_semaphore, #tpu.memory_space<semaphore_mem>>)
    %mul3A_4 = arith.constant 625 : i32
    %mul3A_5 = arith.muli %mul3A_4, %arg1 : i32
    %dma_start3A_6 = arith.constant 0 : i32
    %dma_start3A_7 = tpu.memref_slice %arg12[%mul3A_5, %dma_start3A_6] : memref<10000x64xf32, #tpu.memory_space<vmem_shared>> -> memref<625x64xf32, #tpu.memory_space<vmem_shared>>
    tpu.enqueue_dma source(%arg6 : memref<625x64xf32, #tpu.memory_space<hbm>>) target(%dma_start3A_7 : memref<625x64xf32, #tpu.memory_space<vmem_shared>>) target_semaphore(%arg19 : memref<!tpu.dma_semaphore, #tpu.memory_space<semaphore_mem>>)
    %mul3A_8 = arith.constant 250 : i32
    %mul3A_9 = arith.muli %arg1, %mul3A_8 : i32
    %add3A = arith.constant 0 : i32
    %add3A_10 = arith.addi %mul3A_9, %add3A : i32
    "tpu.region"() ({
      %run_scoped3A = tpu.sem_alloc : memref<!tpu.dma_semaphore, #tpu.memory_space<semaphore_mem>>
      %dma_start3A_126 = arith.constant 0 : i32
      %dma_start3A_127 = tpu.memref_slice %arg4[%add3A_10, %dma_start3A_126] : memref<4000x80xi32, #tpu.memory_space<hbm>> -> memref<125x80xi32, #tpu.memory_space<hbm>>
      %dma_start3A_128 = arith.constant 0 : i32
      %dma_start3A_129 = tpu.memref_slice %arg4[%add3A_10, %dma_start3A_128] : memref<4000x80xi32, #tpu.memory_space<hbm>> -> memref<125x80xi32, #tpu.memory_space<hbm>>
      tpu.enqueue_dma source(%dma_start3A_129 : memref<125x80xi32, #tpu.memory_space<hbm>>) target(%arg13 : memref<125x80xi32, #tpu.memory_space<vmem>>) target_semaphore(%run_scoped3A : memref<!tpu.dma_semaphore, #tpu.memory_space<semaphore_mem>>)
      %dma_wait3A_130 = arith.constant 0 : i32
      %dma_wait3A_131 = tpu.memref_slice %arg4[%add3A_10, %dma_wait3A_130] : memref<4000x80xi32, #tpu.memory_space<hbm>> -> memref<125x80xi32, #tpu.memory_space<hbm>>
      %dma_wait3A_132 = arith.constant 0 : i32
      %dma_wait3A_133 = tpu.memref_slice %arg4[%add3A_10, %dma_wait3A_132] : memref<4000x80xi32, #tpu.memory_space<hbm>> -> memref<125x80xi32, #tpu.memory_space<hbm>>
      tpu.wait_dma2 semaphore(%run_scoped3A : memref<!tpu.dma_semaphore, #tpu.memory_space<semaphore_mem>>) src(%dma_wait3A_133 : memref<125x80xi32, #tpu.memory_space<hbm>>) dst(%arg13 : memref<125x80xi32, #tpu.memory_space<vmem>>)
      tpu.yield
    }) : () -> ()
    "tpu.region"() ({
      %run_scoped3A = tpu.sem_alloc : memref<!tpu.dma_semaphore, #tpu.memory_space<semaphore_mem>>
      %dma_start3A_126 = arith.constant 0 : i32
      %dma_start3A_127 = tpu.memref_slice %arg5[%add3A_10, %dma_start3A_126] : memref<4000x80xi32, #tpu.memory_space<hbm>> -> memref<125x80xi32, #tpu.memory_space<hbm>>
      %dma_start3A_128 = arith.constant 0 : i32
      %dma_start3A_129 = tpu.memref_slice %arg5[%add3A_10, %dma_start3A_128] : memref<4000x80xi32, #tpu.memory_space<hbm>> -> memref<125x80xi32, #tpu.memory_space<hbm>>
      tpu.enqueue_dma source(%dma_start3A_129 : memref<125x80xi32, #tpu.memory_space<hbm>>) target(%arg14 : memref<125x80xi32, #tpu.memory_space<vmem>>) target_semaphore(%run_scoped3A : memref<!tpu.dma_semaphore, #tpu.memory_space<semaphore_mem>>)
      %dma_wait3A_130 = arith.constant 0 : i32
      %dma_wait3A_131 = tpu.memref_slice %arg5[%add3A_10, %dma_wait3A_130] : memref<4000x80xi32, #tpu.memory_space<hbm>> -> memref<125x80xi32, #tpu.memory_space<hbm>>
      %dma_wait3A_132 = arith.constant 0 : i32
      %dma_wait3A_133 = tpu.memref_slice %arg5[%add3A_10, %dma_wait3A_132] : memref<4000x80xi32, #tpu.memory_space<hbm>> -> memref<125x80xi32, #tpu.memory_space<hbm>>
      tpu.wait_dma2 semaphore(%run_scoped3A : memref<!tpu.dma_semaphore, #tpu.memory_space<semaphore_mem>>) src(%dma_wait3A_133 : memref<125x80xi32, #tpu.memory_space<hbm>>) dst(%arg14 : memref<125x80xi32, #tpu.memory_space<vmem>>)
      tpu.yield
    }) : () -> ()
    %mul3A_11 = arith.constant 250 : i32
    %mul3A_12 = arith.muli %arg1, %mul3A_11 : i32
    %add3A_13 = arith.constant 0 : i32
    %add3A_14 = arith.addi %mul3A_12, %add3A_13 : i32
    %mul3A_15 = arith.constant 80 : i32
    %mul3A_16 = arith.muli %add3A_14, %mul3A_15 : i32
    %dma_start3A_17 = tpu.memref_slice %arg2[%mul3A_16, %mul3A_0] : memref<320000x128xf32, #tpu.memory_space<hbm>> -> memref<80x64xf32, #tpu.memory_space<hbm>>
    %dma_start3A_18 = tpu.memref_slice %arg2[%mul3A_16, %mul3A_0] : memref<320000x128xf32, #tpu.memory_space<hbm>> -> memref<80x64xf32, #tpu.memory_space<hbm>>
    tpu.enqueue_dma source(%dma_start3A_18 : memref<80x64xf32, #tpu.memory_space<hbm>>) target(%arg15 : memref<80x64xf32, #tpu.memory_space<vmem>>) target_semaphore(%arg17 : memref<!tpu.dma_semaphore, #tpu.memory_space<semaphore_mem>>)
    %dma_wait3A = arith.constant 0 : i32
    %dma_wait3A_19 = tpu.memref_slice %arg11[%mul3A_2, %dma_wait3A] : memref<10000x64xf32, #tpu.memory_space<vmem_shared>> -> memref<625x64xf32, #tpu.memory_space<vmem_shared>>
    tpu.wait_dma2 semaphore(%arg19 : memref<!tpu.dma_semaphore, #tpu.memory_space<semaphore_mem>>) src(%arg6 : memref<625x64xf32, #tpu.memory_space<hbm>>) dst(%dma_wait3A_19 : memref<625x64xf32, #tpu.memory_space<vmem_shared>>)
    %dma_wait3A_20 = arith.constant 0 : i32
    %dma_wait3A_21 = tpu.memref_slice %arg12[%mul3A_5, %dma_wait3A_20] : memref<10000x64xf32, #tpu.memory_space<vmem_shared>> -> memref<625x64xf32, #tpu.memory_space<vmem_shared>>
    tpu.wait_dma2 semaphore(%arg19 : memref<!tpu.dma_semaphore, #tpu.memory_space<semaphore_mem>>) src(%arg6 : memref<625x64xf32, #tpu.memory_space<hbm>>) dst(%dma_wait3A_21 : memref<625x64xf32, #tpu.memory_space<vmem_shared>>)
    %barrier3A = arith.constant 0 : index
    tpu.barrier barrier_id(%barrier3A)
    %scan3A = arith.constant 0 : i32
    %scan3A_22 = arith.constant 0 : i32
    %scan3A_23 = arith.constant 125 : i32
    %scan3A_24 = arith.addi %scan3A_22, %scan3A_23 : i32
    %scan3A_25 = arith.constant 1 : i32
    %scan3A_26 = scf.for %scan3A_126 = %scan3A_22 to %scan3A_24 step %scan3A_25 iter_args(%scan3A_127 = %scan3A) -> (i32)  : i32 {
      %mul3A_128 = arith.constant 2 : i32
      %mul3A_129 = arith.muli %mul3A_128, %scan3A_126 : i32
      %add3A_130 = arith.constant 0 : i32
      %add3A_131 = arith.addi %mul3A_129, %add3A_130 : i32
      %gt3A = arith.constant 0 : i32
      %gt3A_132 = arith.cmpi sgt, %add3A_131, %gt3A : i32
      %convert_element_type3A = arith.extui %gt3A_132 : i1 to i32
      %cond3A = arith.constant 0 : i32
      %cond3A_133 = arith.cmpi ne, %convert_element_type3A, %cond3A : i32
      scf.if %cond3A_133 {
        %dma_wait3A_202 = arith.constant 0 : i32
        %dma_wait3A_203 = arith.constant 0 : i32
        %dma_wait3A_204 = tpu.memref_slice %arg11[%dma_wait3A_202, %dma_wait3A_203] : memref<10000x64xf32, #tpu.memory_space<vmem_shared>> -> memref<80x64xf32, #tpu.memory_space<vmem_shared>>
        %dma_wait3A_205 = arith.constant 0 : i32
        %dma_wait3A_206 = arith.constant 0 : i32
        %dma_wait3A_207 = tpu.memref_slice %arg11[%dma_wait3A_205, %dma_wait3A_206] : memref<10000x64xf32, #tpu.memory_space<vmem_shared>> -> memref<80x64xf32, #tpu.memory_space<vmem_shared>>
        tpu.wait_dma2 semaphore(%arg18 : memref<!tpu.dma_semaphore, #tpu.memory_space<semaphore_mem>>) src(%arg16 : memref<80x64xf32, #tpu.memory_space<vmem>>) dst(%dma_wait3A_207 : memref<80x64xf32, #tpu.memory_space<vmem_shared>>)
        %dma_wait3A_208 = arith.constant 0 : i32
        %dma_wait3A_209 = arith.constant 0 : i32
        %dma_wait3A_210 = tpu.memref_slice %arg12[%dma_wait3A_208, %dma_wait3A_209] : memref<10000x64xf32, #tpu.memory_space<vmem_shared>> -> memref<80x64xf32, #tpu.memory_space<vmem_shared>>
        %dma_wait3A_211 = arith.constant 0 : i32
        %dma_wait3A_212 = arith.constant 0 : i32
        %dma_wait3A_213 = tpu.memref_slice %arg12[%dma_wait3A_211, %dma_wait3A_212] : memref<10000x64xf32, #tpu.memory_space<vmem_shared>> -> memref<80x64xf32, #tpu.memory_space<vmem_shared>>
        tpu.wait_dma2 semaphore(%arg18 : memref<!tpu.dma_semaphore, #tpu.memory_space<semaphore_mem>>) src(%arg16 : memref<80x64xf32, #tpu.memory_space<vmem>>) dst(%dma_wait3A_213 : memref<80x64xf32, #tpu.memory_space<vmem_shared>>)
      } else {
      }
      %ge3A = arith.constant 125 : i32
      %ge3A_134 = arith.cmpi sge, %add3A_131, %ge3A : i32
      %sub3A = arith.constant 125 : i32
      %sub3A_135 = arith.subi %add3A_131, %sub3A : i32
      %select_n3A = arith.select %ge3A_134, %sub3A_135, %add3A_131 : i32
      %mul3A_136 = arith.constant 250 : i32
      %mul3A_137 = arith.muli %arg1, %mul3A_136 : i32
      %add3A_138 = arith.addi %mul3A_137, %add3A_131 : i32
      %mul3A_139 = arith.constant 80 : i32
      %mul3A_140 = arith.muli %add3A_138, %mul3A_139 : i32
      %dma_wait3A_141 = tpu.memref_slice %arg2[%mul3A_140, %mul3A_0] : memref<320000x128xf32, #tpu.memory_space<hbm>> -> memref<80x64xf32, #tpu.memory_space<hbm>>
      %dma_wait3A_142 = tpu.memref_slice %arg2[%mul3A_140, %mul3A_0] : memref<320000x128xf32, #tpu.memory_space<hbm>> -> memref<80x64xf32, #tpu.memory_space<hbm>>
      tpu.wait_dma2 semaphore(%arg17 : memref<!tpu.dma_semaphore, #tpu.memory_space<semaphore_mem>>) src(%dma_wait3A_142 : memref<80x64xf32, #tpu.memory_space<hbm>>) dst(%arg15 : memref<80x64xf32, #tpu.memory_space<vmem>>)
      %lt3A = arith.constant 249 : i32
      %lt3A_143 = arith.cmpi slt, %add3A_131, %lt3A : i32
      %convert_element_type3A_144 = arith.extui %lt3A_143 : i1 to i32
      %cond3A_145 = arith.constant 0 : i32
      %cond3A_146 = arith.cmpi ne, %convert_element_type3A_144, %cond3A_145 : i32
      scf.if %cond3A_146 {
        %add3A_202 = arith.constant 1 : i32
        %add3A_203 = arith.addi %add3A_131, %add3A_202 : i32
        %mul3A_204 = arith.constant 250 : i32
        %mul3A_205 = arith.muli %arg1, %mul3A_204 : i32
        %add3A_206 = arith.addi %mul3A_205, %add3A_203 : i32
        %mul3A_207 = arith.constant 80 : i32
        %mul3A_208 = arith.muli %add3A_206, %mul3A_207 : i32
        %dma_start3A_209 = tpu.memref_slice %arg2[%mul3A_208, %mul3A_0] : memref<320000x128xf32, #tpu.memory_space<hbm>> -> memref<80x64xf32, #tpu.memory_space<hbm>>
        %dma_start3A_210 = tpu.memref_slice %arg2[%mul3A_208, %mul3A_0] : memref<320000x128xf32, #tpu.memory_space<hbm>> -> memref<80x64xf32, #tpu.memory_space<hbm>>
        tpu.enqueue_dma source(%dma_start3A_210 : memref<80x64xf32, #tpu.memory_space<hbm>>) target(%arg16 : memref<80x64xf32, #tpu.memory_space<vmem>>) target_semaphore(%arg17 : memref<!tpu.dma_semaphore, #tpu.memory_space<semaphore_mem>>)
      } else {
      }
      %dma_start3A_147 = arith.constant 0 : i32
      %dma_start3A_148 = tpu.memref_slice %arg13[%select_n3A, %dma_start3A_147] : memref<125x80xi32, #tpu.memory_space<vmem>> -> memref<1x80xi32, #tpu.memory_space<vmem>>
      %dma_start3A_149 = tpu.memref_squeeze %dma_start3A_148 : memref<1x80xi32, #tpu.memory_space<vmem>> -> memref<80xi32, #tpu.memory_space<vmem>>
      %dma_start3A_150 = arith.constant 0 : i32
      %dma_start3A_151 = arith.constant 0 : i32
      %dma_start3A_152 = tpu.memref_slice %arg11[%dma_start3A_150, %dma_start3A_151] : memref<10000x64xf32, #tpu.memory_space<vmem_shared>> -> memref<10000x64xf32, #tpu.memory_space<vmem_shared>>
      tpu.enqueue_indirect_dma source(%arg15 : memref<80x64xf32, #tpu.memory_space<vmem>>) target(%dma_start3A_152 : memref<10000x64xf32, #tpu.memory_space<vmem_shared>>) offsets(%dma_start3A_149 : memref<80xi32, #tpu.memory_space<vmem>>) semaphore(%arg18 : memref<!tpu.dma_semaphore, #tpu.memory_space<semaphore_mem>>) {add = true}
      %dma_start3A_153 = arith.constant 0 : i32
      %dma_start3A_154 = tpu.memref_slice %arg14[%select_n3A, %dma_start3A_153] : memref<125x80xi32, #tpu.memory_space<vmem>> -> memref<1x80xi32, #tpu.memory_space<vmem>>
      %dma_start3A_155 = tpu.memref_squeeze %dma_start3A_154 : memref<1x80xi32, #tpu.memory_space<vmem>> -> memref<80xi32, #tpu.memory_space<vmem>>
      %dma_start3A_156 = arith.constant 0 : i32
      %dma_start3A_157 = arith.constant 0 : i32
      %dma_start3A_158 = tpu.memref_slice %arg12[%dma_start3A_156, %dma_start3A_157] : memref<10000x64xf32, #tpu.memory_space<vmem_shared>> -> memref<10000x64xf32, #tpu.memory_space<vmem_shared>>
      tpu.enqueue_indirect_dma source(%arg15 : memref<80x64xf32, #tpu.memory_space<vmem>>) target(%dma_start3A_158 : memref<10000x64xf32, #tpu.memory_space<vmem_shared>>) offsets(%dma_start3A_155 : memref<80xi32, #tpu.memory_space<vmem>>) semaphore(%arg18 : memref<!tpu.dma_semaphore, #tpu.memory_space<semaphore_mem>>) {add = true}
      %mul3A_159 = arith.constant 2 : i32
      %mul3A_160 = arith.muli %mul3A_159, %scan3A_126 : i32
      %add3A_161 = arith.constant 1 : i32
      %add3A_162 = arith.addi %mul3A_160, %add3A_161 : i32
      %gt3A_163 = arith.constant 0 : i32
      %gt3A_164 = arith.cmpi sgt, %add3A_162, %gt3A_163 : i32
      %convert_element_type3A_165 = arith.extui %gt3A_164 : i1 to i32
      %cond3A_166 = arith.constant 0 : i32
      %cond3A_167 = arith.cmpi ne, %convert_element_type3A_165, %cond3A_166 : i32
      scf.if %cond3A_167 {
        %dma_wait3A_202 = arith.constant 0 : i32
        %dma_wait3A_203 = arith.constant 0 : i32
        %dma_wait3A_204 = tpu.memref_slice %arg11[%dma_wait3A_202, %dma_wait3A_203] : memref<10000x64xf32, #tpu.memory_space<vmem_shared>> -> memref<80x64xf32, #tpu.memory_space<vmem_shared>>
        %dma_wait3A_205 = arith.constant 0 : i32
        %dma_wait3A_206 = arith.constant 0 : i32
        %dma_wait3A_207 = tpu.memref_slice %arg11[%dma_wait3A_205, %dma_wait3A_206] : memref<10000x64xf32, #tpu.memory_space<vmem_shared>> -> memref<80x64xf32, #tpu.memory_space<vmem_shared>>
        tpu.wait_dma2 semaphore(%arg18 : memref<!tpu.dma_semaphore, #tpu.memory_space<semaphore_mem>>) src(%arg15 : memref<80x64xf32, #tpu.memory_space<vmem>>) dst(%dma_wait3A_207 : memref<80x64xf32, #tpu.memory_space<vmem_shared>>)
        %dma_wait3A_208 = arith.constant 0 : i32
        %dma_wait3A_209 = arith.constant 0 : i32
        %dma_wait3A_210 = tpu.memref_slice %arg12[%dma_wait3A_208, %dma_wait3A_209] : memref<10000x64xf32, #tpu.memory_space<vmem_shared>> -> memref<80x64xf32, #tpu.memory_space<vmem_shared>>
        %dma_wait3A_211 = arith.constant 0 : i32
        %dma_wait3A_212 = arith.constant 0 : i32
        %dma_wait3A_213 = tpu.memref_slice %arg12[%dma_wait3A_211, %dma_wait3A_212] : memref<10000x64xf32, #tpu.memory_space<vmem_shared>> -> memref<80x64xf32, #tpu.memory_space<vmem_shared>>
        tpu.wait_dma2 semaphore(%arg18 : memref<!tpu.dma_semaphore, #tpu.memory_space<semaphore_mem>>) src(%arg15 : memref<80x64xf32, #tpu.memory_space<vmem>>) dst(%dma_wait3A_213 : memref<80x64xf32, #tpu.memory_space<vmem_shared>>)
      } else {
      }
      %eq3A = arith.constant 125 : i32
      %eq3A_168 = arith.cmpi eq, %add3A_162, %eq3A : i32
      %convert_element_type3A_169 = arith.extui %eq3A_168 : i1 to i32
      %cond3A_170 = arith.constant 0 : i32
      %cond3A_171 = arith.cmpi ne, %convert_element_type3A_169, %cond3A_170 : i32
      scf.if %cond3A_171 {
        %mul3A_202 = arith.constant 250 : i32
        %mul3A_203 = arith.muli %arg1, %mul3A_202 : i32
        %add3A_204 = arith.constant 125 : i32
        %add3A_205 = arith.addi %mul3A_203, %add3A_204 : i32
        "tpu.region"() ({
          %run_scoped3A = tpu.sem_alloc : memref<!tpu.dma_semaphore, #tpu.memory_space<semaphore_mem>>
          %dma_start3A_206 = arith.constant 0 : i32
          %dma_start3A_207 = tpu.memref_slice %arg4[%add3A_205, %dma_start3A_206] : memref<4000x80xi32, #tpu.memory_space<hbm>> -> memref<125x80xi32, #tpu.memory_space<hbm>>
          %dma_start3A_208 = arith.constant 0 : i32
          %dma_start3A_209 = tpu.memref_slice %arg4[%add3A_205, %dma_start3A_208] : memref<4000x80xi32, #tpu.memory_space<hbm>> -> memref<125x80xi32, #tpu.memory_space<hbm>>
          tpu.enqueue_dma source(%dma_start3A_209 : memref<125x80xi32, #tpu.memory_space<hbm>>) target(%arg13 : memref<125x80xi32, #tpu.memory_space<vmem>>) target_semaphore(%run_scoped3A : memref<!tpu.dma_semaphore, #tpu.memory_space<semaphore_mem>>)
          %dma_wait3A_210 = arith.constant 0 : i32
          %dma_wait3A_211 = tpu.memref_slice %arg4[%add3A_205, %dma_wait3A_210] : memref<4000x80xi32, #tpu.memory_space<hbm>> -> memref<125x80xi32, #tpu.memory_space<hbm>>
          %dma_wait3A_212 = arith.constant 0 : i32
          %dma_wait3A_213 = tpu.memref_slice %arg4[%add3A_205, %dma_wait3A_212] : memref<4000x80xi32, #tpu.memory_space<hbm>> -> memref<125x80xi32, #tpu.memory_space<hbm>>
          tpu.wait_dma2 semaphore(%run_scoped3A : memref<!tpu.dma_semaphore, #tpu.memory_space<semaphore_mem>>) src(%dma_wait3A_213 : memref<125x80xi32, #tpu.memory_space<hbm>>) dst(%arg13 : memref<125x80xi32, #tpu.memory_space<vmem>>)
          tpu.yield
        }) : () -> ()
        "tpu.region"() ({
          %run_scoped3A = tpu.sem_alloc : memref<!tpu.dma_semaphore, #tpu.memory_space<semaphore_mem>>
          %dma_start3A_206 = arith.constant 0 : i32
          %dma_start3A_207 = tpu.memref_slice %arg5[%add3A_205, %dma_start3A_206] : memref<4000x80xi32, #tpu.memory_space<hbm>> -> memref<125x80xi32, #tpu.memory_space<hbm>>
          %dma_start3A_208 = arith.constant 0 : i32
          %dma_start3A_209 = tpu.memref_slice %arg5[%add3A_205, %dma_start3A_208] : memref<4000x80xi32, #tpu.memory_space<hbm>> -> memref<125x80xi32, #tpu.memory_space<hbm>>
          tpu.enqueue_dma source(%dma_start3A_209 : memref<125x80xi32, #tpu.memory_space<hbm>>) target(%arg14 : memref<125x80xi32, #tpu.memory_space<vmem>>) target_semaphore(%run_scoped3A : memref<!tpu.dma_semaphore, #tpu.memory_space<semaphore_mem>>)
          %dma_wait3A_210 = arith.constant 0 : i32
          %dma_wait3A_211 = tpu.memref_slice %arg5[%add3A_205, %dma_wait3A_210] : memref<4000x80xi32, #tpu.memory_space<hbm>> -> memref<125x80xi32, #tpu.memory_space<hbm>>
          %dma_wait3A_212 = arith.constant 0 : i32
          %dma_wait3A_213 = tpu.memref_slice %arg5[%add3A_205, %dma_wait3A_212] : memref<4000x80xi32, #tpu.memory_space<hbm>> -> memref<125x80xi32, #tpu.memory_space<hbm>>
          tpu.wait_dma2 semaphore(%run_scoped3A : memref<!tpu.dma_semaphore, #tpu.memory_space<semaphore_mem>>) src(%dma_wait3A_213 : memref<125x80xi32, #tpu.memory_space<hbm>>) dst(%arg14 : memref<125x80xi32, #tpu.memory_space<vmem>>)
          tpu.yield
        }) : () -> ()
      } else {
      }
      %ge3A_172 = arith.constant 125 : i32
      %ge3A_173 = arith.cmpi sge, %add3A_162, %ge3A_172 : i32
      %sub3A_174 = arith.constant 125 : i32
      %sub3A_175 = arith.subi %add3A_162, %sub3A_174 : i32
      %select_n3A_176 = arith.select %ge3A_173, %sub3A_175, %add3A_162 : i32
      %mul3A_177 = arith.constant 250 : i32
      %mul3A_178 = arith.muli %arg1, %mul3A_177 : i32
      %add3A_179 = arith.addi %mul3A_178, %add3A_162 : i32
      %mul3A_180 = arith.constant 80 : i32
      %mul3A_181 = arith.muli %add3A_179, %mul3A_180 : i32
      %dma_wait3A_182 = tpu.memref_slice %arg2[%mul3A_181, %mul3A_0] : memref<320000x128xf32, #tpu.memory_space<hbm>> -> memref<80x64xf32, #tpu.memory_space<hbm>>
      %dma_wait3A_183 = tpu.memref_slice %arg2[%mul3A_181, %mul3A_0] : memref<320000x128xf32, #tpu.memory_space<hbm>> -> memref<80x64xf32, #tpu.memory_space<hbm>>
      tpu.wait_dma2 semaphore(%arg17 : memref<!tpu.dma_semaphore, #tpu.memory_space<semaphore_mem>>) src(%dma_wait3A_183 : memref<80x64xf32, #tpu.memory_space<hbm>>) dst(%arg16 : memref<80x64xf32, #tpu.memory_space<vmem>>)
      %lt3A_184 = arith.constant 249 : i32
      %lt3A_185 = arith.cmpi slt, %add3A_162, %lt3A_184 : i32
      %convert_element_type3A_186 = arith.extui %lt3A_185 : i1 to i32
      %cond3A_187 = arith.constant 0 : i32
      %cond3A_188 = arith.cmpi ne, %convert_element_type3A_186, %cond3A_187 : i32
      scf.if %cond3A_188 {
        %add3A_202 = arith.constant 1 : i32
        %add3A_203 = arith.addi %add3A_162, %add3A_202 : i32
        %mul3A_204 = arith.constant 250 : i32
        %mul3A_205 = arith.muli %arg1, %mul3A_204 : i32
        %add3A_206 = arith.addi %mul3A_205, %add3A_203 : i32
        %mul3A_207 = arith.constant 80 : i32
        %mul3A_208 = arith.muli %add3A_206, %mul3A_207 : i32
        %dma_start3A_209 = tpu.memref_slice %arg2[%mul3A_208, %mul3A_0] : memref<320000x128xf32, #tpu.memory_space<hbm>> -> memref<80x64xf32, #tpu.memory_space<hbm>>
        %dma_start3A_210 = tpu.memref_slice %arg2[%mul3A_208, %mul3A_0] : memref<320000x128xf32, #tpu.memory_space<hbm>> -> memref<80x64xf32, #tpu.memory_space<hbm>>
        tpu.enqueue_dma source(%dma_start3A_210 : memref<80x64xf32, #tpu.memory_space<hbm>>) target(%arg15 : memref<80x64xf32, #tpu.memory_space<vmem>>) target_semaphore(%arg17 : memref<!tpu.dma_semaphore, #tpu.memory_space<semaphore_mem>>)
      } else {
      }
      %dma_start3A_189 = arith.constant 0 : i32
      %dma_start3A_190 = tpu.memref_slice %arg13[%select_n3A_176, %dma_start3A_189] : memref<125x80xi32, #tpu.memory_space<vmem>> -> memref<1x80xi32, #tpu.memory_space<vmem>>
      %dma_start3A_191 = tpu.memref_squeeze %dma_start3A_190 : memref<1x80xi32, #tpu.memory_space<vmem>> -> memref<80xi32, #tpu.memory_space<vmem>>
      %dma_start3A_192 = arith.constant 0 : i32
      %dma_start3A_193 = arith.constant 0 : i32
      %dma_start3A_194 = tpu.memref_slice %arg11[%dma_start3A_192, %dma_start3A_193] : memref<10000x64xf32, #tpu.memory_space<vmem_shared>> -> memref<10000x64xf32, #tpu.memory_space<vmem_shared>>
      tpu.enqueue_indirect_dma source(%arg16 : memref<80x64xf32, #tpu.memory_space<vmem>>) target(%dma_start3A_194 : memref<10000x64xf32, #tpu.memory_space<vmem_shared>>) offsets(%dma_start3A_191 : memref<80xi32, #tpu.memory_space<vmem>>) semaphore(%arg18 : memref<!tpu.dma_semaphore, #tpu.memory_space<semaphore_mem>>) {add = true}
      %dma_start3A_195 = arith.constant 0 : i32
      %dma_start3A_196 = tpu.memref_slice %arg14[%select_n3A_176, %dma_start3A_195] : memref<125x80xi32, #tpu.memory_space<vmem>> -> memref<1x80xi32, #tpu.memory_space<vmem>>
      %dma_start3A_197 = tpu.memref_squeeze %dma_start3A_196 : memref<1x80xi32, #tpu.memory_space<vmem>> -> memref<80xi32, #tpu.memory_space<vmem>>
      %dma_start3A_198 = arith.constant 0 : i32
      %dma_start3A_199 = arith.constant 0 : i32
      %dma_start3A_200 = tpu.memref_slice %arg12[%dma_start3A_198, %dma_start3A_199] : memref<10000x64xf32, #tpu.memory_space<vmem_shared>> -> memref<10000x64xf32, #tpu.memory_space<vmem_shared>>
      tpu.enqueue_indirect_dma source(%arg16 : memref<80x64xf32, #tpu.memory_space<vmem>>) target(%dma_start3A_200 : memref<10000x64xf32, #tpu.memory_space<vmem_shared>>) offsets(%dma_start3A_197 : memref<80xi32, #tpu.memory_space<vmem>>) semaphore(%arg18 : memref<!tpu.dma_semaphore, #tpu.memory_space<semaphore_mem>>) {add = true}
      %scan3A_201 = arith.constant 0 : i32
      scf.yield %scan3A_201 : i32
    }
    %scan3A_27 = arith.constant 125 : i32
    %dma_wait3A_28 = arith.constant 0 : i32
    %dma_wait3A_29 = arith.constant 0 : i32
    %dma_wait3A_30 = tpu.memref_slice %arg11[%dma_wait3A_28, %dma_wait3A_29] : memref<10000x64xf32, #tpu.memory_space<vmem_shared>> -> memref<80x64xf32, #tpu.memory_space<vmem_shared>>
    %dma_wait3A_31 = arith.constant 0 : i32
    %dma_wait3A_32 = arith.constant 0 : i32
    %dma_wait3A_33 = tpu.memref_slice %arg11[%dma_wait3A_31, %dma_wait3A_32] : memref<10000x64xf32, #tpu.memory_space<vmem_shared>> -> memref<80x64xf32, #tpu.memory_space<vmem_shared>>
    tpu.wait_dma2 semaphore(%arg18 : memref<!tpu.dma_semaphore, #tpu.memory_space<semaphore_mem>>) src(%arg16 : memref<80x64xf32, #tpu.memory_space<vmem>>) dst(%dma_wait3A_33 : memref<80x64xf32, #tpu.memory_space<vmem_shared>>)
    %dma_wait3A_34 = arith.constant 0 : i32
    %dma_wait3A_35 = arith.constant 0 : i32
    %dma_wait3A_36 = tpu.memref_slice %arg12[%dma_wait3A_34, %dma_wait3A_35] : memref<10000x64xf32, #tpu.memory_space<vmem_shared>> -> memref<80x64xf32, #tpu.memory_space<vmem_shared>>
    %dma_wait3A_37 = arith.constant 0 : i32
    %dma_wait3A_38 = arith.constant 0 : i32
    %dma_wait3A_39 = tpu.memref_slice %arg12[%dma_wait3A_37, %dma_wait3A_38] : memref<10000x64xf32, #tpu.memory_space<vmem_shared>> -> memref<80x64xf32, #tpu.memory_space<vmem_shared>>
    tpu.wait_dma2 semaphore(%arg18 : memref<!tpu.dma_semaphore, #tpu.memory_space<semaphore_mem>>) src(%arg16 : memref<80x64xf32, #tpu.memory_space<vmem>>) dst(%dma_wait3A_39 : memref<80x64xf32, #tpu.memory_space<vmem_shared>>)
    %barrier3A_40 = arith.constant 0 : index
    tpu.barrier barrier_id(%barrier3A_40)
    %mul3A_41 = arith.constant 625 : i32
    %mul3A_42 = arith.muli %mul3A_41, %arg1 : i32
    %mul3A_43 = arith.constant 625 : i32
    %mul3A_44 = arith.muli %mul3A_43, %arg1 : i32
    %dma_start3A_45 = tpu.memref_slice %arg7[%mul3A_44, %mul3A_0] : memref<10000x128xf32, #tpu.memory_space<hbm>> -> memref<625x64xf32, #tpu.memory_space<hbm>>
    %dma_start3A_46 = arith.constant 0 : i32
    %dma_start3A_47 = tpu.memref_slice %arg11[%mul3A_42, %dma_start3A_46] : memref<10000x64xf32, #tpu.memory_space<vmem_shared>> -> memref<625x64xf32, #tpu.memory_space<vmem_shared>>
    tpu.enqueue_dma source(%dma_start3A_47 : memref<625x64xf32, #tpu.memory_space<vmem_shared>>) target(%dma_start3A_45 : memref<625x64xf32, #tpu.memory_space<hbm>>) target_semaphore(%arg19 : memref<!tpu.dma_semaphore, #tpu.memory_space<semaphore_mem>>)
    %mul3A_48 = arith.constant 625 : i32
    %mul3A_49 = arith.muli %mul3A_48, %arg1 : i32
    %mul3A_50 = arith.constant 625 : i32
    %mul3A_51 = arith.muli %mul3A_50, %arg1 : i32
    %dma_start3A_52 = tpu.memref_slice %arg8[%mul3A_51, %mul3A_0] : memref<10000x128xf32, #tpu.memory_space<hbm>> -> memref<625x64xf32, #tpu.memory_space<hbm>>
    %dma_start3A_53 = arith.constant 0 : i32
    %dma_start3A_54 = tpu.memref_slice %arg12[%mul3A_49, %dma_start3A_53] : memref<10000x64xf32, #tpu.memory_space<vmem_shared>> -> memref<625x64xf32, #tpu.memory_space<vmem_shared>>
    tpu.enqueue_dma source(%dma_start3A_54 : memref<625x64xf32, #tpu.memory_space<vmem_shared>>) target(%dma_start3A_52 : memref<625x64xf32, #tpu.memory_space<hbm>>) target_semaphore(%arg19 : memref<!tpu.dma_semaphore, #tpu.memory_space<semaphore_mem>>)
    %dma_wait3A_55 = tpu.memref_slice %arg7[%mul3A_44, %mul3A_0] : memref<10000x128xf32, #tpu.memory_space<hbm>> -> memref<625x64xf32, #tpu.memory_space<hbm>>
    %dma_wait3A_56 = arith.constant 0 : i32
    %dma_wait3A_57 = tpu.memref_slice %arg11[%mul3A_42, %dma_wait3A_56] : memref<10000x64xf32, #tpu.memory_space<vmem_shared>> -> memref<625x64xf32, #tpu.memory_space<vmem_shared>>
    tpu.wait_dma2 semaphore(%arg19 : memref<!tpu.dma_semaphore, #tpu.memory_space<semaphore_mem>>) src(%dma_wait3A_57 : memref<625x64xf32, #tpu.memory_space<vmem_shared>>) dst(%dma_wait3A_55 : memref<625x64xf32, #tpu.memory_space<hbm>>)
    %dma_wait3A_58 = tpu.memref_slice %arg8[%mul3A_51, %mul3A_0] : memref<10000x128xf32, #tpu.memory_space<hbm>> -> memref<625x64xf32, #tpu.memory_space<hbm>>
    %dma_wait3A_59 = arith.constant 0 : i32
    %dma_wait3A_60 = tpu.memref_slice %arg12[%mul3A_49, %dma_wait3A_59] : memref<10000x64xf32, #tpu.memory_space<vmem_shared>> -> memref<625x64xf32, #tpu.memory_space<vmem_shared>>
    tpu.wait_dma2 semaphore(%arg19 : memref<!tpu.dma_semaphore, #tpu.memory_space<semaphore_mem>>) src(%dma_wait3A_60 : memref<625x64xf32, #tpu.memory_space<vmem_shared>>) dst(%dma_wait3A_58 : memref<625x64xf32, #tpu.memory_space<hbm>>)
    %mul3A_61 = arith.constant 625 : i32
    %mul3A_62 = arith.muli %mul3A_61, %arg1 : i32
    %dma_start3A_63 = arith.constant 0 : i32
    %dma_start3A_64 = tpu.memref_slice %arg11[%mul3A_62, %dma_start3A_63] : memref<10000x64xf32, #tpu.memory_space<vmem_shared>> -> memref<625x64xf32, #tpu.memory_space<vmem_shared>>
    tpu.enqueue_dma source(%arg6 : memref<625x64xf32, #tpu.memory_space<hbm>>) target(%dma_start3A_64 : memref<625x64xf32, #tpu.memory_space<vmem_shared>>) target_semaphore(%arg19 : memref<!tpu.dma_semaphore, #tpu.memory_space<semaphore_mem>>)
    %mul3A_65 = arith.constant 625 : i32
    %mul3A_66 = arith.muli %mul3A_65, %arg1 : i32
    %dma_start3A_67 = arith.constant 0 : i32
    %dma_start3A_68 = tpu.memref_slice %arg12[%mul3A_66, %dma_start3A_67] : memref<10000x64xf32, #tpu.memory_space<vmem_shared>> -> memref<625x64xf32, #tpu.memory_space<vmem_shared>>
    tpu.enqueue_dma source(%arg6 : memref<625x64xf32, #tpu.memory_space<hbm>>) target(%dma_start3A_68 : memref<625x64xf32, #tpu.memory_space<vmem_shared>>) target_semaphore(%arg19 : memref<!tpu.dma_semaphore, #tpu.memory_space<semaphore_mem>>)
    %mul3A_69 = arith.constant 250 : i32
    %mul3A_70 = arith.muli %arg1, %mul3A_69 : i32
    %add3A_71 = arith.constant 0 : i32
    %add3A_72 = arith.addi %mul3A_70, %add3A_71 : i32
    "tpu.region"() ({
      %run_scoped3A = tpu.sem_alloc : memref<!tpu.dma_semaphore, #tpu.memory_space<semaphore_mem>>
      %dma_start3A_126 = arith.constant 0 : i32
      %dma_start3A_127 = tpu.memref_slice %arg4[%add3A_72, %dma_start3A_126] : memref<4000x80xi32, #tpu.memory_space<hbm>> -> memref<125x80xi32, #tpu.memory_space<hbm>>
      %dma_start3A_128 = arith.constant 0 : i32
      %dma_start3A_129 = tpu.memref_slice %arg4[%add3A_72, %dma_start3A_128] : memref<4000x80xi32, #tpu.memory_space<hbm>> -> memref<125x80xi32, #tpu.memory_space<hbm>>
      tpu.enqueue_dma source(%dma_start3A_129 : memref<125x80xi32, #tpu.memory_space<hbm>>) target(%arg13 : memref<125x80xi32, #tpu.memory_space<vmem>>) target_semaphore(%run_scoped3A : memref<!tpu.dma_semaphore, #tpu.memory_space<semaphore_mem>>)
      %dma_wait3A_130 = arith.constant 0 : i32
      %dma_wait3A_131 = tpu.memref_slice %arg4[%add3A_72, %dma_wait3A_130] : memref<4000x80xi32, #tpu.memory_space<hbm>> -> memref<125x80xi32, #tpu.memory_space<hbm>>
      %dma_wait3A_132 = arith.constant 0 : i32
      %dma_wait3A_133 = tpu.memref_slice %arg4[%add3A_72, %dma_wait3A_132] : memref<4000x80xi32, #tpu.memory_space<hbm>> -> memref<125x80xi32, #tpu.memory_space<hbm>>
      tpu.wait_dma2 semaphore(%run_scoped3A : memref<!tpu.dma_semaphore, #tpu.memory_space<semaphore_mem>>) src(%dma_wait3A_133 : memref<125x80xi32, #tpu.memory_space<hbm>>) dst(%arg13 : memref<125x80xi32, #tpu.memory_space<vmem>>)
      tpu.yield
    }) : () -> ()
    "tpu.region"() ({
      %run_scoped3A = tpu.sem_alloc : memref<!tpu.dma_semaphore, #tpu.memory_space<semaphore_mem>>
      %dma_start3A_126 = arith.constant 0 : i32
      %dma_start3A_127 = tpu.memref_slice %arg5[%add3A_72, %dma_start3A_126] : memref<4000x80xi32, #tpu.memory_space<hbm>> -> memref<125x80xi32, #tpu.memory_space<hbm>>
      %dma_start3A_128 = arith.constant 0 : i32
      %dma_start3A_129 = tpu.memref_slice %arg5[%add3A_72, %dma_start3A_128] : memref<4000x80xi32, #tpu.memory_space<hbm>> -> memref<125x80xi32, #tpu.memory_space<hbm>>
      tpu.enqueue_dma source(%dma_start3A_129 : memref<125x80xi32, #tpu.memory_space<hbm>>) target(%arg14 : memref<125x80xi32, #tpu.memory_space<vmem>>) target_semaphore(%run_scoped3A : memref<!tpu.dma_semaphore, #tpu.memory_space<semaphore_mem>>)
      %dma_wait3A_130 = arith.constant 0 : i32
      %dma_wait3A_131 = tpu.memref_slice %arg5[%add3A_72, %dma_wait3A_130] : memref<4000x80xi32, #tpu.memory_space<hbm>> -> memref<125x80xi32, #tpu.memory_space<hbm>>
      %dma_wait3A_132 = arith.constant 0 : i32
      %dma_wait3A_133 = tpu.memref_slice %arg5[%add3A_72, %dma_wait3A_132] : memref<4000x80xi32, #tpu.memory_space<hbm>> -> memref<125x80xi32, #tpu.memory_space<hbm>>
      tpu.wait_dma2 semaphore(%run_scoped3A : memref<!tpu.dma_semaphore, #tpu.memory_space<semaphore_mem>>) src(%dma_wait3A_133 : memref<125x80xi32, #tpu.memory_space<hbm>>) dst(%arg14 : memref<125x80xi32, #tpu.memory_space<vmem>>)
      tpu.yield
    }) : () -> ()
    %mul3A_73 = arith.constant 250 : i32
    %mul3A_74 = arith.muli %arg1, %mul3A_73 : i32
    %add3A_75 = arith.constant 0 : i32
    %add3A_76 = arith.addi %mul3A_74, %add3A_75 : i32
    %mul3A_77 = arith.constant 80 : i32
    %mul3A_78 = arith.muli %add3A_76, %mul3A_77 : i32
    %dma_start3A_79 = tpu.memref_slice %arg3[%mul3A_78, %mul3A_0] : memref<320000x128xf32, #tpu.memory_space<hbm>> -> memref<80x64xf32, #tpu.memory_space<hbm>>
    %dma_start3A_80 = tpu.memref_slice %arg3[%mul3A_78, %mul3A_0] : memref<320000x128xf32, #tpu.memory_space<hbm>> -> memref<80x64xf32, #tpu.memory_space<hbm>>
    tpu.enqueue_dma source(%dma_start3A_80 : memref<80x64xf32, #tpu.memory_space<hbm>>) target(%arg15 : memref<80x64xf32, #tpu.memory_space<vmem>>) target_semaphore(%arg17 : memref<!tpu.dma_semaphore, #tpu.memory_space<semaphore_mem>>)
    %dma_wait3A_81 = arith.constant 0 : i32
    %dma_wait3A_82 = tpu.memref_slice %arg11[%mul3A_62, %dma_wait3A_81] : memref<10000x64xf32, #tpu.memory_space<vmem_shared>> -> memref<625x64xf32, #tpu.memory_space<vmem_shared>>
    tpu.wait_dma2 semaphore(%arg19 : memref<!tpu.dma_semaphore, #tpu.memory_space<semaphore_mem>>) src(%arg6 : memref<625x64xf32, #tpu.memory_space<hbm>>) dst(%dma_wait3A_82 : memref<625x64xf32, #tpu.memory_space<vmem_shared>>)
    %dma_wait3A_83 = arith.constant 0 : i32
    %dma_wait3A_84 = tpu.memref_slice %arg12[%mul3A_66, %dma_wait3A_83] : memref<10000x64xf32, #tpu.memory_space<vmem_shared>> -> memref<625x64xf32, #tpu.memory_space<vmem_shared>>
    tpu.wait_dma2 semaphore(%arg19 : memref<!tpu.dma_semaphore, #tpu.memory_space<semaphore_mem>>) src(%arg6 : memref<625x64xf32, #tpu.memory_space<hbm>>) dst(%dma_wait3A_84 : memref<625x64xf32, #tpu.memory_space<vmem_shared>>)
    %barrier3A_85 = arith.constant 0 : index
    tpu.barrier barrier_id(%barrier3A_85)
    %scan3A_86 = arith.constant 0 : i32
    %scan3A_87 = arith.constant 0 : i32
    %scan3A_88 = arith.constant 125 : i32
    %scan3A_89 = arith.addi %scan3A_87, %scan3A_88 : i32
    %scan3A_90 = arith.constant 1 : i32
    %scan3A_91 = scf.for %scan3A_126 = %scan3A_87 to %scan3A_89 step %scan3A_90 iter_args(%scan3A_127 = %scan3A_86) -> (i32)  : i32 {
      %mul3A_128 = arith.constant 2 : i32
      %mul3A_129 = arith.muli %mul3A_128, %scan3A_126 : i32
      %add3A_130 = arith.constant 0 : i32
      %add3A_131 = arith.addi %mul3A_129, %add3A_130 : i32
      %gt3A = arith.constant 0 : i32
      %gt3A_132 = arith.cmpi sgt, %add3A_131, %gt3A : i32
      %convert_element_type3A = arith.extui %gt3A_132 : i1 to i32
      %cond3A = arith.constant 0 : i32
      %cond3A_133 = arith.cmpi ne, %convert_element_type3A, %cond3A : i32
      scf.if %cond3A_133 {
        %dma_wait3A_202 = arith.constant 0 : i32
        %dma_wait3A_203 = arith.constant 0 : i32
        %dma_wait3A_204 = tpu.memref_slice %arg11[%dma_wait3A_202, %dma_wait3A_203] : memref<10000x64xf32, #tpu.memory_space<vmem_shared>> -> memref<80x64xf32, #tpu.memory_space<vmem_shared>>
        %dma_wait3A_205 = arith.constant 0 : i32
        %dma_wait3A_206 = arith.constant 0 : i32
        %dma_wait3A_207 = tpu.memref_slice %arg11[%dma_wait3A_205, %dma_wait3A_206] : memref<10000x64xf32, #tpu.memory_space<vmem_shared>> -> memref<80x64xf32, #tpu.memory_space<vmem_shared>>
        tpu.wait_dma2 semaphore(%arg18 : memref<!tpu.dma_semaphore, #tpu.memory_space<semaphore_mem>>) src(%arg16 : memref<80x64xf32, #tpu.memory_space<vmem>>) dst(%dma_wait3A_207 : memref<80x64xf32, #tpu.memory_space<vmem_shared>>)
        %dma_wait3A_208 = arith.constant 0 : i32
        %dma_wait3A_209 = arith.constant 0 : i32
        %dma_wait3A_210 = tpu.memref_slice %arg12[%dma_wait3A_208, %dma_wait3A_209] : memref<10000x64xf32, #tpu.memory_space<vmem_shared>> -> memref<80x64xf32, #tpu.memory_space<vmem_shared>>
        %dma_wait3A_211 = arith.constant 0 : i32
        %dma_wait3A_212 = arith.constant 0 : i32
        %dma_wait3A_213 = tpu.memref_slice %arg12[%dma_wait3A_211, %dma_wait3A_212] : memref<10000x64xf32, #tpu.memory_space<vmem_shared>> -> memref<80x64xf32, #tpu.memory_space<vmem_shared>>
        tpu.wait_dma2 semaphore(%arg18 : memref<!tpu.dma_semaphore, #tpu.memory_space<semaphore_mem>>) src(%arg16 : memref<80x64xf32, #tpu.memory_space<vmem>>) dst(%dma_wait3A_213 : memref<80x64xf32, #tpu.memory_space<vmem_shared>>)
      } else {
      }
      %ge3A = arith.constant 125 : i32
      %ge3A_134 = arith.cmpi sge, %add3A_131, %ge3A : i32
      %sub3A = arith.constant 125 : i32
      %sub3A_135 = arith.subi %add3A_131, %sub3A : i32
      %select_n3A = arith.select %ge3A_134, %sub3A_135, %add3A_131 : i32
      %mul3A_136 = arith.constant 250 : i32
      %mul3A_137 = arith.muli %arg1, %mul3A_136 : i32
      %add3A_138 = arith.addi %mul3A_137, %add3A_131 : i32
      %mul3A_139 = arith.constant 80 : i32
      %mul3A_140 = arith.muli %add3A_138, %mul3A_139 : i32
      %dma_wait3A_141 = tpu.memref_slice %arg3[%mul3A_140, %mul3A_0] : memref<320000x128xf32, #tpu.memory_space<hbm>> -> memref<80x64xf32, #tpu.memory_space<hbm>>
      %dma_wait3A_142 = tpu.memref_slice %arg3[%mul3A_140, %mul3A_0] : memref<320000x128xf32, #tpu.memory_space<hbm>> -> memref<80x64xf32, #tpu.memory_space<hbm>>
      tpu.wait_dma2 semaphore(%arg17 : memref<!tpu.dma_semaphore, #tpu.memory_space<semaphore_mem>>) src(%dma_wait3A_142 : memref<80x64xf32, #tpu.memory_space<hbm>>) dst(%arg15 : memref<80x64xf32, #tpu.memory_space<vmem>>)
      %lt3A = arith.constant 249 : i32
      %lt3A_143 = arith.cmpi slt, %add3A_131, %lt3A : i32
      %convert_element_type3A_144 = arith.extui %lt3A_143 : i1 to i32
      %cond3A_145 = arith.constant 0 : i32
      %cond3A_146 = arith.cmpi ne, %convert_element_type3A_144, %cond3A_145 : i32
      scf.if %cond3A_146 {
        %add3A_202 = arith.constant 1 : i32
        %add3A_203 = arith.addi %add3A_131, %add3A_202 : i32
        %mul3A_204 = arith.constant 250 : i32
        %mul3A_205 = arith.muli %arg1, %mul3A_204 : i32
        %add3A_206 = arith.addi %mul3A_205, %add3A_203 : i32
        %mul3A_207 = arith.constant 80 : i32
        %mul3A_208 = arith.muli %add3A_206, %mul3A_207 : i32
        %dma_start3A_209 = tpu.memref_slice %arg3[%mul3A_208, %mul3A_0] : memref<320000x128xf32, #tpu.memory_space<hbm>> -> memref<80x64xf32, #tpu.memory_space<hbm>>
        %dma_start3A_210 = tpu.memref_slice %arg3[%mul3A_208, %mul3A_0] : memref<320000x128xf32, #tpu.memory_space<hbm>> -> memref<80x64xf32, #tpu.memory_space<hbm>>
        tpu.enqueue_dma source(%dma_start3A_210 : memref<80x64xf32, #tpu.memory_space<hbm>>) target(%arg16 : memref<80x64xf32, #tpu.memory_space<vmem>>) target_semaphore(%arg17 : memref<!tpu.dma_semaphore, #tpu.memory_space<semaphore_mem>>)
      } else {
      }
      %dma_start3A_147 = arith.constant 0 : i32
      %dma_start3A_148 = tpu.memref_slice %arg13[%select_n3A, %dma_start3A_147] : memref<125x80xi32, #tpu.memory_space<vmem>> -> memref<1x80xi32, #tpu.memory_space<vmem>>
      %dma_start3A_149 = tpu.memref_squeeze %dma_start3A_148 : memref<1x80xi32, #tpu.memory_space<vmem>> -> memref<80xi32, #tpu.memory_space<vmem>>
      %dma_start3A_150 = arith.constant 0 : i32
      %dma_start3A_151 = arith.constant 0 : i32
      %dma_start3A_152 = tpu.memref_slice %arg11[%dma_start3A_150, %dma_start3A_151] : memref<10000x64xf32, #tpu.memory_space<vmem_shared>> -> memref<10000x64xf32, #tpu.memory_space<vmem_shared>>
      tpu.enqueue_indirect_dma source(%arg15 : memref<80x64xf32, #tpu.memory_space<vmem>>) target(%dma_start3A_152 : memref<10000x64xf32, #tpu.memory_space<vmem_shared>>) offsets(%dma_start3A_149 : memref<80xi32, #tpu.memory_space<vmem>>) semaphore(%arg18 : memref<!tpu.dma_semaphore, #tpu.memory_space<semaphore_mem>>) {add = true}
      %dma_start3A_153 = arith.constant 0 : i32
      %dma_start3A_154 = tpu.memref_slice %arg14[%select_n3A, %dma_start3A_153] : memref<125x80xi32, #tpu.memory_space<vmem>> -> memref<1x80xi32, #tpu.memory_space<vmem>>
      %dma_start3A_155 = tpu.memref_squeeze %dma_start3A_154 : memref<1x80xi32, #tpu.memory_space<vmem>> -> memref<80xi32, #tpu.memory_space<vmem>>
      %dma_start3A_156 = arith.constant 0 : i32
      %dma_start3A_157 = arith.constant 0 : i32
      %dma_start3A_158 = tpu.memref_slice %arg12[%dma_start3A_156, %dma_start3A_157] : memref<10000x64xf32, #tpu.memory_space<vmem_shared>> -> memref<10000x64xf32, #tpu.memory_space<vmem_shared>>
      tpu.enqueue_indirect_dma source(%arg15 : memref<80x64xf32, #tpu.memory_space<vmem>>) target(%dma_start3A_158 : memref<10000x64xf32, #tpu.memory_space<vmem_shared>>) offsets(%dma_start3A_155 : memref<80xi32, #tpu.memory_space<vmem>>) semaphore(%arg18 : memref<!tpu.dma_semaphore, #tpu.memory_space<semaphore_mem>>) {add = true}
      %mul3A_159 = arith.constant 2 : i32
      %mul3A_160 = arith.muli %mul3A_159, %scan3A_126 : i32
      %add3A_161 = arith.constant 1 : i32
      %add3A_162 = arith.addi %mul3A_160, %add3A_161 : i32
      %gt3A_163 = arith.constant 0 : i32
      %gt3A_164 = arith.cmpi sgt, %add3A_162, %gt3A_163 : i32
      %convert_element_type3A_165 = arith.extui %gt3A_164 : i1 to i32
      %cond3A_166 = arith.constant 0 : i32
      %cond3A_167 = arith.cmpi ne, %convert_element_type3A_165, %cond3A_166 : i32
      scf.if %cond3A_167 {
        %dma_wait3A_202 = arith.constant 0 : i32
        %dma_wait3A_203 = arith.constant 0 : i32
        %dma_wait3A_204 = tpu.memref_slice %arg11[%dma_wait3A_202, %dma_wait3A_203] : memref<10000x64xf32, #tpu.memory_space<vmem_shared>> -> memref<80x64xf32, #tpu.memory_space<vmem_shared>>
        %dma_wait3A_205 = arith.constant 0 : i32
        %dma_wait3A_206 = arith.constant 0 : i32
        %dma_wait3A_207 = tpu.memref_slice %arg11[%dma_wait3A_205, %dma_wait3A_206] : memref<10000x64xf32, #tpu.memory_space<vmem_shared>> -> memref<80x64xf32, #tpu.memory_space<vmem_shared>>
        tpu.wait_dma2 semaphore(%arg18 : memref<!tpu.dma_semaphore, #tpu.memory_space<semaphore_mem>>) src(%arg15 : memref<80x64xf32, #tpu.memory_space<vmem>>) dst(%dma_wait3A_207 : memref<80x64xf32, #tpu.memory_space<vmem_shared>>)
        %dma_wait3A_208 = arith.constant 0 : i32
        %dma_wait3A_209 = arith.constant 0 : i32
        %dma_wait3A_210 = tpu.memref_slice %arg12[%dma_wait3A_208, %dma_wait3A_209] : memref<10000x64xf32, #tpu.memory_space<vmem_shared>> -> memref<80x64xf32, #tpu.memory_space<vmem_shared>>
        %dma_wait3A_211 = arith.constant 0 : i32
        %dma_wait3A_212 = arith.constant 0 : i32
        %dma_wait3A_213 = tpu.memref_slice %arg12[%dma_wait3A_211, %dma_wait3A_212] : memref<10000x64xf32, #tpu.memory_space<vmem_shared>> -> memref<80x64xf32, #tpu.memory_space<vmem_shared>>
        tpu.wait_dma2 semaphore(%arg18 : memref<!tpu.dma_semaphore, #tpu.memory_space<semaphore_mem>>) src(%arg15 : memref<80x64xf32, #tpu.memory_space<vmem>>) dst(%dma_wait3A_213 : memref<80x64xf32, #tpu.memory_space<vmem_shared>>)
      } else {
      }
      %eq3A = arith.constant 125 : i32
      %eq3A_168 = arith.cmpi eq, %add3A_162, %eq3A : i32
      %convert_element_type3A_169 = arith.extui %eq3A_168 : i1 to i32
      %cond3A_170 = arith.constant 0 : i32
      %cond3A_171 = arith.cmpi ne, %convert_element_type3A_169, %cond3A_170 : i32
      scf.if %cond3A_171 {
        %mul3A_202 = arith.constant 250 : i32
        %mul3A_203 = arith.muli %arg1, %mul3A_202 : i32
        %add3A_204 = arith.constant 125 : i32
        %add3A_205 = arith.addi %mul3A_203, %add3A_204 : i32
        "tpu.region"() ({
          %run_scoped3A = tpu.sem_alloc : memref<!tpu.dma_semaphore, #tpu.memory_space<semaphore_mem>>
          %dma_start3A_206 = arith.constant 0 : i32
          %dma_start3A_207 = tpu.memref_slice %arg4[%add3A_205, %dma_start3A_206] : memref<4000x80xi32, #tpu.memory_space<hbm>> -> memref<125x80xi32, #tpu.memory_space<hbm>>
          %dma_start3A_208 = arith.constant 0 : i32
          %dma_start3A_209 = tpu.memref_slice %arg4[%add3A_205, %dma_start3A_208] : memref<4000x80xi32, #tpu.memory_space<hbm>> -> memref<125x80xi32, #tpu.memory_space<hbm>>
          tpu.enqueue_dma source(%dma_start3A_209 : memref<125x80xi32, #tpu.memory_space<hbm>>) target(%arg13 : memref<125x80xi32, #tpu.memory_space<vmem>>) target_semaphore(%run_scoped3A : memref<!tpu.dma_semaphore, #tpu.memory_space<semaphore_mem>>)
          %dma_wait3A_210 = arith.constant 0 : i32
          %dma_wait3A_211 = tpu.memref_slice %arg4[%add3A_205, %dma_wait3A_210] : memref<4000x80xi32, #tpu.memory_space<hbm>> -> memref<125x80xi32, #tpu.memory_space<hbm>>
          %dma_wait3A_212 = arith.constant 0 : i32
          %dma_wait3A_213 = tpu.memref_slice %arg4[%add3A_205, %dma_wait3A_212] : memref<4000x80xi32, #tpu.memory_space<hbm>> -> memref<125x80xi32, #tpu.memory_space<hbm>>
          tpu.wait_dma2 semaphore(%run_scoped3A : memref<!tpu.dma_semaphore, #tpu.memory_space<semaphore_mem>>) src(%dma_wait3A_213 : memref<125x80xi32, #tpu.memory_space<hbm>>) dst(%arg13 : memref<125x80xi32, #tpu.memory_space<vmem>>)
          tpu.yield
        }) : () -> ()
        "tpu.region"() ({
          %run_scoped3A = tpu.sem_alloc : memref<!tpu.dma_semaphore, #tpu.memory_space<semaphore_mem>>
          %dma_start3A_206 = arith.constant 0 : i32
          %dma_start3A_207 = tpu.memref_slice %arg5[%add3A_205, %dma_start3A_206] : memref<4000x80xi32, #tpu.memory_space<hbm>> -> memref<125x80xi32, #tpu.memory_space<hbm>>
          %dma_start3A_208 = arith.constant 0 : i32
          %dma_start3A_209 = tpu.memref_slice %arg5[%add3A_205, %dma_start3A_208] : memref<4000x80xi32, #tpu.memory_space<hbm>> -> memref<125x80xi32, #tpu.memory_space<hbm>>
          tpu.enqueue_dma source(%dma_start3A_209 : memref<125x80xi32, #tpu.memory_space<hbm>>) target(%arg14 : memref<125x80xi32, #tpu.memory_space<vmem>>) target_semaphore(%run_scoped3A : memref<!tpu.dma_semaphore, #tpu.memory_space<semaphore_mem>>)
          %dma_wait3A_210 = arith.constant 0 : i32
          %dma_wait3A_211 = tpu.memref_slice %arg5[%add3A_205, %dma_wait3A_210] : memref<4000x80xi32, #tpu.memory_space<hbm>> -> memref<125x80xi32, #tpu.memory_space<hbm>>
          %dma_wait3A_212 = arith.constant 0 : i32
          %dma_wait3A_213 = tpu.memref_slice %arg5[%add3A_205, %dma_wait3A_212] : memref<4000x80xi32, #tpu.memory_space<hbm>> -> memref<125x80xi32, #tpu.memory_space<hbm>>
          tpu.wait_dma2 semaphore(%run_scoped3A : memref<!tpu.dma_semaphore, #tpu.memory_space<semaphore_mem>>) src(%dma_wait3A_213 : memref<125x80xi32, #tpu.memory_space<hbm>>) dst(%arg14 : memref<125x80xi32, #tpu.memory_space<vmem>>)
          tpu.yield
        }) : () -> ()
      } else {
      }
      %ge3A_172 = arith.constant 125 : i32
      %ge3A_173 = arith.cmpi sge, %add3A_162, %ge3A_172 : i32
      %sub3A_174 = arith.constant 125 : i32
      %sub3A_175 = arith.subi %add3A_162, %sub3A_174 : i32
      %select_n3A_176 = arith.select %ge3A_173, %sub3A_175, %add3A_162 : i32
      %mul3A_177 = arith.constant 250 : i32
      %mul3A_178 = arith.muli %arg1, %mul3A_177 : i32
      %add3A_179 = arith.addi %mul3A_178, %add3A_162 : i32
      %mul3A_180 = arith.constant 80 : i32
      %mul3A_181 = arith.muli %add3A_179, %mul3A_180 : i32
      %dma_wait3A_182 = tpu.memref_slice %arg3[%mul3A_181, %mul3A_0] : memref<320000x128xf32, #tpu.memory_space<hbm>> -> memref<80x64xf32, #tpu.memory_space<hbm>>
      %dma_wait3A_183 = tpu.memref_slice %arg3[%mul3A_181, %mul3A_0] : memref<320000x128xf32, #tpu.memory_space<hbm>> -> memref<80x64xf32, #tpu.memory_space<hbm>>
      tpu.wait_dma2 semaphore(%arg17 : memref<!tpu.dma_semaphore, #tpu.memory_space<semaphore_mem>>) src(%dma_wait3A_183 : memref<80x64xf32, #tpu.memory_space<hbm>>) dst(%arg16 : memref<80x64xf32, #tpu.memory_space<vmem>>)
      %lt3A_184 = arith.constant 249 : i32
      %lt3A_185 = arith.cmpi slt, %add3A_162, %lt3A_184 : i32
      %convert_element_type3A_186 = arith.extui %lt3A_185 : i1 to i32
      %cond3A_187 = arith.constant 0 : i32
      %cond3A_188 = arith.cmpi ne, %convert_element_type3A_186, %cond3A_187 : i32
      scf.if %cond3A_188 {
        %add3A_202 = arith.constant 1 : i32
        %add3A_203 = arith.addi %add3A_162, %add3A_202 : i32
        %mul3A_204 = arith.constant 250 : i32
        %mul3A_205 = arith.muli %arg1, %mul3A_204 : i32
        %add3A_206 = arith.addi %mul3A_205, %add3A_203 : i32
        %mul3A_207 = arith.constant 80 : i32
        %mul3A_208 = arith.muli %add3A_206, %mul3A_207 : i32
        %dma_start3A_209 = tpu.memref_slice %arg3[%mul3A_208, %mul3A_0] : memref<320000x128xf32, #tpu.memory_space<hbm>> -> memref<80x64xf32, #tpu.memory_space<hbm>>
        %dma_start3A_210 = tpu.memref_slice %arg3[%mul3A_208, %mul3A_0] : memref<320000x128xf32, #tpu.memory_space<hbm>> -> memref<80x64xf32, #tpu.memory_space<hbm>>
        tpu.enqueue_dma source(%dma_start3A_210 : memref<80x64xf32, #tpu.memory_space<hbm>>) target(%arg15 : memref<80x64xf32, #tpu.memory_space<vmem>>) target_semaphore(%arg17 : memref<!tpu.dma_semaphore, #tpu.memory_space<semaphore_mem>>)
      } else {
      }
      %dma_start3A_189 = arith.constant 0 : i32
      %dma_start3A_190 = tpu.memref_slice %arg13[%select_n3A_176, %dma_start3A_189] : memref<125x80xi32, #tpu.memory_space<vmem>> -> memref<1x80xi32, #tpu.memory_space<vmem>>
      %dma_start3A_191 = tpu.memref_squeeze %dma_start3A_190 : memref<1x80xi32, #tpu.memory_space<vmem>> -> memref<80xi32, #tpu.memory_space<vmem>>
      %dma_start3A_192 = arith.constant 0 : i32
      %dma_start3A_193 = arith.constant 0 : i32
      %dma_start3A_194 = tpu.memref_slice %arg11[%dma_start3A_192, %dma_start3A_193] : memref<10000x64xf32, #tpu.memory_space<vmem_shared>> -> memref<10000x64xf32, #tpu.memory_space<vmem_shared>>
      tpu.enqueue_indirect_dma source(%arg16 : memref<80x64xf32, #tpu.memory_space<vmem>>) target(%dma_start3A_194 : memref<10000x64xf32, #tpu.memory_space<vmem_shared>>) offsets(%dma_start3A_191 : memref<80xi32, #tpu.memory_space<vmem>>) semaphore(%arg18 : memref<!tpu.dma_semaphore, #tpu.memory_space<semaphore_mem>>) {add = true}
      %dma_start3A_195 = arith.constant 0 : i32
      %dma_start3A_196 = tpu.memref_slice %arg14[%select_n3A_176, %dma_start3A_195] : memref<125x80xi32, #tpu.memory_space<vmem>> -> memref<1x80xi32, #tpu.memory_space<vmem>>
      %dma_start3A_197 = tpu.memref_squeeze %dma_start3A_196 : memref<1x80xi32, #tpu.memory_space<vmem>> -> memref<80xi32, #tpu.memory_space<vmem>>
      %dma_start3A_198 = arith.constant 0 : i32
      %dma_start3A_199 = arith.constant 0 : i32
      %dma_start3A_200 = tpu.memref_slice %arg12[%dma_start3A_198, %dma_start3A_199] : memref<10000x64xf32, #tpu.memory_space<vmem_shared>> -> memref<10000x64xf32, #tpu.memory_space<vmem_shared>>
      tpu.enqueue_indirect_dma source(%arg16 : memref<80x64xf32, #tpu.memory_space<vmem>>) target(%dma_start3A_200 : memref<10000x64xf32, #tpu.memory_space<vmem_shared>>) offsets(%dma_start3A_197 : memref<80xi32, #tpu.memory_space<vmem>>) semaphore(%arg18 : memref<!tpu.dma_semaphore, #tpu.memory_space<semaphore_mem>>) {add = true}
      %scan3A_201 = arith.constant 0 : i32
      scf.yield %scan3A_201 : i32
    }
    %scan3A_92 = arith.constant 125 : i32
    %dma_wait3A_93 = arith.constant 0 : i32
    %dma_wait3A_94 = arith.constant 0 : i32
    %dma_wait3A_95 = tpu.memref_slice %arg11[%dma_wait3A_93, %dma_wait3A_94] : memref<10000x64xf32, #tpu.memory_space<vmem_shared>> -> memref<80x64xf32, #tpu.memory_space<vmem_shared>>
    %dma_wait3A_96 = arith.constant 0 : i32
    %dma_wait3A_97 = arith.constant 0 : i32
    %dma_wait3A_98 = tpu.memref_slice %arg11[%dma_wait3A_96, %dma_wait3A_97] : memref<10000x64xf32, #tpu.memory_space<vmem_shared>> -> memref<80x64xf32, #tpu.memory_space<vmem_shared>>
    tpu.wait_dma2 semaphore(%arg18 : memref<!tpu.dma_semaphore, #tpu.memory_space<semaphore_mem>>) src(%arg16 : memref<80x64xf32, #tpu.memory_space<vmem>>) dst(%dma_wait3A_98 : memref<80x64xf32, #tpu.memory_space<vmem_shared>>)
    %dma_wait3A_99 = arith.constant 0 : i32
    %dma_wait3A_100 = arith.constant 0 : i32
    %dma_wait3A_101 = tpu.memref_slice %arg12[%dma_wait3A_99, %dma_wait3A_100] : memref<10000x64xf32, #tpu.memory_space<vmem_shared>> -> memref<80x64xf32, #tpu.memory_space<vmem_shared>>
    %dma_wait3A_102 = arith.constant 0 : i32
    %dma_wait3A_103 = arith.constant 0 : i32
    %dma_wait3A_104 = tpu.memref_slice %arg12[%dma_wait3A_102, %dma_wait3A_103] : memref<10000x64xf32, #tpu.memory_space<vmem_shared>> -> memref<80x64xf32, #tpu.memory_space<vmem_shared>>
    tpu.wait_dma2 semaphore(%arg18 : memref<!tpu.dma_semaphore, #tpu.memory_space<semaphore_mem>>) src(%arg16 : memref<80x64xf32, #tpu.memory_space<vmem>>) dst(%dma_wait3A_104 : memref<80x64xf32, #tpu.memory_space<vmem_shared>>)
    %barrier3A_105 = arith.constant 0 : index
    tpu.barrier barrier_id(%barrier3A_105)
    %mul3A_106 = arith.constant 625 : i32
    %mul3A_107 = arith.muli %mul3A_106, %arg1 : i32
    %mul3A_108 = arith.constant 625 : i32
    %mul3A_109 = arith.muli %mul3A_108, %arg1 : i32
    %dma_start3A_110 = tpu.memref_slice %arg9[%mul3A_109, %mul3A_0] : memref<10000x128xf32, #tpu.memory_space<hbm>> -> memref<625x64xf32, #tpu.memory_space<hbm>>
    %dma_start3A_111 = arith.constant 0 : i32
    %dma_start3A_112 = tpu.memref_slice %arg11[%mul3A_107, %dma_start3A_111] : memref<10000x64xf32, #tpu.memory_space<vmem_shared>> -> memref<625x64xf32, #tpu.memory_space<vmem_shared>>
    tpu.enqueue_dma source(%dma_start3A_112 : memref<625x64xf32, #tpu.memory_space<vmem_shared>>) target(%dma_start3A_110 : memref<625x64xf32, #tpu.memory_space<hbm>>) target_semaphore(%arg19 : memref<!tpu.dma_semaphore, #tpu.memory_space<semaphore_mem>>)
    %mul3A_113 = arith.constant 625 : i32
    %mul3A_114 = arith.muli %mul3A_113, %arg1 : i32
    %mul3A_115 = arith.constant 625 : i32
    %mul3A_116 = arith.muli %mul3A_115, %arg1 : i32
    %dma_start3A_117 = tpu.memref_slice %arg10[%mul3A_116, %mul3A_0] : memref<10000x128xf32, #tpu.memory_space<hbm>> -> memref<625x64xf32, #tpu.memory_space<hbm>>
    %dma_start3A_118 = arith.constant 0 : i32
    %dma_start3A_119 = tpu.memref_slice %arg12[%mul3A_114, %dma_start3A_118] : memref<10000x64xf32, #tpu.memory_space<vmem_shared>> -> memref<625x64xf32, #tpu.memory_space<vmem_shared>>
    tpu.enqueue_dma source(%dma_start3A_119 : memref<625x64xf32, #tpu.memory_space<vmem_shared>>) target(%dma_start3A_117 : memref<625x64xf32, #tpu.memory_space<hbm>>) target_semaphore(%arg19 : memref<!tpu.dma_semaphore, #tpu.memory_space<semaphore_mem>>)
    %dma_wait3A_120 = tpu.memref_slice %arg9[%mul3A_109, %mul3A_0] : memref<10000x128xf32, #tpu.memory_space<hbm>> -> memref<625x64xf32, #tpu.memory_space<hbm>>
    %dma_wait3A_121 = arith.constant 0 : i32
    %dma_wait3A_122 = tpu.memref_slice %arg11[%mul3A_107, %dma_wait3A_121] : memref<10000x64xf32, #tpu.memory_space<vmem_shared>> -> memref<625x64xf32, #tpu.memory_space<vmem_shared>>
    tpu.wait_dma2 semaphore(%arg19 : memref<!tpu.dma_semaphore, #tpu.memory_space<semaphore_mem>>) src(%dma_wait3A_122 : memref<625x64xf32, #tpu.memory_space<vmem_shared>>) dst(%dma_wait3A_120 : memref<625x64xf32, #tpu.memory_space<hbm>>)
    %dma_wait3A_123 = tpu.memref_slice %arg10[%mul3A_116, %mul3A_0] : memref<10000x128xf32, #tpu.memory_space<hbm>> -> memref<625x64xf32, #tpu.memory_space<hbm>>
    %dma_wait3A_124 = arith.constant 0 : i32
    %dma_wait3A_125 = tpu.memref_slice %arg12[%mul3A_114, %dma_wait3A_124] : memref<10000x64xf32, #tpu.memory_space<vmem_shared>> -> memref<625x64xf32, #tpu.memory_space<vmem_shared>>
    tpu.wait_dma2 semaphore(%arg19 : memref<!tpu.dma_semaphore, #tpu.memory_space<semaphore_mem>>) src(%dma_wait3A_125 : memref<625x64xf32, #tpu.memory_space<vmem_shared>>) dst(%dma_wait3A_123 : memref<625x64xf32, #tpu.memory_space<hbm>>)
    return
  }
}

module attributes {stable_mosaic.version = 14 : i64} {
  func.func @_edge_mlp_b_body(%arg0: i32, %arg1: memref<2000x16xf32, #tpu.memory_space<vmem>>, %arg2: memref<16x256xf32, #tpu.memory_space<vmem>>, %arg3: memref<1x256xf32, #tpu.memory_space<vmem>>, %arg4: memref<256x128xf32, #tpu.memory_space<vmem>>, %arg5: memref<1x128xf32, #tpu.memory_space<vmem>>, %arg6: memref<2000x128xf32, #tpu.memory_space<vmem>>, %arg7: memref<2000x128xf32, #tpu.memory_space<vmem>>, %arg8: memref<1x256xf32, #tpu.memory_space<vmem>>, %arg9: memref<1x128xf32, #tpu.memory_space<vmem>>) attributes {dimension_semantics = [#tpu.dimension_semantics<arbitrary>], iteration_bounds = array<i64: 160>, scalar_prefetch = 0 : i64, scratch_operands = 0 : i64, tpu.core_type = #tpu.core_type<tc>, window_params = [{transform_indices = @transform_0, window_bounds = array<i64: 2000, 16>}, {pipeline_mode = #tpu.pipeline_mode<synchronous>, transform_indices = @transform_1, window_bounds = array<i64: 16, 256>}, {pipeline_mode = #tpu.pipeline_mode<synchronous>, transform_indices = @transform_2, window_bounds = array<i64: 1, 256>}, {pipeline_mode = #tpu.pipeline_mode<synchronous>, transform_indices = @transform_3, window_bounds = array<i64: 256, 128>}, {pipeline_mode = #tpu.pipeline_mode<synchronous>, transform_indices = @transform_4, window_bounds = array<i64: 1, 128>}, {transform_indices = @transform_5, window_bounds = array<i64: 2000, 128>}, {transform_indices = @transform_6, window_bounds = array<i64: 2000, 128>}, {pipeline_mode = #tpu.pipeline_mode<synchronous>, transform_indices = @transform_7, window_bounds = array<i64: 1, 256>}, {pipeline_mode = #tpu.pipeline_mode<synchronous>, transform_indices = @transform_8, window_bounds = array<i64: 1, 128>}]} {
    %get3A = arith.constant 0 : index
    %get3A_0 = arith.constant 0 : index
    %get3A_1 = vector.load %arg1[%get3A, %get3A_0] : memref<2000x16xf32, #tpu.memory_space<vmem>>, vector<2000x16xf32>
    %get3A_2 = arith.constant 0 : index
    %get3A_3 = arith.constant 0 : index
    %get3A_4 = vector.load %arg2[%get3A_2, %get3A_3] : memref<16x256xf32, #tpu.memory_space<vmem>>, vector<16x256xf32>
    %dot_general3A = arith.constant dense<0.000000e+00> : vector<2000x256xf32>
    %dot_general3A_5 = tpu.matmul %get3A_1, %get3A_4, %dot_general3A {dimension_numbers = #tpu.dot_dimension_numbers<[1], [0], [0], [1], [0, 0, 1, 1], [], []>, transpose_lhs_hint = false} : vector<2000x16xf32>, vector<16x256xf32>, vector<2000x256xf32> -> vector<2000x256xf32>
    %get3A_6 = arith.constant 0 : index
    %get3A_7 = arith.constant 0 : index
    %get3A_8 = vector.load %arg3[%get3A_6, %get3A_7] : memref<1x256xf32, #tpu.memory_space<vmem>>, vector<1x256xf32>
    %add3A = vector.broadcast %get3A_8 : vector<1x256xf32> to vector<2000x256xf32>
    %add3A_9 = arith.addf %dot_general3A_5, %add3A : vector<2000x256xf32>
    %max3A = arith.constant 0.000000e+00 : f32
    %max3A_10 = vector.broadcast %max3A : f32 to vector<2000x256xf32>
    %max3A_11 = arith.maximumf %add3A_9, %max3A_10 : vector<2000x256xf32>
    %get3A_12 = arith.constant 0 : index
    %get3A_13 = arith.constant 0 : index
    %get3A_14 = vector.load %arg4[%get3A_12, %get3A_13] : memref<256x128xf32, #tpu.memory_space<vmem>>, vector<256x128xf32>
    %dot_general3A_15 = arith.constant dense<0.000000e+00> : vector<2000x128xf32>
    %dot_general3A_16 = tpu.matmul %max3A_11, %get3A_14, %dot_general3A_15 {dimension_numbers = #tpu.dot_dimension_numbers<[1], [0], [0], [1], [0, 0, 1, 1], [], []>, transpose_lhs_hint = false} : vector<2000x256xf32>, vector<256x128xf32>, vector<2000x128xf32> -> vector<2000x128xf32>
    %get3A_17 = arith.constant 0 : index
    %get3A_18 = arith.constant 0 : index
    %get3A_19 = vector.load %arg5[%get3A_17, %get3A_18] : memref<1x128xf32, #tpu.memory_space<vmem>>, vector<1x128xf32>
    %add3A_20 = vector.broadcast %get3A_19 : vector<1x128xf32> to vector<2000x128xf32>
    %add3A_21 = arith.addf %dot_general3A_16, %add3A_20 : vector<2000x128xf32>
    %max3A_22 = arith.constant 0.000000e+00 : f32
    %max3A_23 = vector.broadcast %max3A_22 : f32 to vector<2000x128xf32>
    %max3A_24 = arith.maximumf %add3A_21, %max3A_23 : vector<2000x128xf32>
    %slice3A = vector.extract_strided_slice %max3A_11 {offsets = [0, 128], sizes = [2000, 128], strides = [1, 1]} : vector<2000x256xf32> to vector<2000x128xf32>
    %swap3A = arith.constant 0 : index
    %swap3A_25 = arith.constant 0 : index
    %swap3A_26 = vector.load %arg6[%swap3A, %swap3A_25] : memref<2000x128xf32, #tpu.memory_space<vmem>>, vector<2000x128xf32>
    tpu.vector_store %arg6[%swap3A, %swap3A_25], %slice3A {strides = array<i32>} : memref<2000x128xf32, #tpu.memory_space<vmem>>, vector<2000x128xf32>,
    %swap3A_27 = arith.constant 0 : index
    %swap3A_28 = arith.constant 0 : index
    %swap3A_29 = vector.load %arg7[%swap3A_27, %swap3A_28] : memref<2000x128xf32, #tpu.memory_space<vmem>>, vector<2000x128xf32>
    tpu.vector_store %arg7[%swap3A_27, %swap3A_28], %max3A_24 {strides = array<i32>} : memref<2000x128xf32, #tpu.memory_space<vmem>>, vector<2000x128xf32>,
    %eq3A = arith.constant 0 : i32
    %eq3A_30 = arith.cmpi eq, %arg0, %eq3A : i32
    %convert_element_type3A = arith.extui %eq3A_30 : i1 to i32
    %cond3A = arith.constant 0 : i32
    %cond3A_31 = arith.cmpi ne, %convert_element_type3A, %cond3A : i32
    scf.if %cond3A_31 {
      %broadcast_in_dim3A_50 = arith.constant 0.000000e+00 : f32
      %broadcast_in_dim3A_51 = vector.broadcast %broadcast_in_dim3A_50 : f32 to vector<1x256xf32>
      %swap3A_52 = arith.constant 0 : index
      %swap3A_53 = arith.constant 0 : index
      %swap3A_54 = vector.load %arg8[%swap3A_52, %swap3A_53] : memref<1x256xf32, #tpu.memory_space<vmem>>, vector<1x256xf32>
      tpu.vector_store %arg8[%swap3A_52, %swap3A_53], %broadcast_in_dim3A_51 {strides = array<i32>} : memref<1x256xf32, #tpu.memory_space<vmem>>, vector<1x256xf32>,
      %broadcast_in_dim3A_55 = arith.constant 0.000000e+00 : f32
      %broadcast_in_dim3A_56 = vector.broadcast %broadcast_in_dim3A_55 : f32 to vector<1x128xf32>
      %swap3A_57 = arith.constant 0 : index
      %swap3A_58 = arith.constant 0 : index
      %swap3A_59 = vector.load %arg9[%swap3A_57, %swap3A_58] : memref<1x128xf32, #tpu.memory_space<vmem>>, vector<1x128xf32>
      tpu.vector_store %arg9[%swap3A_57, %swap3A_58], %broadcast_in_dim3A_56 {strides = array<i32>} : memref<1x128xf32, #tpu.memory_space<vmem>>, vector<1x128xf32>,
    } else {
    }
    %get3A_32 = arith.constant 0 : index
    %get3A_33 = arith.constant 0 : index
    %get3A_34 = vector.load %arg8[%get3A_32, %get3A_33] : memref<1x256xf32, #tpu.memory_space<vmem>>, vector<1x256xf32>
    %reduce_sum3A = arith.constant dense<0.000000e+00> : vector<256xf32>
    %reduce_sum3A_35 = vector.multi_reduction <add>, %max3A_11, %reduce_sum3A [0] : vector<2000x256xf32> to vector<256xf32>
    %broadcast_in_dim3A = vector.shape_cast %reduce_sum3A_35 : vector<256xf32> to vector<1x256xf32>
    %add3A_36 = arith.addf %get3A_34, %broadcast_in_dim3A : vector<1x256xf32>
    %swap3A_37 = arith.constant 0 : index
    %swap3A_38 = arith.constant 0 : index
    %swap3A_39 = vector.load %arg8[%swap3A_37, %swap3A_38] : memref<1x256xf32, #tpu.memory_space<vmem>>, vector<1x256xf32>
    tpu.vector_store %arg8[%swap3A_37, %swap3A_38], %add3A_36 {strides = array<i32>} : memref<1x256xf32, #tpu.memory_space<vmem>>, vector<1x256xf32>,
    %get3A_40 = arith.constant 0 : index
    %get3A_41 = arith.constant 0 : index
    %get3A_42 = vector.load %arg9[%get3A_40, %get3A_41] : memref<1x128xf32, #tpu.memory_space<vmem>>, vector<1x128xf32>
    %reduce_sum3A_43 = arith.constant dense<0.000000e+00> : vector<128xf32>
    %reduce_sum3A_44 = vector.multi_reduction <add>, %max3A_24, %reduce_sum3A_43 [0] : vector<2000x128xf32> to vector<128xf32>
    %broadcast_in_dim3A_45 = vector.shape_cast %reduce_sum3A_44 : vector<128xf32> to vector<1x128xf32>
    %add3A_46 = arith.addf %get3A_42, %broadcast_in_dim3A_45 : vector<1x128xf32>
    %swap3A_47 = arith.constant 0 : index
    %swap3A_48 = arith.constant 0 : index
    %swap3A_49 = vector.load %arg9[%swap3A_47, %swap3A_48] : memref<1x128xf32, #tpu.memory_space<vmem>>, vector<1x128xf32>
    tpu.vector_store %arg9[%swap3A_47, %swap3A_48], %add3A_46 {strides = array<i32>} : memref<1x128xf32, #tpu.memory_space<vmem>>, vector<1x128xf32>,
    return
  }
  func.func @transform_0(%arg0: i32) -> (i32, i32) {
    %c0_i32 = arith.constant 0 : i32
    %c0_i32_0 = arith.constant 0 : i32
    return %arg0, %c0_i32 : i32, i32
  }
  func.func @transform_1(%arg0: i32) -> (i32, i32) {
    %c0_i32 = arith.constant 0 : i32
    %c0_i32_0 = arith.constant 0 : i32
    %c0_i32_1 = arith.constant 0 : i32
    return %c0_i32, %c0_i32_0 : i32, i32
  }
  func.func @transform_2(%arg0: i32) -> (i32, i32) {
    %c0_i32 = arith.constant 0 : i32
    %c0_i32_0 = arith.constant 0 : i32
    %c0_i32_1 = arith.constant 0 : i32
    return %c0_i32, %c0_i32_0 : i32, i32
  }
  func.func @transform_3(%arg0: i32) -> (i32, i32) {
    %c0_i32 = arith.constant 0 : i32
    %c0_i32_0 = arith.constant 0 : i32
    %c0_i32_1 = arith.constant 0 : i32
    return %c0_i32, %c0_i32_0 : i32, i32
  }
  func.func @transform_4(%arg0: i32) -> (i32, i32) {
    %c0_i32 = arith.constant 0 : i32
    %c0_i32_0 = arith.constant 0 : i32
    %c0_i32_1 = arith.constant 0 : i32
    return %c0_i32, %c0_i32_0 : i32, i32
  }
  func.func @transform_5(%arg0: i32) -> (i32, i32) {
    %c0_i32 = arith.constant 0 : i32
    %c0_i32_0 = arith.constant 0 : i32
    return %arg0, %c0_i32 : i32, i32
  }
  func.func @transform_6(%arg0: i32) -> (i32, i32) {
    %c0_i32 = arith.constant 0 : i32
    %c0_i32_0 = arith.constant 0 : i32
    return %arg0, %c0_i32 : i32, i32
  }
  func.func @transform_7(%arg0: i32) -> (i32, i32) {
    %c0_i32 = arith.constant 0 : i32
    %c0_i32_0 = arith.constant 0 : i32
    %c0_i32_1 = arith.constant 0 : i32
    return %c0_i32, %c0_i32_0 : i32, i32
  }
  func.func @transform_8(%arg0: i32) -> (i32, i32) {
    %c0_i32 = arith.constant 0 : i32
    %c0_i32_0 = arith.constant 0 : i32
    %c0_i32_1 = arith.constant 0 : i32
    return %c0_i32, %c0_i32_0 : i32, i32
  }
}

module attributes {stable_mosaic.version = 14 : i64} {
  func.func @_edge_mlp_a_body(%arg0: i32, %arg1: memref<2000x16xf32, #tpu.memory_space<vmem>>, %arg2: memref<16x128xf32, #tpu.memory_space<vmem>>, %arg3: memref<1x128xf32, #tpu.memory_space<vmem>>, %arg4: memref<2000x128xf32, #tpu.memory_space<vmem>>) attributes {dimension_semantics = [#tpu.dimension_semantics<arbitrary>], iteration_bounds = array<i64: 160>, scalar_prefetch = 0 : i64, scratch_operands = 0 : i64, tpu.core_type = #tpu.core_type<tc>, window_params = [{transform_indices = @transform_0, window_bounds = array<i64: 2000, 16>}, {pipeline_mode = #tpu.pipeline_mode<synchronous>, transform_indices = @transform_1, window_bounds = array<i64: 16, 128>}, {pipeline_mode = #tpu.pipeline_mode<synchronous>, transform_indices = @transform_2, window_bounds = array<i64: 1, 128>}, {transform_indices = @transform_3, window_bounds = array<i64: 2000, 128>}]} {
    %get3A = arith.constant 0 : index
    %get3A_0 = arith.constant 0 : index
    %get3A_1 = vector.load %arg1[%get3A, %get3A_0] : memref<2000x16xf32, #tpu.memory_space<vmem>>, vector<2000x16xf32>
    %get3A_2 = arith.constant 0 : index
    %get3A_3 = arith.constant 0 : index
    %get3A_4 = vector.load %arg2[%get3A_2, %get3A_3] : memref<16x128xf32, #tpu.memory_space<vmem>>, vector<16x128xf32>
    %dot_general3A = arith.constant dense<0.000000e+00> : vector<2000x128xf32>
    %dot_general3A_5 = tpu.matmul %get3A_1, %get3A_4, %dot_general3A {dimension_numbers = #tpu.dot_dimension_numbers<[1], [0], [0], [1], [0, 0, 1, 1], [], []>, transpose_lhs_hint = false} : vector<2000x16xf32>, vector<16x128xf32>, vector<2000x128xf32> -> vector<2000x128xf32>
    %get3A_6 = arith.constant 0 : index
    %get3A_7 = arith.constant 0 : index
    %get3A_8 = vector.load %arg3[%get3A_6, %get3A_7] : memref<1x128xf32, #tpu.memory_space<vmem>>, vector<1x128xf32>
    %add3A = vector.broadcast %get3A_8 : vector<1x128xf32> to vector<2000x128xf32>
    %add3A_9 = arith.addf %dot_general3A_5, %add3A : vector<2000x128xf32>
    %max3A = arith.constant 0.000000e+00 : f32
    %max3A_10 = vector.broadcast %max3A : f32 to vector<2000x128xf32>
    %max3A_11 = arith.maximumf %add3A_9, %max3A_10 : vector<2000x128xf32>
    %swap3A = arith.constant 0 : index
    %swap3A_12 = arith.constant 0 : index
    %swap3A_13 = vector.load %arg4[%swap3A, %swap3A_12] : memref<2000x128xf32, #tpu.memory_space<vmem>>, vector<2000x128xf32>
    tpu.vector_store %arg4[%swap3A, %swap3A_12], %max3A_11 {strides = array<i32>} : memref<2000x128xf32, #tpu.memory_space<vmem>>, vector<2000x128xf32>,
    return
  }
  func.func @transform_0(%arg0: i32) -> (i32, i32) {
    %c0_i32 = arith.constant 0 : i32
    %c0_i32_0 = arith.constant 0 : i32
    return %arg0, %c0_i32 : i32, i32
  }
  func.func @transform_1(%arg0: i32) -> (i32, i32) {
    %c0_i32 = arith.constant 0 : i32
    %c0_i32_0 = arith.constant 0 : i32
    %c0_i32_1 = arith.constant 0 : i32
    return %c0_i32, %c0_i32_0 : i32, i32
  }
  func.func @transform_2(%arg0: i32) -> (i32, i32) {
    %c0_i32 = arith.constant 0 : i32
    %c0_i32_0 = arith.constant 0 : i32
    %c0_i32_1 = arith.constant 0 : i32
    return %c0_i32, %c0_i32_0 : i32, i32
  }
  func.func @transform_3(%arg0: i32) -> (i32, i32) {
    %c0_i32 = arith.constant 0 : i32
    %c0_i32_0 = arith.constant 0 : i32
    return %arg0, %c0_i32 : i32, i32
  }
}

module attributes {stable_mosaic.version = 14 : i64} {
  func.func @_node_body(%arg0: i32, %arg1: memref<1000x128xf32, #tpu.memory_space<vmem>>, %arg2: memref<1000x128xf32, #tpu.memory_space<vmem>>, %arg3: memref<1000x128xf32, #tpu.memory_space<vmem>>, %arg4: memref<1000x128xf32, #tpu.memory_space<vmem>>, %arg5: memref<1000x128xf32, #tpu.memory_space<vmem>>, %arg6: memref<1000x128xf32, #tpu.memory_space<vmem>>, %arg7: memref<1000x128xf32, #tpu.memory_space<vmem>>, %arg8: memref<1000x16xf32, #tpu.memory_space<vmem>>, %arg9: memref<1000x16xf32, #tpu.memory_space<vmem>>, %arg10: memref<1x256xf32, #tpu.memory_space<vmem>>, %arg11: memref<1x128xf32, #tpu.memory_space<vmem>>, %arg12: memref<1x128xf32, #tpu.memory_space<vmem>>, %arg13: memref<128x256xf32, #tpu.memory_space<vmem>>, %arg14: memref<128x256xf32, #tpu.memory_space<vmem>>, %arg15: memref<128x256xf32, #tpu.memory_space<vmem>>, %arg16: memref<128x256xf32, #tpu.memory_space<vmem>>, %arg17: memref<128x256xf32, #tpu.memory_space<vmem>>, %arg18: memref<1x256xf32, #tpu.memory_space<vmem>>, %arg19: memref<128x256xf32, #tpu.memory_space<vmem>>, %arg20: memref<256x256xf32, #tpu.memory_space<vmem>>, %arg21: memref<256x256xf32, #tpu.memory_space<vmem>>, %arg22: memref<1x256xf32, #tpu.memory_space<vmem>>, %arg23: memref<256x128xf32, #tpu.memory_space<vmem>>, %arg24: memref<128x128xf32, #tpu.memory_space<vmem>>, %arg25: memref<128x128xf32, #tpu.memory_space<vmem>>, %arg26: memref<1x128xf32, #tpu.memory_space<vmem>>, %arg27: memref<256x128xf32, #tpu.memory_space<vmem>>, %arg28: memref<128x128xf32, #tpu.memory_space<vmem>>, %arg29: memref<128x128xf32, #tpu.memory_space<vmem>>, %arg30: memref<1x128xf32, #tpu.memory_space<vmem>>, %arg31: memref<1000x128xf32, #tpu.memory_space<vmem>>, %arg32: memref<1x128xf32, #tpu.memory_space<vmem>>, %arg33: memref<1x256xf32, #tpu.memory_space<vmem>>, %arg34: memref<1x128xf32, #tpu.memory_space<vmem>>) attributes {dimension_semantics = [#tpu.dimension_semantics<arbitrary>], iteration_bounds = array<i64: 10>, scalar_prefetch = 0 : i64, scratch_operands = 2 : i64, tpu.core_type = #tpu.core_type<tc>, window_params = [{transform_indices = @transform_0, window_bounds = array<i64: 1000, 128>}, {transform_indices = @transform_1, window_bounds = array<i64: 1000, 128>}, {transform_indices = @transform_2, window_bounds = array<i64: 1000, 128>}, {transform_indices = @transform_3, window_bounds = array<i64: 1000, 128>}, {transform_indices = @transform_4, window_bounds = array<i64: 1000, 128>}, {transform_indices = @transform_5, window_bounds = array<i64: 1000, 128>}, {transform_indices = @transform_6, window_bounds = array<i64: 1000, 128>}, {transform_indices = @transform_7, window_bounds = array<i64: 1000, 16>}, {transform_indices = @transform_8, window_bounds = array<i64: 1000, 16>}, {pipeline_mode = #tpu.pipeline_mode<synchronous>, transform_indices = @transform_9, window_bounds = array<i64: 1, 256>}, {pipeline_mode = #tpu.pipeline_mode<synchronous>, transform_indices = @transform_10, window_bounds = array<i64: 1, 128>}, {pipeline_mode = #tpu.pipeline_mode<synchronous>, transform_indices = @transform_11, window_bounds = array<i64: 1, 128>}, {pipeline_mode = #tpu.pipeline_mode<synchronous>, transform_indices = @transform_12, window_bounds = array<i64: 128, 256>}, {pipeline_mode = #tpu.pipeline_mode<synchronous>, transform_indices = @transform_13, window_bounds = array<i64: 128, 256>}, {pipeline_mode = #tpu.pipeline_mode<synchronous>, transform_indices = @transform_14, window_bounds = array<i64: 128, 256>}, {pipeline_mode = #tpu.pipeline_mode<synchronous>, transform_indices = @transform_15, window_bounds = array<i64: 128, 256>}, {pipeline_mode = #tpu.pipeline_mode<synchronous>, transform_indices = @transform_16, window_bounds = array<i64: 128, 256>}, {pipeline_mode = #tpu.pipeline_mode<synchronous>, transform_indices = @transform_17, window_bounds = array<i64: 1, 256>}, {pipeline_mode = #tpu.pipeline_mode<synchronous>, transform_indices = @transform_18, window_bounds = array<i64: 128, 256>}, {pipeline_mode = #tpu.pipeline_mode<synchronous>, transform_indices = @transform_19, window_bounds = array<i64: 256, 256>}, {pipeline_mode = #tpu.pipeline_mode<synchronous>, transform_indices = @transform_20, window_bounds = array<i64: 256, 256>}, {pipeline_mode = #tpu.pipeline_mode<synchronous>, transform_indices = @transform_21, window_bounds = array<i64: 1, 256>}, {pipeline_mode = #tpu.pipeline_mode<synchronous>, transform_indices = @transform_22, window_bounds = array<i64: 256, 128>}, {pipeline_mode = #tpu.pipeline_mode<synchronous>, transform_indices = @transform_23, window_bounds = array<i64: 128, 128>}, {pipeline_mode = #tpu.pipeline_mode<synchronous>, transform_indices = @transform_24, window_bounds = array<i64: 128, 128>}, {pipeline_mode = #tpu.pipeline_mode<synchronous>, transform_indices = @transform_25, window_bounds = array<i64: 1, 128>}, {pipeline_mode = #tpu.pipeline_mode<synchronous>, transform_indices = @transform_26, window_bounds = array<i64: 256, 128>}, {pipeline_mode = #tpu.pipeline_mode<synchronous>, transform_indices = @transform_27, window_bounds = array<i64: 128, 128>}, {pipeline_mode = #tpu.pipeline_mode<synchronous>, transform_indices = @transform_28, window_bounds = array<i64: 128, 128>}, {pipeline_mode = #tpu.pipeline_mode<synchronous>, transform_indices = @transform_29, window_bounds = array<i64: 1, 128>}, {transform_indices = @transform_30, window_bounds = array<i64: 1000, 128>}, {pipeline_mode = #tpu.pipeline_mode<synchronous>, transform_indices = @transform_31, window_bounds = array<i64: 1, 128>}]} {
    %get3A = arith.constant 0 : index
    %get3A_0 = arith.constant 0 : index
    %get3A_1 = vector.load %arg8[%get3A, %get3A_0] : memref<1000x16xf32, #tpu.memory_space<vmem>>, vector<1000x1xf32>
    %max3A = arith.constant 1.000000e+00 : f32
    %max3A_2 = vector.broadcast %max3A : f32 to vector<1000x1xf32>
    %max3A_3 = arith.maximumf %get3A_1, %max3A_2 : vector<1000x1xf32>
    %get3A_4 = arith.constant 0 : index
    %get3A_5 = arith.constant 0 : index
    %get3A_6 = vector.load %arg9[%get3A_4, %get3A_5] : memref<1000x16xf32, #tpu.memory_space<vmem>>, vector<1000x1xf32>
    %max3A_7 = arith.constant 1.000000e+00 : f32
    %max3A_8 = vector.broadcast %max3A_7 : f32 to vector<1000x1xf32>
    %max3A_9 = arith.maximumf %get3A_6, %max3A_8 : vector<1000x1xf32>
    %get3A_10 = arith.constant 0 : index
    %get3A_11 = arith.constant 0 : index
    %get3A_12 = vector.load %arg1[%get3A_10, %get3A_11] : memref<1000x128xf32, #tpu.memory_space<vmem>>, vector<1000x128xf32>
    %get3A_13 = arith.constant 0 : index
    %get3A_14 = arith.constant 0 : index
    %get3A_15 = vector.load %arg13[%get3A_13, %get3A_14] : memref<128x256xf32, #tpu.memory_space<vmem>>, vector<128x256xf32>
    %dot_general3A = arith.constant dense<0.000000e+00> : vector<1000x256xf32>
    %dot_general3A_16 = tpu.matmul %get3A_12, %get3A_15, %dot_general3A {dimension_numbers = #tpu.dot_dimension_numbers<[1], [0], [0], [1], [0, 0, 1, 1], [], []>, transpose_lhs_hint = false} : vector<1000x128xf32>, vector<128x256xf32>, vector<1000x256xf32> -> vector<1000x256xf32>
    %get3A_17 = arith.constant 0 : index
    %get3A_18 = arith.constant 0 : index
    %get3A_19 = vector.load %arg2[%get3A_17, %get3A_18] : memref<1000x128xf32, #tpu.memory_space<vmem>>, vector<1000x128xf32>
    %div3A = vector.broadcast %max3A_3 : vector<1000x1xf32> to vector<1000x128xf32>
    %div3A_20 = arith.divf %get3A_19, %div3A : vector<1000x128xf32>
    %get3A_21 = arith.constant 0 : index
    %get3A_22 = arith.constant 0 : index
    %get3A_23 = vector.load %arg14[%get3A_21, %get3A_22] : memref<128x256xf32, #tpu.memory_space<vmem>>, vector<128x256xf32>
    %dot_general3A_24 = arith.constant dense<0.000000e+00> : vector<1000x256xf32>
    %dot_general3A_25 = tpu.matmul %div3A_20, %get3A_23, %dot_general3A_24 {dimension_numbers = #tpu.dot_dimension_numbers<[1], [0], [0], [1], [0, 0, 1, 1], [], []>, transpose_lhs_hint = false} : vector<1000x128xf32>, vector<128x256xf32>, vector<1000x256xf32> -> vector<1000x256xf32>
    %add3A = arith.addf %dot_general3A_16, %dot_general3A_25 : vector<1000x256xf32>
    %get3A_26 = arith.constant 0 : index
    %get3A_27 = arith.constant 0 : index
    %get3A_28 = vector.load %arg3[%get3A_26, %get3A_27] : memref<1000x128xf32, #tpu.memory_space<vmem>>, vector<1000x128xf32>
    %div3A_29 = vector.broadcast %max3A_3 : vector<1000x1xf32> to vector<1000x128xf32>
    %div3A_30 = arith.divf %get3A_28, %div3A_29 : vector<1000x128xf32>
    %get3A_31 = arith.constant 0 : index
    %get3A_32 = arith.constant 0 : index
    %get3A_33 = vector.load %arg15[%get3A_31, %get3A_32] : memref<128x256xf32, #tpu.memory_space<vmem>>, vector<128x256xf32>
    %dot_general3A_34 = arith.constant dense<0.000000e+00> : vector<1000x256xf32>
    %dot_general3A_35 = tpu.matmul %div3A_30, %get3A_33, %dot_general3A_34 {dimension_numbers = #tpu.dot_dimension_numbers<[1], [0], [0], [1], [0, 0, 1, 1], [], []>, transpose_lhs_hint = false} : vector<1000x128xf32>, vector<128x256xf32>, vector<1000x256xf32> -> vector<1000x256xf32>
    %add3A_36 = arith.addf %add3A, %dot_general3A_35 : vector<1000x256xf32>
    %get3A_37 = arith.constant 0 : index
    %get3A_38 = arith.constant 0 : index
    %get3A_39 = vector.load %arg4[%get3A_37, %get3A_38] : memref<1000x128xf32, #tpu.memory_space<vmem>>, vector<1000x128xf32>
    %div3A_40 = vector.broadcast %max3A_9 : vector<1000x1xf32> to vector<1000x128xf32>
    %div3A_41 = arith.divf %get3A_39, %div3A_40 : vector<1000x128xf32>
    %get3A_42 = arith.constant 0 : index
    %get3A_43 = arith.constant 0 : index
    %get3A_44 = vector.load %arg16[%get3A_42, %get3A_43] : memref<128x256xf32, #tpu.memory_space<vmem>>, vector<128x256xf32>
    %dot_general3A_45 = arith.constant dense<0.000000e+00> : vector<1000x256xf32>
    %dot_general3A_46 = tpu.matmul %div3A_41, %get3A_44, %dot_general3A_45 {dimension_numbers = #tpu.dot_dimension_numbers<[1], [0], [0], [1], [0, 0, 1, 1], [], []>, transpose_lhs_hint = false} : vector<1000x128xf32>, vector<128x256xf32>, vector<1000x256xf32> -> vector<1000x256xf32>
    %add3A_47 = arith.addf %add3A_36, %dot_general3A_46 : vector<1000x256xf32>
    %get3A_48 = arith.constant 0 : index
    %get3A_49 = arith.constant 0 : index
    %get3A_50 = vector.load %arg5[%get3A_48, %get3A_49] : memref<1000x128xf32, #tpu.memory_space<vmem>>, vector<1000x128xf32>
    %div3A_51 = vector.broadcast %max3A_9 : vector<1000x1xf32> to vector<1000x128xf32>
    %div3A_52 = arith.divf %get3A_50, %div3A_51 : vector<1000x128xf32>
    %get3A_53 = arith.constant 0 : index
    %get3A_54 = arith.constant 0 : index
    %get3A_55 = vector.load %arg17[%get3A_53, %get3A_54] : memref<128x256xf32, #tpu.memory_space<vmem>>, vector<128x256xf32>
    %dot_general3A_56 = arith.constant dense<0.000000e+00> : vector<1000x256xf32>
    %dot_general3A_57 = tpu.matmul %div3A_52, %get3A_55, %dot_general3A_56 {dimension_numbers = #tpu.dot_dimension_numbers<[1], [0], [0], [1], [0, 0, 1, 1], [], []>, transpose_lhs_hint = false} : vector<1000x128xf32>, vector<128x256xf32>, vector<1000x256xf32> -> vector<1000x256xf32>
    %add3A_58 = arith.addf %add3A_47, %dot_general3A_57 : vector<1000x256xf32>
    %get3A_59 = arith.constant 0 : index
    %get3A_60 = arith.constant 0 : index
    %get3A_61 = vector.load %arg18[%get3A_59, %get3A_60] : memref<1x256xf32, #tpu.memory_space<vmem>>, vector<1x256xf32>
    %add3A_62 = vector.broadcast %get3A_61 : vector<1x256xf32> to vector<1000x256xf32>
    %add3A_63 = arith.addf %add3A_58, %add3A_62 : vector<1000x256xf32>
    %max3A_64 = arith.constant 0.000000e+00 : f32
    %max3A_65 = vector.broadcast %max3A_64 : f32 to vector<1000x256xf32>
    %max3A_66 = arith.maximumf %add3A_63, %max3A_65 : vector<1000x256xf32>
    %get3A_67 = arith.constant 0 : index
    %get3A_68 = arith.constant 0 : index
    %get3A_69 = vector.load %arg23[%get3A_67, %get3A_68] : memref<256x128xf32, #tpu.memory_space<vmem>>, vector<256x128xf32>
    %dot_general3A_70 = arith.constant dense<0.000000e+00> : vector<1000x128xf32>
    %dot_general3A_71 = tpu.matmul %max3A_66, %get3A_69, %dot_general3A_70 {dimension_numbers = #tpu.dot_dimension_numbers<[1], [0], [0], [1], [0, 0, 1, 1], [], []>, transpose_lhs_hint = false} : vector<1000x256xf32>, vector<256x128xf32>, vector<1000x128xf32> -> vector<1000x128xf32>
    %get3A_72 = arith.constant 0 : index
    %get3A_73 = arith.constant 0 : index
    %get3A_74 = vector.load %arg6[%get3A_72, %get3A_73] : memref<1000x128xf32, #tpu.memory_space<vmem>>, vector<1000x128xf32>
    %div3A_75 = vector.broadcast %max3A_3 : vector<1000x1xf32> to vector<1000x128xf32>
    %div3A_76 = arith.divf %get3A_74, %div3A_75 : vector<1000x128xf32>
    %get3A_77 = arith.constant 0 : index
    %get3A_78 = arith.constant 0 : index
    %get3A_79 = vector.load %arg24[%get3A_77, %get3A_78] : memref<128x128xf32, #tpu.memory_space<vmem>>, vector<128x128xf32>
    %dot_general3A_80 = arith.constant dense<0.000000e+00> : vector<1000x128xf32>
    %dot_general3A_81 = tpu.matmul %div3A_76, %get3A_79, %dot_general3A_80 {dimension_numbers = #tpu.dot_dimension_numbers<[1], [0], [0], [1], [0, 0, 1, 1], [], []>, transpose_lhs_hint = false} : vector<1000x128xf32>, vector<128x128xf32>, vector<1000x128xf32> -> vector<1000x128xf32>
    %add3A_82 = arith.addf %dot_general3A_71, %dot_general3A_81 : vector<1000x128xf32>
    %get3A_83 = arith.constant 0 : index
    %get3A_84 = arith.constant 0 : index
    %get3A_85 = vector.load %arg7[%get3A_83, %get3A_84] : memref<1000x128xf32, #tpu.memory_space<vmem>>, vector<1000x128xf32>
    %div3A_86 = vector.broadcast %max3A_9 : vector<1000x1xf32> to vector<1000x128xf32>
    %div3A_87 = arith.divf %get3A_85, %div3A_86 : vector<1000x128xf32>
    %get3A_88 = arith.constant 0 : index
    %get3A_89 = arith.constant 0 : index
    %get3A_90 = vector.load %arg25[%get3A_88, %get3A_89] : memref<128x128xf32, #tpu.memory_space<vmem>>, vector<128x128xf32>
    %dot_general3A_91 = arith.constant dense<0.000000e+00> : vector<1000x128xf32>
    %dot_general3A_92 = tpu.matmul %div3A_87, %get3A_90, %dot_general3A_91 {dimension_numbers = #tpu.dot_dimension_numbers<[1], [0], [0], [1], [0, 0, 1, 1], [], []>, transpose_lhs_hint = false} : vector<1000x128xf32>, vector<128x128xf32>, vector<1000x128xf32> -> vector<1000x128xf32>
    %add3A_93 = arith.addf %add3A_82, %dot_general3A_92 : vector<1000x128xf32>
    %get3A_94 = arith.constant 0 : index
    %get3A_95 = arith.constant 0 : index
    %get3A_96 = vector.load %arg26[%get3A_94, %get3A_95] : memref<1x128xf32, #tpu.memory_space<vmem>>, vector<1x128xf32>
    %add3A_97 = vector.broadcast %get3A_96 : vector<1x128xf32> to vector<1000x128xf32>
    %add3A_98 = arith.addf %add3A_93, %add3A_97 : vector<1000x128xf32>
    %max3A_99 = arith.constant 0.000000e+00 : f32
    %max3A_100 = vector.broadcast %max3A_99 : f32 to vector<1000x128xf32>
    %max3A_101 = arith.maximumf %add3A_98, %max3A_100 : vector<1000x128xf32>
    %swap3A = arith.constant 0 : index
    %swap3A_102 = arith.constant 0 : index
    %swap3A_103 = vector.load %arg31[%swap3A, %swap3A_102] : memref<1000x128xf32, #tpu.memory_space<vmem>>, vector<1000x128xf32>
    tpu.vector_store %arg31[%swap3A, %swap3A_102], %max3A_101 {strides = array<i32>} : memref<1000x128xf32, #tpu.memory_space<vmem>>, vector<1000x128xf32>,
    %eq3A = arith.constant 0 : i32
    %eq3A_104 = arith.cmpi eq, %arg0, %eq3A : i32
    %convert_element_type3A = arith.extui %eq3A_104 : i1 to i32
    %cond3A = arith.constant 0 : i32
    %cond3A_105 = arith.cmpi ne, %convert_element_type3A, %cond3A : i32
    scf.if %cond3A_105 {
      %broadcast_in_dim3A_129 = arith.constant 0.000000e+00 : f32
      %broadcast_in_dim3A_130 = vector.broadcast %broadcast_in_dim3A_129 : f32 to vector<1x256xf32>
      %swap3A_131 = arith.constant 0 : index
      %swap3A_132 = arith.constant 0 : index
      %swap3A_133 = vector.load %arg33[%swap3A_131, %swap3A_132] : memref<1x256xf32, #tpu.memory_space<vmem>>, vector<1x256xf32>
      tpu.vector_store %arg33[%swap3A_131, %swap3A_132], %broadcast_in_dim3A_130 {strides = array<i32>} : memref<1x256xf32, #tpu.memory_space<vmem>>, vector<1x256xf32>,
      %broadcast_in_dim3A_134 = arith.constant 0.000000e+00 : f32
      %broadcast_in_dim3A_135 = vector.broadcast %broadcast_in_dim3A_134 : f32 to vector<1x128xf32>
      %swap3A_136 = arith.constant 0 : index
      %swap3A_137 = arith.constant 0 : index
      %swap3A_138 = vector.load %arg34[%swap3A_136, %swap3A_137] : memref<1x128xf32, #tpu.memory_space<vmem>>, vector<1x128xf32>
      tpu.vector_store %arg34[%swap3A_136, %swap3A_137], %broadcast_in_dim3A_135 {strides = array<i32>} : memref<1x128xf32, #tpu.memory_space<vmem>>, vector<1x128xf32>,
    } else {
    }
    %get3A_106 = arith.constant 0 : index
    %get3A_107 = arith.constant 0 : index
    %get3A_108 = vector.load %arg33[%get3A_106, %get3A_107] : memref<1x256xf32, #tpu.memory_space<vmem>>, vector<1x256xf32>
    %reduce_sum3A = arith.constant dense<0.000000e+00> : vector<256xf32>
    %reduce_sum3A_109 = vector.multi_reduction <add>, %max3A_66, %reduce_sum3A [0] : vector<1000x256xf32> to vector<256xf32>
    %broadcast_in_dim3A = vector.shape_cast %reduce_sum3A_109 : vector<256xf32> to vector<1x256xf32>
    %add3A_110 = arith.addf %get3A_108, %broadcast_in_dim3A : vector<1x256xf32>
    %swap3A_111 = arith.constant 0 : index
    %swap3A_112 = arith.constant 0 : index
    %swap3A_113 = vector.load %arg33[%swap3A_111, %swap3A_112] : memref<1x256xf32, #tpu.memory_space<vmem>>, vector<1x256xf32>
    tpu.vector_store %arg33[%swap3A_111, %swap3A_112], %add3A_110 {strides = array<i32>} : memref<1x256xf32, #tpu.memory_space<vmem>>, vector<1x256xf32>,
    %get3A_114 = arith.constant 0 : index
    %get3A_115 = arith.constant 0 : index
    %get3A_116 = vector.load %arg34[%get3A_114, %get3A_115] : memref<1x128xf32, #tpu.memory_space<vmem>>, vector<1x128xf32>
    %reduce_sum3A_117 = arith.constant dense<0.000000e+00> : vector<128xf32>
    %reduce_sum3A_118 = vector.multi_reduction <add>, %max3A_101, %reduce_sum3A_117 [0] : vector<1000x128xf32> to vector<128xf32>
    %broadcast_in_dim3A_119 = vector.shape_cast %reduce_sum3A_118 : vector<128xf32> to vector<1x128xf32>
    %add3A_120 = arith.addf %get3A_116, %broadcast_in_dim3A_119 : vector<1x128xf32>
    %swap3A_121 = arith.constant 0 : index
    %swap3A_122 = arith.constant 0 : index
    %swap3A_123 = vector.load %arg34[%swap3A_121, %swap3A_122] : memref<1x128xf32, #tpu.memory_space<vmem>>, vector<1x128xf32>
    tpu.vector_store %arg34[%swap3A_121, %swap3A_122], %add3A_120 {strides = array<i32>} : memref<1x128xf32, #tpu.memory_space<vmem>>, vector<1x128xf32>,
    %eq3A_124 = arith.constant 9 : i32
    %eq3A_125 = arith.cmpi eq, %arg0, %eq3A_124 : i32
    %convert_element_type3A_126 = arith.extui %eq3A_125 : i1 to i32
    %cond3A_127 = arith.constant 0 : i32
    %cond3A_128 = arith.cmpi ne, %convert_element_type3A_126, %cond3A_127 : i32
    scf.if %cond3A_128 {
      %get3A_129 = arith.constant 0 : index
      %get3A_130 = arith.constant 0 : index
      %get3A_131 = vector.load %arg12[%get3A_129, %get3A_130] : memref<1x128xf32, #tpu.memory_space<vmem>>, vector<1x128xf32>
      %get3A_132 = arith.constant 0 : index
      %get3A_133 = arith.constant 0 : index
      %get3A_134 = vector.load %arg19[%get3A_132, %get3A_133] : memref<128x256xf32, #tpu.memory_space<vmem>>, vector<128x256xf32>
      %dot_general3A_135 = arith.constant dense<0.000000e+00> : vector<1x256xf32>
      %dot_general3A_136 = tpu.matmul %get3A_131, %get3A_134, %dot_general3A_135 {dimension_numbers = #tpu.dot_dimension_numbers<[1], [0], [0], [1], [0, 0, 1, 1], [], []>, transpose_lhs_hint = false} : vector<1x128xf32>, vector<128x256xf32>, vector<1x256xf32> -> vector<1x256xf32>
      %get3A_137 = arith.constant 0 : index
      %get3A_138 = arith.constant 0 : index
      %get3A_139 = vector.load %arg33[%get3A_137, %get3A_138] : memref<1x256xf32, #tpu.memory_space<vmem>>, vector<1x256xf32>
      %div3A_140 = arith.constant 1.000000e+04 : f32
      %div3A_141 = vector.broadcast %div3A_140 : f32 to vector<1x256xf32>
      %div3A_142 = arith.divf %get3A_139, %div3A_141 : vector<1x256xf32>
      %get3A_143 = arith.constant 0 : index
      %get3A_144 = arith.constant 0 : index
      %get3A_145 = vector.load %arg20[%get3A_143, %get3A_144] : memref<256x256xf32, #tpu.memory_space<vmem>>, vector<256x256xf32>
      %dot_general3A_146 = arith.constant dense<0.000000e+00> : vector<1x256xf32>
      %dot_general3A_147 = tpu.matmul %div3A_142, %get3A_145, %dot_general3A_146 {dimension_numbers = #tpu.dot_dimension_numbers<[1], [0], [0], [1], [0, 0, 1, 1], [], []>, transpose_lhs_hint = false} : vector<1x256xf32>, vector<256x256xf32>, vector<1x256xf32> -> vector<1x256xf32>
      %add3A_148 = arith.addf %dot_general3A_136, %dot_general3A_147 : vector<1x256xf32>
      %get3A_149 = arith.constant 0 : index
      %get3A_150 = arith.constant 0 : index
      %get3A_151 = vector.load %arg10[%get3A_149, %get3A_150] : memref<1x256xf32, #tpu.memory_space<vmem>>, vector<1x256xf32>
      %div3A_152 = arith.constant 3.200000e+05 : f32
      %div3A_153 = vector.broadcast %div3A_152 : f32 to vector<1x256xf32>
      %div3A_154 = arith.divf %get3A_151, %div3A_153 : vector<1x256xf32>
      %get3A_155 = arith.constant 0 : index
      %get3A_156 = arith.constant 0 : index
      %get3A_157 = vector.load %arg21[%get3A_155, %get3A_156] : memref<256x256xf32, #tpu.memory_space<vmem>>, vector<256x256xf32>
      %dot_general3A_158 = arith.constant dense<0.000000e+00> : vector<1x256xf32>
      %dot_general3A_159 = tpu.matmul %div3A_154, %get3A_157, %dot_general3A_158 {dimension_numbers = #tpu.dot_dimension_numbers<[1], [0], [0], [1], [0, 0, 1, 1], [], []>, transpose_lhs_hint = false} : vector<1x256xf32>, vector<256x256xf32>, vector<1x256xf32> -> vector<1x256xf32>
      %add3A_160 = arith.addf %add3A_148, %dot_general3A_159 : vector<1x256xf32>
      %get3A_161 = arith.constant 0 : index
      %get3A_162 = arith.constant 0 : index
      %get3A_163 = vector.load %arg22[%get3A_161, %get3A_162] : memref<1x256xf32, #tpu.memory_space<vmem>>, vector<1x256xf32>
      %add3A_164 = arith.addf %add3A_160, %get3A_163 : vector<1x256xf32>
      %max3A_165 = arith.constant 0.000000e+00 : f32
      %max3A_166 = vector.broadcast %max3A_165 : f32 to vector<1x256xf32>
      %max3A_167 = arith.maximumf %add3A_164, %max3A_166 : vector<1x256xf32>
      %get3A_168 = arith.constant 0 : index
      %get3A_169 = arith.constant 0 : index
      %get3A_170 = vector.load %arg27[%get3A_168, %get3A_169] : memref<256x128xf32, #tpu.memory_space<vmem>>, vector<256x128xf32>
      %dot_general3A_171 = arith.constant dense<0.000000e+00> : vector<1x128xf32>
      %dot_general3A_172 = tpu.matmul %max3A_167, %get3A_170, %dot_general3A_171 {dimension_numbers = #tpu.dot_dimension_numbers<[1], [0], [0], [1], [0, 0, 1, 1], [], []>, transpose_lhs_hint = false} : vector<1x256xf32>, vector<256x128xf32>, vector<1x128xf32> -> vector<1x128xf32>
      %get3A_173 = arith.constant 0 : index
      %get3A_174 = arith.constant 0 : index
      %get3A_175 = vector.load %arg34[%get3A_173, %get3A_174] : memref<1x128xf32, #tpu.memory_space<vmem>>, vector<1x128xf32>
      %div3A_176 = arith.constant 1.000000e+04 : f32
      %div3A_177 = vector.broadcast %div3A_176 : f32 to vector<1x128xf32>
      %div3A_178 = arith.divf %get3A_175, %div3A_177 : vector<1x128xf32>
      %get3A_179 = arith.constant 0 : index
      %get3A_180 = arith.constant 0 : index
      %get3A_181 = vector.load %arg28[%get3A_179, %get3A_180] : memref<128x128xf32, #tpu.memory_space<vmem>>, vector<128x128xf32>
      %dot_general3A_182 = arith.constant dense<0.000000e+00> : vector<1x128xf32>
      %dot_general3A_183 = tpu.matmul %div3A_178, %get3A_181, %dot_general3A_182 {dimension_numbers = #tpu.dot_dimension_numbers<[1], [0], [0], [1], [0, 0, 1, 1], [], []>, transpose_lhs_hint = false} : vector<1x128xf32>, vector<128x128xf32>, vector<1x128xf32> -> vector<1x128xf32>
      %add3A_184 = arith.addf %dot_general3A_172, %dot_general3A_183 : vector<1x128xf32>
      %get3A_185 = arith.constant 0 : index
      %get3A_186 = arith.constant 0 : index
      %get3A_187 = vector.load %arg11[%get3A_185, %get3A_186] : memref<1x128xf32, #tpu.memory_space<vmem>>, vector<1x128xf32>
      %div3A_188 = arith.constant 3.200000e+05 : f32
      %div3A_189 = vector.broadcast %div3A_188 : f32 to vector<1x128xf32>
      %div3A_190 = arith.divf %get3A_187, %div3A_189 : vector<1x128xf32>
      %get3A_191 = arith.constant 0 : index
      %get3A_192 = arith.constant 0 : index
      %get3A_193 = vector.load %arg29[%get3A_191, %get3A_192] : memref<128x128xf32, #tpu.memory_space<vmem>>, vector<128x128xf32>
      %dot_general3A_194 = arith.constant dense<0.000000e+00> : vector<1x128xf32>
      %dot_general3A_195 = tpu.matmul %div3A_190, %get3A_193, %dot_general3A_194 {dimension_numbers = #tpu.dot_dimension_numbers<[1], [0], [0], [1], [0, 0, 1, 1], [], []>, transpose_lhs_hint = false} : vector<1x128xf32>, vector<128x128xf32>, vector<1x128xf32> -> vector<1x128xf32>
      %add3A_196 = arith.addf %add3A_184, %dot_general3A_195 : vector<1x128xf32>
      %get3A_197 = arith.constant 0 : index
      %get3A_198 = arith.constant 0 : index
      %get3A_199 = vector.load %arg30[%get3A_197, %get3A_198] : memref<1x128xf32, #tpu.memory_space<vmem>>, vector<1x128xf32>
      %add3A_200 = arith.addf %add3A_196, %get3A_199 : vector<1x128xf32>
      %max3A_201 = arith.constant 0.000000e+00 : f32
      %max3A_202 = vector.broadcast %max3A_201 : f32 to vector<1x128xf32>
      %max3A_203 = arith.maximumf %add3A_200, %max3A_202 : vector<1x128xf32>
      %swap3A_204 = arith.constant 0 : index
      %swap3A_205 = arith.constant 0 : index
      %swap3A_206 = vector.load %arg32[%swap3A_204, %swap3A_205] : memref<1x128xf32, #tpu.memory_space<vmem>>, vector<1x128xf32>
      tpu.vector_store %arg32[%swap3A_204, %swap3A_205], %max3A_203 {strides = array<i32>} : memref<1x128xf32, #tpu.memory_space<vmem>>, vector<1x128xf32>,
    } else {
    }
    return
  }
  func.func @transform_0(%arg0: i32) -> (i32, i32) {
    %c0_i32 = arith.constant 0 : i32
    %c0_i32_0 = arith.constant 0 : i32
    return %arg0, %c0_i32 : i32, i32
  }
  func.func @transform_1(%arg0: i32) -> (i32, i32) {
    %c0_i32 = arith.constant 0 : i32
    %c0_i32_0 = arith.constant 0 : i32
    return %arg0, %c0_i32 : i32, i32
  }
  func.func @transform_2(%arg0: i32) -> (i32, i32) {
    %c0_i32 = arith.constant 0 : i32
    %c0_i32_0 = arith.constant 0 : i32
    return %arg0, %c0_i32 : i32, i32
  }
  func.func @transform_3(%arg0: i32) -> (i32, i32) {
    %c0_i32 = arith.constant 0 : i32
    %c0_i32_0 = arith.constant 0 : i32
    return %arg0, %c0_i32 : i32, i32
  }
  func.func @transform_4(%arg0: i32) -> (i32, i32) {
    %c0_i32 = arith.constant 0 : i32
    %c0_i32_0 = arith.constant 0 : i32
    return %arg0, %c0_i32 : i32, i32
  }
  func.func @transform_5(%arg0: i32) -> (i32, i32) {
    %c0_i32 = arith.constant 0 : i32
    %c0_i32_0 = arith.constant 0 : i32
    return %arg0, %c0_i32 : i32, i32
  }
  func.func @transform_6(%arg0: i32) -> (i32, i32) {
    %c0_i32 = arith.constant 0 : i32
    %c0_i32_0 = arith.constant 0 : i32
    return %arg0, %c0_i32 : i32, i32
  }
  func.func @transform_7(%arg0: i32) -> (i32, i32) {
    %c0_i32 = arith.constant 0 : i32
    %c0_i32_0 = arith.constant 0 : i32
    return %arg0, %c0_i32 : i32, i32
  }
  func.func @transform_8(%arg0: i32) -> (i32, i32) {
    %c0_i32 = arith.constant 0 : i32
    %c0_i32_0 = arith.constant 0 : i32
    return %arg0, %c0_i32 : i32, i32
  }
  func.func @transform_9(%arg0: i32) -> (i32, i32) {
    %c0_i32 = arith.constant 0 : i32
    %c0_i32_0 = arith.constant 0 : i32
    %c0_i32_1 = arith.constant 0 : i32
    return %c0_i32, %c0_i32_0 : i32, i32
  }
  func.func @transform_10(%arg0: i32) -> (i32, i32) {
    %c0_i32 = arith.constant 0 : i32
    %c0_i32_0 = arith.constant 0 : i32
    %c0_i32_1 = arith.constant 0 : i32
    return %c0_i32, %c0_i32_0 : i32, i32
  }
  func.func @transform_11(%arg0: i32) -> (i32, i32) {
    %c0_i32 = arith.constant 0 : i32
    %c0_i32_0 = arith.constant 0 : i32
    %c0_i32_1 = arith.constant 0 : i32
    return %c0_i32, %c0_i32_0 : i32, i32
  }
  func.func @transform_12(%arg0: i32) -> (i32, i32) {
    %c0_i32 = arith.constant 0 : i32
    %c0_i32_0 = arith.constant 0 : i32
    %c0_i32_1 = arith.constant 0 : i32
    return %c0_i32, %c0_i32_0 : i32, i32
  }
  func.func @transform_13(%arg0: i32) -> (i32, i32) {
    %c0_i32 = arith.constant 0 : i32
    %c0_i32_0 = arith.constant 0 : i32
    %c0_i32_1 = arith.constant 0 : i32
    return %c0_i32, %c0_i32_0 : i32, i32
  }
  func.func @transform_14(%arg0: i32) -> (i32, i32) {
    %c0_i32 = arith.constant 0 : i32
    %c0_i32_0 = arith.constant 0 : i32
    %c0_i32_1 = arith.constant 0 : i32
    return %c0_i32, %c0_i32_0 : i32, i32
  }
  func.func @transform_15(%arg0: i32) -> (i32, i32) {
    %c0_i32 = arith.constant 0 : i32
    %c0_i32_0 = arith.constant 0 : i32
    %c0_i32_1 = arith.constant 0 : i32
    return %c0_i32, %c0_i32_0 : i32, i32
  }
  func.func @transform_16(%arg0: i32) -> (i32, i32) {
    %c0_i32 = arith.constant 0 : i32
    %c0_i32_0 = arith.constant 0 : i32
    %c0_i32_1 = arith.constant 0 : i32
    return %c0_i32, %c0_i32_0 : i32, i32
  }
  func.func @transform_17(%arg0: i32) -> (i32, i32) {
    %c0_i32 = arith.constant 0 : i32
    %c0_i32_0 = arith.constant 0 : i32
    %c0_i32_1 = arith.constant 0 : i32
    return %c0_i32, %c0_i32_0 : i32, i32
  }
  func.func @transform_18(%arg0: i32) -> (i32, i32) {
    %c0_i32 = arith.constant 0 : i32
    %c0_i32_0 = arith.constant 0 : i32
    %c0_i32_1 = arith.constant 0 : i32
    return %c0_i32, %c0_i32_0 : i32, i32
  }
  func.func @transform_19(%arg0: i32) -> (i32, i32) {
    %c0_i32 = arith.constant 0 : i32
    %c0_i32_0 = arith.constant 0 : i32
    %c0_i32_1 = arith.constant 0 : i32
    return %c0_i32, %c0_i32_0 : i32, i32
  }
  func.func @transform_20(%arg0: i32) -> (i32, i32) {
    %c0_i32 = arith.constant 0 : i32
    %c0_i32_0 = arith.constant 0 : i32
    %c0_i32_1 = arith.constant 0 : i32
    return %c0_i32, %c0_i32_0 : i32, i32
  }
  func.func @transform_21(%arg0: i32) -> (i32, i32) {
    %c0_i32 = arith.constant 0 : i32
    %c0_i32_0 = arith.constant 0 : i32
    %c0_i32_1 = arith.constant 0 : i32
    return %c0_i32, %c0_i32_0 : i32, i32
  }
  func.func @transform_22(%arg0: i32) -> (i32, i32) {
    %c0_i32 = arith.constant 0 : i32
    %c0_i32_0 = arith.constant 0 : i32
    %c0_i32_1 = arith.constant 0 : i32
    return %c0_i32, %c0_i32_0 : i32, i32
  }
  func.func @transform_23(%arg0: i32) -> (i32, i32) {
    %c0_i32 = arith.constant 0 : i32
    %c0_i32_0 = arith.constant 0 : i32
    %c0_i32_1 = arith.constant 0 : i32
    return %c0_i32, %c0_i32_0 : i32, i32
  }
  func.func @transform_24(%arg0: i32) -> (i32, i32) {
    %c0_i32 = arith.constant 0 : i32
    %c0_i32_0 = arith.constant 0 : i32
    %c0_i32_1 = arith.constant 0 : i32
    return %c0_i32, %c0_i32_0 : i32, i32
  }
  func.func @transform_25(%arg0: i32) -> (i32, i32) {
    %c0_i32 = arith.constant 0 : i32
    %c0_i32_0 = arith.constant 0 : i32
    %c0_i32_1 = arith.constant 0 : i32
    return %c0_i32, %c0_i32_0 : i32, i32
  }
  func.func @transform_26(%arg0: i32) -> (i32, i32) {
    %c0_i32 = arith.constant 0 : i32
    %c0_i32_0 = arith.constant 0 : i32
    %c0_i32_1 = arith.constant 0 : i32
    return %c0_i32, %c0_i32_0 : i32, i32
  }
  func.func @transform_27(%arg0: i32) -> (i32, i32) {
    %c0_i32 = arith.constant 0 : i32
    %c0_i32_0 = arith.constant 0 : i32
    %c0_i32_1 = arith.constant 0 : i32
    return %c0_i32, %c0_i32_0 : i32, i32
  }
  func.func @transform_28(%arg0: i32) -> (i32, i32) {
    %c0_i32 = arith.constant 0 : i32
    %c0_i32_0 = arith.constant 0 : i32
    %c0_i32_1 = arith.constant 0 : i32
    return %c0_i32, %c0_i32_0 : i32, i32
  }
  func.func @transform_29(%arg0: i32) -> (i32, i32) {
    %c0_i32 = arith.constant 0 : i32
    %c0_i32_0 = arith.constant 0 : i32
    %c0_i32_1 = arith.constant 0 : i32
    return %c0_i32, %c0_i32_0 : i32, i32
  }
  func.func @transform_30(%arg0: i32) -> (i32, i32) {
    %c0_i32 = arith.constant 0 : i32
    %c0_i32_0 = arith.constant 0 : i32
    return %arg0, %c0_i32 : i32, i32
  }
  func.func @transform_31(%arg0: i32) -> (i32, i32) {
    %c0_i32 = arith.constant 0 : i32
    %c0_i32_0 = arith.constant 0 : i32
    %c0_i32_1 = arith.constant 0 : i32
    return %c0_i32, %c0_i32_0 : i32, i32
  }
}

</mosaic_0001>

<sc_bundles>
// kernel: kernel.11.cloned.1.call-start
scs
__scs_entry_jumppad:
0x0: {  	(pc) =	sbr.rel $0x88, $3  }
0x1: {  	(tag) =	ssettag $0x0;
	lr =	simm.s32 $0x1  }
0x2: {  	[smem:$0x3F88] =	sst lr;
	_ =	strace $0xD0000000  }
0x3: {  	_ = 	snop  }
0x4: {  	_ = 	snop  }
0x5: {  	_ = 	snop  }
0x6: {  	_ = 	snop  }
0x7: {  	_ = 	snop  }
__scs_overlays_trampoline_lowered:
0x8: {  	[smem:$0x3F97] =	sst s0  }
0x9: {  	[smem:$0x3F98] =	sst s1  }
0xa: {  	[smem:$0x3F99] =	sst s2  }
0xb: {  	[smem:$0x3F9A] =	sst s3  }
0xc: {  	[smem:$0x3F9B] =	sst s4  }
0xd: {  	[smem:$0x3F9C] =	sst s5  }
0xe: {  	[smem:$0x3F9D] =	sst s6  }
0xf: {  	[smem:$0x3F9E] =	sst s7  }
0x10: {  	[smem:$0x3F9F] =	sst s8  }
0x11: {  	[smem:$0x3FA0] =	sst s9;
	s0 =	simm.s32 @!p0 $0x0  }
0x12: {  	s1 =	sld [smem:$0x3F86];
	s0 =	simm.s32 @p0 $0x1  }
0x13: {  	[smem:$0x3FA1] =	sst s0;
	s0 =	simm.s32 @!p1 $0x0  }
0x14: {  	s2 =	sld [smem:$0x3F85];
	s0 =	simm.s32 @p1 $0x1  }
0x15: {  	[smem:$0x3FA2] =	sst s0;
	s0 =	simm.s32 @!p2 $0x0  }
0x16: {  	s3 =	sld [smem:$0x3FDB];
	s0 =	simm.s32 @p2 $0x1  }
0x17: {  	s4 =	simm.s32 $0x1BF5;
	[smem:$0x3FA4] =	sst s0  }
0x18: {  	s0 =	sld [smem:$0x3F87];
	_ =	swait.ge [sflag:s4], $0x0  }
0x19: {  	s7 =	sld [smem:$0x3F88]  }
0x1a: {  	s8 =	sadd.s32 $0xFFFFE003, lr  }
0x1b: {  	s9 =	sadd.s32 $0xFFFFFEF7, lr;
	s5 =	simm.s32 $0xFFFFFFFF;
	p2 =	slt.u32 s8, $0xFFFFF086  }
0x1c: {  	p1 =	slt.u32 s9, $0xF7A;
	s5 =	simm.s32 @!p2 $0x0  }
0x1d: {  	s5 =	simm.s32 @p1 $0x1;
	p0 =	seq.s32 s7, s2  }
0x1e: {  	s7 =	smul.u32 @!p0 $0xF7A, s2;
	p2 =	seq.s32 @!p0 s5, $0x0  }
0x1f: {  	s9 =	smul.u32 $0xF7A, s1;
	s8 =	simm.s32 @!p0 $0x1BF5;
	p2 =	por !p2, p0  }
0x20: {  	[sflag:s8] =	ssyncset.s32 @!p0 $0xFFFFF086;
	s6 =	sadd.s32 @!p0 s3, s7;
	s7 =	simm.s32 @!p0 $0x108  }
0x21: {  	s3 =	sadd.s32 s3, s9;
	s6 =	sadd.s32 @!p0 $0x88, s6;
	s7 =	simm.s32 @p2 $0x1082  }
0x22: {  	[simem:s7], [sflag:s8] =	dma.local @!p0 [hbm:s6], $0xF7A  }
0x23: {  	s9 =	sor.u32 $0xD0000000, s2;
	s6 =	simm.s32 $0x108;
	_ =	swait.ge @!p0 [sflag:s8], $0x0  }
0x24: {  	s3 =	sadd.s32 $0x88, s3;
	s6 =	simm.s32 @!p1 $0x1082;
	[sflag:s4] =	ssyncset.s32 $0xFFFFF086  }
0x25: {  	[simem:s6], [sflag:s4] =	dma.local [hbm:s3], $0xF7A  }
0x26: {  	[smem:$0x3F88] =	sst s1;
	(tag) =	ssettag s2;
	_ =	strace s9  }
0x27: {  	s1 =	sld [smem:$0x3F98]  }
0x28: {  	s2 =	sld [smem:$0x3F99]  }
0x29: {  	s4 =	sld [smem:$0x3F9B]  }
0x2a: {  	p0 =	seq.s32 s5, $0x0;
	s5 =	sld [smem:$0x3F9C]  }
0x2b: {  	s6 =	sld [smem:$0x3F9D]  }
0x2c: {  	s7 =	sld [smem:$0x3F9E]  }
0x2d: {  	s3 =	simm.s32 $0x108;
	s8 =	sld [smem:$0x3F9F]  }
0x2e: {  	s3 =	simm.s32 @!p0 $0x1082;
	s9 =	sld [smem:$0x3FA0]  }
0x2f: {  	lr =	sadd.s32 s0, s3;
	s0 =	sld [smem:$0x3F97]  }
0x30: {  	s3 =	sld [smem:$0x3F9A]  }
0x31: {  	[smem:$0x3FA3] =	sst s10  }
0x32: {  	s10 =	sld [smem:$0x3FA1];
	_ =	sdelay $0x3  }
0x33: {  	p0 =	seq.s32 s10, $0x1;
	s10 =	sld [smem:$0x3FA3];
	_ =	sdelay $0x3  }
0x34: {  	[smem:$0x3FA3] =	sst s10  }
0x35: {  	s10 =	sld [smem:$0x3FA2];
	_ =	sdelay $0x3  }
0x36: {  	p1 =	seq.s32 s10, $0x1;
	s10 =	sld [smem:$0x3FA3];
	_ =	sdelay $0x3  }
0x37: {  	[smem:$0x3FA3] =	sst s10  }
0x38: {  	s10 =	sld [smem:$0x3FA4]  }
0x39: {  	_ = 	snop;
	(pc) =	sbr.ind lr, $3  }
0x3a: {  	_ = 	snop  }
0x3b: {  	_ = 	snop  }
0x3c: {  	p2 =	seq.s32 s10, $0x1;
	s10 =	sld [smem:$0x3FA3]  }
0x3d: {  	_ =	shalt  }
0x3e: {  	_ =	shalt  }
0x3f: {  	_ =	shalt  }
0x40: {  	_ =	shalt  }
0x41: {  	_ =	shalt  }
0x42: {  	_ =	shalt  }
0x43: {  	_ =	shalt  }
0x44: {  	_ =	shalt  }
0x45: {  	_ =	shalt  }
0x46: {  	_ =	shalt  }
0x47: {  	_ =	shalt  }
0x48: {  	_ =	shalt  }
0x49: {  	_ =	shalt  }
0x4a: {  	_ =	shalt  }
0x4b: {  	_ =	shalt  }
0x4c: {  	_ =	shalt  }
0x4d: {  	_ =	shalt  }
0x4e: {  	_ =	shalt  }
0x4f: {  	_ =	shalt  }
0x50: {  	_ =	shalt  }
0x51: {  	_ =	shalt  }
0x52: {  	_ =	shalt  }
0x53: {  	_ =	shalt  }
0x54: {  	_ =	shalt  }
0x55: {  	_ =	shalt  }
0x56: {  	_ =	shalt  }
0x57: {  	_ =	shalt  }
0x58: {  	_ =	shalt  }
0x59: {  	_ =	shalt  }
0x5a: {  	_ =	shalt  }
0x5b: {  	_ =	shalt  }
0x5c: {  	_ =	shalt  }
0x5d: {  	_ =	shalt  }
0x5e: {  	_ =	shalt  }
0x5f: {  	_ =	shalt  }
0x60: {  	_ =	shalt  }
0x61: {  	_ =	shalt  }
0x62: {  	_ =	shalt  }
0x63: {  	_ =	shalt  }
0x64: {  	_ =	shalt  }
0x65: {  	_ =	shalt  }
0x66: {  	_ =	shalt  }
0x67: {  	_ =	shalt  }
0x68: {  	_ =	shalt  }
0x69: {  	_ =	shalt  }
0x6a: {  	_ =	shalt  }
0x6b: {  	_ =	shalt  }
0x6c: {  	_ =	shalt  }
0x6d: {  	_ =	shalt  }
0x6e: {  	_ =	shalt  }
0x6f: {  	_ =	shalt  }
0x70: {  	_ =	shalt  }
0x71: {  	_ =	shalt  }
0x72: {  	_ =	shalt  }
0x73: {  	_ =	shalt  }
0x74: {  	_ =	shalt  }
0x75: {  	_ =	shalt  }
0x76: {  	_ =	shalt  }
0x77: {  	_ =	shalt  }
0x78: {  	_ =	shalt  }
0x79: {  	_ =	shalt  }
0x7a: {  	_ =	shalt  }
0x7b: {  	_ =	shalt  }
0x7c: {  	_ =	shalt  }
0x7d: {  	_ =	shalt  }
0x7e: {  	_ =	shalt  }
0x7f: {  	_ =	shalt  }
0x80: {  	_ =	shalt  }
0x81: {  	_ =	shalt  }
0x82: {  	_ =	shalt  }
0x83: {  	_ =	shalt  }
0x84: {  	_ =	shalt  }
0x85: {  	_ =	shalt  }
0x86: {  	_ =	shalt  }
0x87: {  	_ =	shalt  }
.Lfunc_end0:
.L_simem_size_0:
called_computation.1_lowered:
.L_overlay_start_0:
0x88: {  	s2 =	sld [smem:$0x3FD9]  }
0x89: {  	s3 =	sld [smem:$0x3FFE];
	_ =	sdelay $0x1  }
0x8a: {  	s1 =	srdreg.scid  }
0x8b: {  	s0 =	sand.u32 $0x1, s1  }
0x8c: {  	s17 =	sshll.u32 s0, $0xA;
	s2 =	sadd.s32 s3, s2  }
0x8d: {  	s2 =	sadd.s32 s2, s17  }
0x8e: {  	[smem:$0x3FAF] =	sst s2  }
0x8f: {  	_ = 	snop  }
0x90: {  	s18 =	sld [smem:$0x3FC6]  }
0x91: {  	s4 =	sld [smem:$0x3FC5];
	(tm) =	ssettm $0x1  }
0x92: {  	s19 =	sld [smem:$0x3FFB];
	_ =	sdelay $0x3  }
0x93: {  	_ =	strace s19  }
0x94: {  	s2 =	sld [smem:$0x3FFC];
	_ =	sdelay $0x3  }
0x95: {  	_ =	strace s2  }
0x96: {  	s2 =	sld [smem:$0x3FFD];
	_ =	sdelay $0x3  }
0x97: {  	_ =	strace s2  }
0x98: {  	_ =	strace $0x8FFFFFFF  }
0x99: {  	s20 =	sld [smem:$0x3FDB];
	_ =	sdelay $0x1  }
0x9a: {  	s5 =	simm.s32 $_scs_section_size  }
0x9b: {  	s6 =	simm.s32 $_size__tile_overlayer_lowered;
	s7 =	simm.s32 $_tile_overlayer_lowered  }
0x9c: {  	s8 =	simm.s32 $0x1BFF;
	s21 =	sshll.u32 s7, $0x1;
	s5 =	sadd.s32 s5, s20  }
0x9d: {  	s22 =	simm.s32 $0x0;
	s6 =	sshll.u32 s6, $0x1;
	s7 =	sadd.s32 s21, s5  }
0x9e: {  	[timem:s22], [sflag:s8] =	dma.local [hbm:s7], s6  }
0x9f: {  	_ =	swait.ge [sflag:s8], s6  }
0xa0: {  	s6 =	ssub.s32 $0x0, s6;
	[sflag:s8] =	ssyncset.done $0x0  }
0xa1: {  	[sflag:s8] =	ssyncadd.s32 s6;
	_ =	sdelay $0x1  }
0xa2: {  	s23 =	simm.s32 $0x1B8B  }
0xa3: {  	_ =	swait.ge [sflag:s23], $0x1  }
0xa4: {  	[sflag:s23] =	ssyncset.done $0x0  }
0xa5: {  	[sflag:s23] =	ssyncadd.s32 $0xFFFFFFFF  }
0xa6: {  	s6 =	sld [smem:$0x0]  }
0xa7: {  	s7 =	sand.u32 $0xFFFFFFFE, s1  }
0xa8: {  	p0 =	sne.s32 s1, s7  }
0xa9: {  	s7 =	sshll.u32 @p0 s7, $0xE  }
0xaa: {  	s7 =	sadd.s32 @p0 $0x11B8D, s7;
	s8 =	sshll.u32 @p0 s6, $0x11  }
0xab: {  	s7 =	sor.u32 @p0 s8, s7  }
0xac: {  	[sflag:s7] =	ssyncadd.remote.s32 @p0 $0x1;
	_ =	sdelay $0x1  }
0xad: {  	s7 =	simm.s32 @p0 $0x1B8D  }
0xae: {  	_ =	swait.eq @p0 [sflag:s7], $0x1  }
0xaf: {  	[sflag:s7] =	ssyncadd.s32 @p0 $0xFFFFFFFF  }
0xb0: {  	s8 =	sshll.u32 @!p0 s1, $0xE  }
0xb1: {  	s8 =	sor.u32 @!p0 $0x4000, s8;
	s7 =	simm.s32 @!p0 $0x1B8D  }
0xb2: {  	s6 =	sshll.u32 @!p0 s6, $0x11;
	s8 =	sadd.s32 @!p0 $0x11B8D, s8;
	_ =	swait.eq @!p0 [sflag:s7], $0x1  }
0xb3: {  	s6 =	sor.u32 @!p0 s6, s8;
	[sflag:s7] =	ssyncadd.s32 @!p0 $0xFFFFFFFF  }
0xb4: {  	s25 =	simm.s32 $0x1B8E;
	s24 =	sld [smem:$0x3FFE];
	[sflag:s6] =	ssyncadd.remote.s32 @!p0 $0x1  }
0xb5: {  	s26 =	simm.s32 $execute0_lowered;
	[smem:$0x3FD2] =	sst s25  }
0xb6: {  	s7 =	sshll.u32 s26, $0x1;
	_ =	strace $0x80000049;
	[dreg:$0x1] =	wrdreg $0xFFFFFFFF  }
0xb7: {  	s28 =	simm.s32 $_size_execute0_lowered;
	s5 =	sadd.s32 s5, s7;
	[dreg:$0x0] =	wrdreg $0x0  }
0xb8: {  	s7 =	sshll.u32 s28, $0x1;
	[dreg:$0x2] =	wrdreg s5  }
0xb9: {  	[dreg:$0x3] =	wrdreg s7  }
0xba: {  	[dreg:$0x4] =	wrdreg $0xC0  }
0xbb: {  	_ =	task [dreg:s22], $0x5FFFF  }
0xbc: {  	[dreg:$0x1] =	wrdreg $0xFFFFFFFF  }
0xbd: {  	[dreg:$0x0] =	wrdreg $0x60  }
0xbe: {  	[dreg:$0x2] =	wrdreg s24  }
0xbf: {  	[dreg:$0x3] =	wrdreg s4  }
0xc0: {  	[dreg:$0x4] =	wrdreg s18  }
0xc1: {  	[dreg:$0x5] =	wrdreg $0x0  }
0xc2: {  	[dreg:$0x6] =	wrdreg $0x9C400  }
0xc3: {  	[dreg:$0x7] =	wrdreg $0xA  }
0xc4: {  	_ =	task.clear_ibuf [dreg:s22], $0x8FFFF;
	_ =	strace $0x90000049  }
0xc5: {  	s29 =	simm.s32 $0xA;
	_ =	strace $0x8000004B  }
0xc6: {  	_ =	swait.ge [sflag:s29], $0x1  }
0xc7: {  	[sflag:s29] =	ssyncadd.s32 $0xFFFFFFFF  }
0xc8: {  	_ =	strace $0x9000004B  }
0xc9: {  	_ =	sfence  }
0xca: {  	s30 =	sld [smem:$0x0];
	_ =	sdelay $0x2  }
0xcb: {  	s31 =	sshll.u32 s1, $0xD;
	s1 =	sshrl.u32 s1, $0x2  }
0xcc: {  	s4 =	sand.u32 $0x4000, s31;
	s1 =	sadd.s32 s1, s30  }
0xcd: {  	s0 =	sor.u32 s4, s0;
	s1 =	sshll.u32 s1, $0x11  }
0xce: {  	s0 =	sor.u32 s1, s0  }
0xcf: {  	s0 =	sadd.s32 $0x8F2B, s0  }
0xd0: {  	[sflag:s0] =	ssyncadd.remote.s32 $0x1  }
0xd1: {  	_ =	sfence.sel $0xFFFF  }
0xd2: {  	[dreg:$0x0] =	wrdreg $0xFFFFFFFF;
	(pc) =	sbr.abs _section_cstart, $3  }
0xd3: {  	[dreg:$0x1] =	wrdreg $0xFFFFFFFF  }
0xd4: {  	_ =	task.clear_ibuf [dreg:s22], $0x2FFFF;
	_ =	strace $0x9FFFFFFF  }
0xd5: {  	(tm) =	ssettm $0x7FFFFFFF  }
tec
execute0_lowered:
.L_overlay_start_1:
0x0: {  	(tag) =	ssettag $0x1  }
0x1: {  	s0 =	rddreg [dreg:$0x0]  }
0x2: {  	s2 =	rddreg [dreg:$0x1]  }
0x3: {  	s4 =	rddreg [dreg:$0x2]  }
0x4: {  	s1 =	rddreg [dreg:$0x3]  }
0x5: {  	s3 =	rddreg [dreg:$0x4];
	s13 =	stileid.u32  }
0x6: {  	s6 =	simm.s32 $0x0;
	s5 =	srdreg.scid;
	s8 =	smul.u32 $0x13880, s13  }
0x7: {  	s28 =	simm.s32 $0x50;
	s29 =	simm.s32 $0x2;
	s10 =	smul.u32 $0x9C40, s13  }
0x8: {  	s31 =	simm.s32 $0x8;
	[smem:$0x7FF] =	sst s6;
	s11 =	smul.u32 $0x271000, s13  }
0x9: {  	s7 =	sand.u32 $0x1, s5;
	s5 =	sadd.s32 $0x4F3A00, s0;
	s12 =	smul.u32 $0x4E20, s13  }
0xa: {  	s6 =	sadd.s32 $0x6400, s0;
	s19 =	sshll.u32 s13, $0x6;
	s13 =	smul.u32 $0x9C4, s13  }
0xb: {  	_ =	strace $0x8000004A;
	s9 =	sshll.u32 s7, $0x6;
	s7 =	ssub.s32 $0x2, s7  }
0xc: {  	s8 =	sor.u32 s9, s8;
	s18 =	sshrl.u32 s7, $0x1;
	s14 =	sadd.s32 s10, s1  }
0xd: {  	s10 =	sadd.s32 s10, s3;
	s9 =	sor.u32 s9, s11;
	s20 =	sshrl.u32 s12, $0x3  }
0xe: {  	s21 =	sadd.s32 s2, s13;
	s23 =	sadd.s32 s4, s13;
	[dreg:$0x8] =	wrdreg s14  }
0xf: {  	s8 =	sshrl.u32 s8, $0x3;
	s7 =	ssub.s32 s7, s18;
	[dreg:$0x9] =	wrdreg s10  }
0x10: {  	[dreg:$0xa] =	wrdreg s21;
	s22 =	sshrl.u32 s9, $0x3;
	s10 =	sadd.s32 $0x4E2, s20  }
0x11: {  	[dreg:$0xb] =	wrdreg s23;
	s26 =	sadd.s32 $0x2800, s9;
	s16 =	sadd.s32 $0x5000, s9  }
0x12: {  	s21 =	simm.s32 $0x40;
	s23 =	simm.s32 $0x186A0;
	s11 =	sadd.s32 s5, s22  }
0x13: {  	s0 =	sadd.s32 s8, s0;
	s2 =	sadd.s32 s2, s10;
	[dreg:$0xc] =	wrdreg s11  }
0x14: {  	s8 =	sor.u32 $0x1C03, s19;
	s24 =	sadd.s32 s4, s10;
	[dreg:$0x6] =	wrdreg s2  }
0x15: {  	s30 =	smax.u32 s7, $0x1;
	s19 =	simm.s32 $0x4;
	[dreg:$0x7] =	wrdreg s24  }
0x16: {  	s22 =	simm.s32 $0x80;
	s25 =	sadd.s32 $0x9D5A00, s0;
	[dreg:$0xf] =	wrdreg s30  }
0x17: {  	s0 =	sadd.s32 $0x9FCC00, s0;
	s24 =	simm.s32 $0x3;
	[dreg:$0xd] =	wrdreg s25  }
0x18: {  	[dreg:$0xe] =	wrdreg s0;
	s0 =	sshrl.u32 s26, $0x3;
	s25 =	simm.s32 $0x1  }
0x19: {  	s26 =	simm.s32 $0x19AA0;
	s17 =	sadd.s32 s0, s5;
	s0 =	simm.s32 $0x0  }
.LBB2_1:
0x1a: {  	s2 =	rddreg [dreg:$0x8]  }
0x1b: {  	s2 =	sshrl.u32 s2, $0x3  }
0x1c: {  	[spmem:s2], [sflag:s8] =	dma.local [hbm:s6], $0x1388  }
0x1d: {  	s4 =	rddreg [dreg:$0x9]  }
0x1e: {  	s18 =	sshrl.u32 s4, $0x3  }
0x1f: {  	[spmem:s18], [sflag:s8] =	dma.local [hbm:s6], $0x1388  }
0x20: {  	s13 =	simm.s32 $0x0;
	s9 =	simm.s32 $0x13880;
	s7 =	rddreg [dreg:$0xa]  }
0x21: {  	[tilespmem:s9], [sflag:$0x4] =	stream.linear.gather [hbm4b:s7+s13], $0x2710, $0x38;
	[tilespmem:$0x1AEA0] =	vst v63  }
0x22: {  	_ =	swait.ge [sflag:s19], $0x2710  }
0x23: {  	[sflag:s19] =	ssyncset.done $0x0  }
0x24: {  	s15 =	simm.s32 $0x15F90;
	s14 =	rddreg [dreg:$0xb];
	[sflag:s19] =	ssyncadd.s32 $0xFFFFD8F0  }
0x25: {  	[tilespmem:s15], [sflag:$0x4] =	stream.linear.gather [hbm4b:s14+s13], $0x2710, $0x38;
	[tilespmem:$0x1AEA0] =	vst v63  }
0x26: {  	_ =	swait.ge [sflag:s19], $0x2710  }
0x27: {  	[sflag:s19] =	ssyncset.done $0x0  }
0x28: {  	s20 =	rddreg [dreg:$0xc];
	[sflag:s19] =	ssyncadd.s32 $0xFFFFD8F0  }
0x29: {  	[tilespmem:s23], [sflag:$0x1] =	stream.strided.gather [hbm4b:s20+s21], $0x1400, s22, s21, $0x38;
	[tilespmem:$0x1AEA0] =	vst v63  }
0x2a: {  	_ =	swait.ge [sflag:s24], $0x1388  }
0x2b: {  	[sflag:s24] =	ssyncset.done $0x0  }
0x2c: {  	[sflag:s24] =	ssyncadd.s32 $0xFFFFEC78  }
0x2d: {  	_ =	swait.ge [sflag:s24], $0x1388  }
0x2e: {  	p0 =	por $0x1, $0x1;
	[sflag:s24] =	ssyncset.done $0x0  }
0x2f: {  	p0 =	por p0, p0;
	[sflag:s24] =	ssyncadd.s32 $0xFFFFEC78  }
0x30: {  	s4 =	simm.s32 @!p0 $0x2;
	[bflag:$0x0] =	sbarrier.arrive $0xFFFF  }
0x31: {  	_ =	swait.ge @!p0 [sflag:s4], $0x1400  }
0x32: {  	[sflag:s4] =	ssyncset.done @!p0 $0x0  }
0x33: {  	[sflag:s4] =	ssyncadd.s32 @!p0 $0xFFFFEC00  }
0x34: {  	_ =	swait.ge @!p0 [sflag:s4], $0x1400  }
0x35: {  	[sflag:s4] =	ssyncset.done @!p0 $0x0  }
0x36: {  	s7 =	simm.s32 $0x0;
	[sflag:s4] =	ssyncadd.s32 @!p0 $0xFFFFEC00  }
0x37: {  	p0 =	por $0x0, $0x0;
	s4 =	simm.s32 $0xFFFFFF83;
	_ =	swait.ge [sflag:s25], $0x1400  }
0x38: {  	s7 =	smov.u32 @p0 s4;
	[sflag:s25] =	ssyncset.done $0x0  }
0x39: {  	s4 =	smul.u32 $0x50, s7;
	[sflag:s25] =	ssyncadd.s32 $0xFFFFEC00  }
0x3a: {  	[tilespmem:s26], [sflag:$0x1] =	stream.strided.gather [hbm4b:s17+s21], $0x1400, s22, s21, $0x38;
	[tilespmem:$0x1AEA0] =	vst v63  }
0x3b: {  	s7 =	sadd.s32 $0x13880, s4  }
0x3c: {  	[spmem:s1] =	stream.indirect.scatter.add.f32 [tilespmem:s23], [sflag:$0x2], $0x40, s7, s28, $0xb8;
	[tilespmem:$0x1AEA0] =	vst v63  }
0x3d: {  	s4 =	sadd.s32 $0x15F90, s4  }
0x3e: {  	[spmem:s3] =	stream.indirect.scatter.add.f32 [tilespmem:s23], [sflag:$0x2], $0x40, s4, s28, $0xb8;
	[tilespmem:$0x1AEA0] =	vst v63  }
0x3f: {  	_ =	swait.ge [sflag:s29], $0x1400  }
0x40: {  	[sflag:s29] =	ssyncset.done $0x0  }
0x41: {  	[sflag:s29] =	ssyncadd.s32 $0xFFFFEC00  }
0x42: {  	p0 =	por $0x1, $0x1;
	_ =	swait.ge [sflag:s29], $0x1400  }
0x43: {  	s9 =	simm.s32 @!p0 $0x13880;
	[sflag:s29] =	ssyncset.done $0x0  }
0x44: {  	s7 =	simm.s32 @!p0 $0x0;
	s4 =	rddreg [dreg:$0x6];
	[sflag:s29] =	ssyncadd.s32 $0xFFFFEC00  }
0x45: {  	[tilespmem:s9], [sflag:$0x4] =	stream.linear.gather @!p0 [hbm4b:s4+s7], $0x2710, $0x38;
	[tilespmem:$0x1AEA0] =	vst v63  }
0x46: {  	s4 =	simm.s32 @!p0 $0x4  }
0x47: {  	_ =	swait.ge @!p0 [sflag:s4], $0x2710  }
0x48: {  	p1 =	por $0x0, $0x0;
	p6 =	por $0x0, $0x0;
	[sflag:s4] =	ssyncset.done @!p0 $0x0  }
0x49: {  	s10 =	simm.s32 @!p0 $0x15F90;
	s9 =	rddreg [dreg:$0x7];
	[sflag:s4] =	ssyncadd.s32 @!p0 $0xFFFFD8F0  }
0x4a: {  	[tilespmem:s10], [sflag:$0x4] =	stream.linear.gather @!p0 [hbm4b:s9+s7], $0x2710, $0x38;
	[tilespmem:$0x1AEA0] =	vst v63  }
0x4b: {  	s20 =	simm.s32 $0x3;
	s7 =	simm.s32 $0xFFFFFF84;
	_ =	swait.ge @!p0 [sflag:s4], $0x2710  }
0x4c: {  	s9 =	simm.s32 $0x1;
	s10 =	simm.s32 @!p1 $0x80;
	[sflag:s4] =	ssyncset.done @!p0 $0x0  }
0x4d: {  	[sflag:s4] =	ssyncadd.s32 @!p0 $0xFFFFD8F0;
	p0 =	por $0x0, $0x0;
	s4 =	simm.s32 @!p1 $0x186A0  }
0x4e: {  	s9 =	smov.u32 @p0 s7;
	_ =	swait.ge [sflag:s25], $0x1400;
	s7 =	sshrl.u32 @!p1 s16, $0x3  }
0x4f: {  	p0 =	por p6, p6;
	[sflag:s25] =	ssyncset.done $0x0;
	s7 =	sadd.s32 @!p1 s5, s7  }
0x50: {  	s11 =	smul.u32 $0x50, s9;
	s9 =	simm.s32 @!p1 $0x40;
	[sflag:s25] =	ssyncadd.s32 $0xFFFFEC00  }
0x51: {  	[tilespmem:s4], [sflag:$0x1] =	stream.strided.gather @!p1 [hbm4b:s7+s9], $0x1400, s10, s9, $0x38;
	[tilespmem:$0x1AEA0] =	vst v63  }
0x52: {  	s30 =	sadd.s32 $0x13880, s11;
	s10 =	simm.s32 $0x5;
	s4 =	sadd.s32 $0x5000, s16  }
0x53: {  	s9 =	sadd.s32 $0xA00, s17;
	s13 =	sadd.s32 $0x15F90, s11;
	s7 =	simm.s32 $0x1  }
0x54: {  	[spmem:s1] =	stream.indirect.scatter.add.f32 [tilespmem:s26], [sflag:$0x2], $0x40, s30, s28, $0xb8;
	[tilespmem:$0x1AEA0] =	vst v63  }
.LBB2_2:
0x55: {  	s14 =	simm.s32 @!p0 $0x2  }
0x56: {  	[spmem:s3] =	stream.indirect.scatter.add.f32 [tilespmem:s26], [sflag:$0x2], $0x40, s13, s28, $0xb8;
	[tilespmem:$0x1AEA0] =	vst v63  }
0x57: {  	_ =	swait.ge @!p0 [sflag:s14], $0x1400  }
0x58: {  	[sflag:s14] =	ssyncset.done @!p0 $0x0  }
0x59: {  	[sflag:s14] =	ssyncadd.s32 @!p0 $0xFFFFEC00  }
0x5a: {  	_ =	swait.ge @!p0 [sflag:s14], $0x1400  }
0x5b: {  	p2 =	seq.s32 s10, $0x1;
	s11 =	smov.u32 s20;
	[sflag:s14] =	ssyncset.done @!p0 $0x0  }
0x5c: {  	s13 =	sadd.s32 $0xFFFFFFFF, s11;
	[sflag:s14] =	ssyncadd.s32 @!p0 $0xFFFFEC00;
	p0 =	por p2, p2  }
0x5d: {  	p2 =	sgt.u32 s7, $0x3E;
	s14 =	sadd.s32 $0xFFFFFF82, s11;
	_ =	swait.ge [sflag:s25], $0x1400  }
0x5e: {  	s13 =	smov.u32 @p2 s14;
	[sflag:s25] =	ssyncset.done $0x0  }
0x5f: {  	s13 =	smul.u32 $0x50, s13;
	[sflag:s25] =	ssyncadd.s32 $0xFFFFEC00  }
0x60: {  	[tilespmem:s26], [sflag:$0x1] =	stream.strided.gather [hbm4b:s9+s21], $0x1400, s22, s21, $0x38;
	[tilespmem:$0x1AEA0] =	vst v63  }
0x61: {  	s15 =	sadd.s32 $0x13880, s13  }
0x62: {  	[spmem:s1] =	stream.indirect.scatter.add.f32 [tilespmem:s23], [sflag:$0x2], $0x40, s15, s28, $0xb8;
	[tilespmem:$0x1AEA0] =	vst v63  }
0x63: {  	s13 =	sadd.s32 $0x15F90, s13  }
0x64: {  	[spmem:s3] =	stream.indirect.scatter.add.f32 [tilespmem:s23], [sflag:$0x2], $0x40, s13, s28, $0xb8;
	[tilespmem:$0x1AEA0] =	vst v63  }
0x65: {  	_ =	swait.ge [sflag:s29], $0x1400  }
0x66: {  	[sflag:s29] =	ssyncset.done $0x0  }
0x67: {  	[sflag:s29] =	ssyncadd.s32 $0xFFFFEC00  }
0x68: {  	p2 =	sne.s32 s11, $0x7D;
	_ =	swait.ge [sflag:s29], $0x1400  }
0x69: {  	s14 =	simm.s32 @!p2 $0x0;
	[sflag:s29] =	ssyncset.done $0x0  }
0x6a: {  	s15 =	simm.s32 @!p2 $0x13880;
	s13 =	rddreg [dreg:$0x6];
	[sflag:s29] =	ssyncadd.s32 $0xFFFFEC00  }
0x6b: {  	[tilespmem:s15], [sflag:$0x4] =	stream.linear.gather @!p2 [hbm4b:s13+s14], $0x2710, $0x38;
	[tilespmem:$0x1AEA0] =	vst v63  }
0x6c: {  	s20 =	smov.u32 s10;
	s13 =	simm.s32 @!p2 $0x4  }
0x6d: {  	s10 =	sadd.s32 $0x2, s10;
	s12 =	smov.u32 s4;
	_ =	swait.ge @!p2 [sflag:s13], $0x2710  }
0x6e: {  	s4 =	sadd.s32 $0x5000, s4;
	p3 =	sgt.u32 s11, $0xF8;
	[sflag:s13] =	ssyncset.done @!p2 $0x0  }
0x6f: {  	s30 =	simm.s32 @!p2 $0x15F90;
	s15 =	rddreg [dreg:$0x7];
	[sflag:s13] =	ssyncadd.s32 @!p2 $0xFFFFD8F0  }
0x70: {  	[tilespmem:s30], [sflag:$0x4] =	stream.linear.gather @!p2 [hbm4b:s15+s14], $0x2710, $0x38;
	[tilespmem:$0x1AEA0] =	vst v63  }
0x71: {  	p1 =	sne.s32 s10, $0xFB;
	s12 =	sshrl.u32 @!p3 s12, $0x3;
	_ =	swait.ge @!p2 [sflag:s13], $0x2710  }
0x72: {  	s12 =	sadd.s32 @!p3 s5, s12;
	s9 =	sadd.s32 $0xA00, s9;
	[sflag:s13] =	ssyncset.done @!p2 $0x0  }
0x73: {  	s14 =	sadd.s32 $0xFFFFFF83, s11;
	s15 =	simm.s32 @!p3 $0x80;
	[sflag:s13] =	ssyncadd.s32 @!p2 $0xFFFFD8F0  }
0x74: {  	p2 =	sgt.u32 s7, $0x3D;
	s13 =	simm.s32 @!p3 $0x186A0;
	_ =	swait.ge [sflag:s25], $0x1400  }
.Ltmp0:
0x75: {  	s11 =	smov.u32 @p2 s14;
	[sflag:s25] =	ssyncset.done $0x0;
	(pc) =	sbr.rel @p1 .LBB2_2-.Ltmp0, $4  }
0x76: {  	s14 =	simm.s32 @!p3 $0x40;
	s11 =	smul.u32 $0x50, s11;
	[sflag:s25] =	ssyncadd.s32 $0xFFFFEC00  }
0x77: {  	[tilespmem:s13], [sflag:$0x1] =	stream.strided.gather @!p3 [hbm4b:s12+s14], $0x1400, s15, s14, $0x38;
	[tilespmem:$0x1AEA0] =	vst v63  }
0x78: {  	s7 =	sadd.s32 $0x1, s7;
	s30 =	sadd.s32 $0x13880, s11;
	s13 =	sadd.s32 $0x15F90, s11  }
0x79: {  	[spmem:s1] =	stream.indirect.scatter.add.f32 [tilespmem:s26], [sflag:$0x2], $0x40, s30, s28, $0xb8;
	[tilespmem:$0x1AEA0] =	vst v63  }
0x7a: {  	s10 =	simm.s32 @!p0 $0x2  }
0x7b: {  	[spmem:s3] =	stream.indirect.scatter.add.f32 [tilespmem:s26], [sflag:$0x2], $0x40, s13, s28, $0xb8;
	[tilespmem:$0x1AEA0] =	vst v63  }
0x7c: {  	_ =	swait.ge @!p0 [sflag:s10], $0x1400  }
0x7d: {  	[sflag:s10] =	ssyncset.done @!p0 $0x0  }
0x7e: {  	[sflag:s10] =	ssyncadd.s32 @!p0 $0xFFFFEC00  }
0x7f: {  	_ =	swait.ge @!p0 [sflag:s10], $0x1400  }
0x80: {  	[sflag:s10] =	ssyncset.done @!p0 $0x0  }
0x81: {  	s11 =	sadd.s32 $0xFFFFFFFF, s20;
	[sflag:s10] =	ssyncadd.s32 @!p0 $0xFFFFEC00  }
0x82: {  	p0 =	sgt.u32 s7, $0x3E;
	s10 =	sadd.s32 $0xFFFFFF82, s20;
	_ =	swait.ge [sflag:s25], $0x1400  }
0x83: {  	s11 =	smov.u32 @p0 s10;
	[sflag:s25] =	ssyncset.done $0x0  }
0x84: {  	s10 =	smul.u32 $0x50, s11;
	[sflag:s25] =	ssyncadd.s32 $0xFFFFEC00  }
0x85: {  	[tilespmem:s26], [sflag:$0x1] =	stream.strided.gather [hbm4b:s9+s21], $0x1400, s22, s21, $0x38;
	[tilespmem:$0x1AEA0] =	vst v63  }
0x86: {  	s30 =	sadd.s32 $0x13880, s10  }
0x87: {  	[spmem:s1] =	stream.indirect.scatter.add.f32 [tilespmem:s23], [sflag:$0x2], $0x40, s30, s28, $0xb8;
	[tilespmem:$0x1AEA0] =	vst v63  }
0x88: {  	s11 =	sadd.s32 $0x15F90, s10  }
0x89: {  	[spmem:s3] =	stream.indirect.scatter.add.f32 [tilespmem:s23], [sflag:$0x2], $0x40, s11, s28, $0xb8;
	[tilespmem:$0x1AEA0] =	vst v63  }
0x8a: {  	_ =	swait.ge [sflag:s29], $0x1400  }
0x8b: {  	[sflag:s29] =	ssyncset.done $0x0  }
0x8c: {  	[sflag:s29] =	ssyncadd.s32 $0xFFFFEC00  }
0x8d: {  	p0 =	sne.s32 s20, $0x7D;
	_ =	swait.ge [sflag:s29], $0x1400  }
0x8e: {  	s10 =	simm.s32 @!p0 $0x0;
	[sflag:s29] =	ssyncset.done $0x0  }
0x8f: {  	s11 =	simm.s32 @!p0 $0x13880;
	s9 =	rddreg [dreg:$0x6];
	[sflag:s29] =	ssyncadd.s32 $0xFFFFEC00  }
0x90: {  	[tilespmem:s11], [sflag:$0x4] =	stream.linear.gather @!p0 [hbm4b:s9+s10], $0x2710, $0x38;
	[tilespmem:$0x1AEA0] =	vst v63  }
0x91: {  	s9 =	simm.s32 @!p0 $0x4  }
0x92: {  	_ =	swait.ge @!p0 [sflag:s9], $0x2710  }
0x93: {  	[sflag:s9] =	ssyncset.done @!p0 $0x0  }
0x94: {  	s12 =	simm.s32 @!p0 $0x15F90;
	s11 =	rddreg [dreg:$0x7];
	[sflag:s9] =	ssyncadd.s32 @!p0 $0xFFFFD8F0  }
0x95: {  	[tilespmem:s12], [sflag:$0x4] =	stream.linear.gather @!p0 [hbm4b:s11+s10], $0x2710, $0x38;
	[tilespmem:$0x1AEA0] =	vst v63  }
0x96: {  	p1 =	sgt.u32 s20, $0xF8;
	_ =	swait.ge @!p0 [sflag:s9], $0x2710  }
0x97: {  	s4 =	sshrl.u32 @!p1 s4, $0x3;
	[sflag:s9] =	ssyncset.done @!p0 $0x0  }
0x98: {  	s4 =	sadd.s32 @!p1 s5, s4;
	s10 =	sadd.s32 $0xFFFFFF83, s20;
	[sflag:s9] =	ssyncadd.s32 @!p0 $0xFFFFD8F0  }
0x99: {  	s11 =	simm.s32 @!p1 $0x80;
	p0 =	sgt.u32 s7, $0x3D;
	_ =	swait.ge [sflag:s25], $0x1400  }
0x9a: {  	s7 =	simm.s32 @!p1 $0x186A0;
	s20 =	smov.u32 @p0 s10;
	[sflag:s25] =	ssyncset.done $0x0  }
0x9b: {  	s10 =	simm.s32 @!p1 $0x40;
	s12 =	smul.u32 $0x50, s20;
	[sflag:s25] =	ssyncadd.s32 $0xFFFFEC00  }
0x9c: {  	[tilespmem:s7], [sflag:$0x1] =	stream.strided.gather @!p1 [hbm4b:s4+s10], $0x1400, s11, s10, $0x38;
	[tilespmem:$0x1AEA0] =	vst v63  }
0x9d: {  	s13 =	sadd.s32 $0x13880, s12  }
0x9e: {  	[spmem:s1] =	stream.indirect.scatter.add.f32 [tilespmem:s26], [sflag:$0x2], $0x40, s13, s28, $0xb8;
	[tilespmem:$0x1AEA0] =	vst v63  }
0x9f: {  	s14 =	sadd.s32 $0x15F90, s12  }
0xa0: {  	[spmem:s3] =	stream.indirect.scatter.add.f32 [tilespmem:s26], [sflag:$0x2], $0x40, s14, s28, $0xb8;
	[tilespmem:$0x1AEA0] =	vst v63  }
0xa1: {  	_ =	swait.ge [sflag:s29], $0x1400  }
0xa2: {  	[sflag:s29] =	ssyncset.done $0x0  }
0xa3: {  	[sflag:s29] =	ssyncadd.s32 $0xFFFFEC00  }
0xa4: {  	_ =	swait.ge [sflag:s29], $0x1400  }
0xa5: {  	[sflag:s29] =	ssyncset.done $0x0  }
0xa6: {  	[sflag:s29] =	ssyncadd.s32 $0xFFFFEC00  }
0xa7: {  	[bflag:$0x0] =	sbarrier.arrive $0xFFFF  }
0xa8: {  	s20 =	simm.s32 $0x10;
	s15 =	rddreg [dreg:$0xd]  }
0xa9: {  	[hbm:s15@s20], [sflag:s8] =	dma.strided [spmem:s2@s31], $0x1388, s25, $0x8   }
0xaa: {  	s2 =	rddreg [dreg:$0xe]  }
0xab: {  	[hbm:s2@s20], [sflag:s8] =	dma.strided [spmem:s18@s31], $0x1388, s25, $0x8   }
0xac: {  	_ =	swait.ge [sflag:s24], $0x1388  }
0xad: {  	[sflag:s24] =	ssyncset.done $0x0  }
0xae: {  	[sflag:s24] =	ssyncadd.s32 $0xFFFFEC78  }
0xaf: {  	_ =	swait.ge [sflag:s24], $0x1388  }
0xb0: {  	s0 =	sadd.s32 $0x1, s0;
	s30 =	rddreg [dreg:$0xf]  }
0xb1: {  	p0 =	sne.s32 s0, s30  }
.Ltmp1:
0xb2: {  	_ = 	snop;
	(pc) =	sbr.rel @p0 .LBB2_1-.Ltmp1, $3  }
0xb3: {  	_ =	sdelay $0x1  }
0xb4: {  	[sflag:s24] =	ssyncset.done $0x0  }
0xb5: {  	[sflag:s24] =	ssyncadd.s32 $0xFFFFEC78  }
0xb6: {  	_ =	sfence.sel $0x180000  }
0xb7: {  	[bflag:$0x0] =	sbarrier.arrive $0xFFFF  }
0xb8: {  	_ =	strace $0x9000004A  }
0xb9: {  	s0 =	stileid.u32;
	[bflag:$0x2] =	sbarrier.arrive $0xFFFF  }
0xba: {  	p0 =	sne.s32 s0, $0x0;
	s0 =	rddreg [dreg:$0x5]  }
0xbb: {  	s0 =	sadd.s32 @!p0 $0x100000, s0  }
0xbc: {  	[sflag:s0] =	ssyncadd.tile.s32 @!p0 $0x1;
	_ =	shalt  }
.Lfunc_end2:
_tile_overlayer_lowered:
.L_overlay_start_2:
0xbd: {  	(tag) =	ssettag $0x2  }
0xbe: {  	s0 =	rddreg [dreg:$0x0];
	s2 =	stileid.u32  }
0xbf: {  	s1 =	rddreg [dreg:$0x1];
	p0 =	sne.s32 s2, $0x0  }
0xc0: {  	s3 =	rddreg [dreg:$0x2];
	[bflag:$0x3] =	sbarrier.arrive $0xFFFF;
	s2 =	simm.s32 @!p0 $0x1C04  }
0xc1: {  	[timem:s3], [sflag:s2] =	dma.local @!p0 [hbm:s0], s1  }
0xc2: {  	s0 =	simm.s32 @!p0 $0x4  }
0xc3: {  	_ =	swait.ge @!p0 [sflag:s0], s1  }
0xc4: {  	s1 =	ssub.s32 @!p0 $0x0, s1;
	[sflag:s0] =	ssyncset.done @!p0 $0x0  }
0xc5: {  	[sflag:s0] =	ssyncadd.s32 @!p0 s1  }
0xc6: {  	[bflag:$0x3] =	sbarrier.arrive $0xFFFF  }
0xc7: {  	_ =	shalt  }

// kernel: kernel.14.cloned.1.call-start
scs
__scs_entry_jumppad:
0x0: {  	(pc) =	sbr.rel $0x88, $3  }
0x1: {  	(tag) =	ssettag $0x0;
	lr =	simm.s32 $0x1  }
0x2: {  	[smem:$0x3F88] =	sst lr;
	_ =	strace $0xD0000000  }
0x3: {  	_ = 	snop  }
0x4: {  	_ = 	snop  }
0x5: {  	_ = 	snop  }
0x6: {  	_ = 	snop  }
0x7: {  	_ = 	snop  }
__scs_overlays_trampoline_lowered:
0x8: {  	[smem:$0x3F97] =	sst s0  }
0x9: {  	[smem:$0x3F98] =	sst s1  }
0xa: {  	[smem:$0x3F99] =	sst s2  }
0xb: {  	[smem:$0x3F9A] =	sst s3  }
0xc: {  	[smem:$0x3F9B] =	sst s4  }
0xd: {  	[smem:$0x3F9C] =	sst s5  }
0xe: {  	[smem:$0x3F9D] =	sst s6  }
0xf: {  	[smem:$0x3F9E] =	sst s7  }
0x10: {  	[smem:$0x3F9F] =	sst s8  }
0x11: {  	[smem:$0x3FA0] =	sst s9;
	s0 =	simm.s32 @!p0 $0x0  }
0x12: {  	s1 =	sld [smem:$0x3F86];
	s0 =	simm.s32 @p0 $0x1  }
0x13: {  	[smem:$0x3FA1] =	sst s0;
	s0 =	simm.s32 @!p1 $0x0  }
0x14: {  	s2 =	sld [smem:$0x3F85];
	s0 =	simm.s32 @p1 $0x1  }
0x15: {  	[smem:$0x3FA2] =	sst s0;
	s0 =	simm.s32 @!p2 $0x0  }
0x16: {  	s3 =	sld [smem:$0x3FDB];
	s0 =	simm.s32 @p2 $0x1  }
0x17: {  	s4 =	simm.s32 $0x1BF5;
	[smem:$0x3FA4] =	sst s0  }
0x18: {  	s0 =	sld [smem:$0x3F87];
	_ =	swait.ge [sflag:s4], $0x0  }
0x19: {  	s7 =	sld [smem:$0x3F88]  }
0x1a: {  	s8 =	sadd.s32 $0xFFFFE003, lr  }
0x1b: {  	s9 =	sadd.s32 $0xFFFFFEF7, lr;
	s5 =	simm.s32 $0xFFFFFFFF;
	p2 =	slt.u32 s8, $0xFFFFF086  }
0x1c: {  	p1 =	slt.u32 s9, $0xF7A;
	s5 =	simm.s32 @!p2 $0x0  }
0x1d: {  	s5 =	simm.s32 @p1 $0x1;
	p0 =	seq.s32 s7, s2  }
0x1e: {  	s7 =	smul.u32 @!p0 $0xF7A, s2;
	p2 =	seq.s32 @!p0 s5, $0x0  }
0x1f: {  	s9 =	smul.u32 $0xF7A, s1;
	s8 =	simm.s32 @!p0 $0x1BF5;
	p2 =	por !p2, p0  }
0x20: {  	[sflag:s8] =	ssyncset.s32 @!p0 $0xFFFFF086;
	s6 =	sadd.s32 @!p0 s3, s7;
	s7 =	simm.s32 @!p0 $0x108  }
0x21: {  	s3 =	sadd.s32 s3, s9;
	s6 =	sadd.s32 @!p0 $0x88, s6;
	s7 =	simm.s32 @p2 $0x1082  }
0x22: {  	[simem:s7], [sflag:s8] =	dma.local @!p0 [hbm:s6], $0xF7A  }
0x23: {  	s9 =	sor.u32 $0xD0000000, s2;
	s6 =	simm.s32 $0x108;
	_ =	swait.ge @!p0 [sflag:s8], $0x0  }
0x24: {  	s3 =	sadd.s32 $0x88, s3;
	s6 =	simm.s32 @!p1 $0x1082;
	[sflag:s4] =	ssyncset.s32 $0xFFFFF086  }
0x25: {  	[simem:s6], [sflag:s4] =	dma.local [hbm:s3], $0xF7A  }
0x26: {  	[smem:$0x3F88] =	sst s1;
	(tag) =	ssettag s2;
	_ =	strace s9  }
0x27: {  	s1 =	sld [smem:$0x3F98]  }
0x28: {  	s2 =	sld [smem:$0x3F99]  }
0x29: {  	s4 =	sld [smem:$0x3F9B]  }
0x2a: {  	p0 =	seq.s32 s5, $0x0;
	s5 =	sld [smem:$0x3F9C]  }
0x2b: {  	s6 =	sld [smem:$0x3F9D]  }
0x2c: {  	s7 =	sld [smem:$0x3F9E]  }
0x2d: {  	s3 =	simm.s32 $0x108;
	s8 =	sld [smem:$0x3F9F]  }
0x2e: {  	s3 =	simm.s32 @!p0 $0x1082;
	s9 =	sld [smem:$0x3FA0]  }
0x2f: {  	lr =	sadd.s32 s0, s3;
	s0 =	sld [smem:$0x3F97]  }
0x30: {  	s3 =	sld [smem:$0x3F9A]  }
0x31: {  	[smem:$0x3FA3] =	sst s10  }
0x32: {  	s10 =	sld [smem:$0x3FA1];
	_ =	sdelay $0x3  }
0x33: {  	p0 =	seq.s32 s10, $0x1;
	s10 =	sld [smem:$0x3FA3];
	_ =	sdelay $0x3  }
0x34: {  	[smem:$0x3FA3] =	sst s10  }
0x35: {  	s10 =	sld [smem:$0x3FA2];
	_ =	sdelay $0x3  }
0x36: {  	p1 =	seq.s32 s10, $0x1;
	s10 =	sld [smem:$0x3FA3];
	_ =	sdelay $0x3  }
0x37: {  	[smem:$0x3FA3] =	sst s10  }
0x38: {  	s10 =	sld [smem:$0x3FA4]  }
0x39: {  	_ = 	snop;
	(pc) =	sbr.ind lr, $3  }
0x3a: {  	_ = 	snop  }
0x3b: {  	_ = 	snop  }
0x3c: {  	p2 =	seq.s32 s10, $0x1;
	s10 =	sld [smem:$0x3FA3]  }
0x3d: {  	_ =	shalt  }
0x3e: {  	_ =	shalt  }
0x3f: {  	_ =	shalt  }
0x40: {  	_ =	shalt  }
0x41: {  	_ =	shalt  }
0x42: {  	_ =	shalt  }
0x43: {  	_ =	shalt  }
0x44: {  	_ =	shalt  }
0x45: {  	_ =	shalt  }
0x46: {  	_ =	shalt  }
0x47: {  	_ =	shalt  }
0x48: {  	_ =	shalt  }
0x49: {  	_ =	shalt  }
0x4a: {  	_ =	shalt  }
0x4b: {  	_ =	shalt  }
0x4c: {  	_ =	shalt  }
0x4d: {  	_ =	shalt  }
0x4e: {  	_ =	shalt  }
0x4f: {  	_ =	shalt  }
0x50: {  	_ =	shalt  }
0x51: {  	_ =	shalt  }
0x52: {  	_ =	shalt  }
0x53: {  	_ =	shalt  }
0x54: {  	_ =	shalt  }
0x55: {  	_ =	shalt  }
0x56: {  	_ =	shalt  }
0x57: {  	_ =	shalt  }
0x58: {  	_ =	shalt  }
0x59: {  	_ =	shalt  }
0x5a: {  	_ =	shalt  }
0x5b: {  	_ =	shalt  }
0x5c: {  	_ =	shalt  }
0x5d: {  	_ =	shalt  }
0x5e: {  	_ =	shalt  }
0x5f: {  	_ =	shalt  }
0x60: {  	_ =	shalt  }
0x61: {  	_ =	shalt  }
0x62: {  	_ =	shalt  }
0x63: {  	_ =	shalt  }
0x64: {  	_ =	shalt  }
0x65: {  	_ =	shalt  }
0x66: {  	_ =	shalt  }
0x67: {  	_ =	shalt  }
0x68: {  	_ =	shalt  }
0x69: {  	_ =	shalt  }
0x6a: {  	_ =	shalt  }
0x6b: {  	_ =	shalt  }
0x6c: {  	_ =	shalt  }
0x6d: {  	_ =	shalt  }
0x6e: {  	_ =	shalt  }
0x6f: {  	_ =	shalt  }
0x70: {  	_ =	shalt  }
0x71: {  	_ =	shalt  }
0x72: {  	_ =	shalt  }
0x73: {  	_ =	shalt  }
0x74: {  	_ =	shalt  }
0x75: {  	_ =	shalt  }
0x76: {  	_ =	shalt  }
0x77: {  	_ =	shalt  }
0x78: {  	_ =	shalt  }
0x79: {  	_ =	shalt  }
0x7a: {  	_ =	shalt  }
0x7b: {  	_ =	shalt  }
0x7c: {  	_ =	shalt  }
0x7d: {  	_ =	shalt  }
0x7e: {  	_ =	shalt  }
0x7f: {  	_ =	shalt  }
0x80: {  	_ =	shalt  }
0x81: {  	_ =	shalt  }
0x82: {  	_ =	shalt  }
0x83: {  	_ =	shalt  }
0x84: {  	_ =	shalt  }
0x85: {  	_ =	shalt  }
0x86: {  	_ =	shalt  }
0x87: {  	_ =	shalt  }
.Lfunc_end0:
.L_simem_size_0:
called_computation.2_lowered:
.L_overlay_start_0:
0x88: {  	s2 =	sld [smem:$0x3FD9]  }
0x89: {  	s3 =	sld [smem:$0x3FFE];
	_ =	sdelay $0x1  }
0x8a: {  	s1 =	srdreg.scid  }
0x8b: {  	s0 =	sand.u32 $0x1, s1  }
0x8c: {  	s15 =	sshll.u32 s0, $0xA;
	s2 =	sadd.s32 s3, s2  }
0x8d: {  	s2 =	sadd.s32 s2, s15  }
0x8e: {  	[smem:$0x3FAF] =	sst s2  }
0x8f: {  	_ = 	snop  }
0x90: {  	s16 =	sld [smem:$0x3FD0];
	_ =	sdelay $0x1  }
0x91: {  	s2 =	sld [smem:$0x3FC6]  }
0x92: {  	s6 =	simm.s32 $0xC;
	s5 =	simm.s32 $0x10;
	s4 =	sld [smem:$0x3FC5]  }
0x93: {  	[smem:s5], [sflag:s6] =	dma.local [hbm:s16], $0x1  }
0x94: {  	_ =	swait.eq [sflag:s6], $0x1  }
0x95: {  	[sflag:s6] =	ssyncset.done $0x0  }
0x96: {  	s17 =	sld [smem:$0x10];
	[sflag:s6] =	ssyncadd.s32 $0xFFFFFFFF  }
0x97: {  	s18 =	sld [smem:$0x11];
	(tm) =	ssettm $0x1  }
0x98: {  	s19 =	sld [smem:$0x3FFB];
	_ =	sdelay $0x3  }
0x99: {  	_ =	strace s19  }
0x9a: {  	s3 =	sld [smem:$0x3FFC];
	_ =	sdelay $0x3  }
0x9b: {  	_ =	strace s3  }
0x9c: {  	s3 =	sld [smem:$0x3FFD];
	_ =	sdelay $0x3  }
0x9d: {  	_ =	strace s3  }
0x9e: {  	_ =	strace $0x8FFFFFFF  }
0x9f: {  	s20 =	sld [smem:$0x3FDB];
	_ =	sdelay $0x1  }
0xa0: {  	s7 =	simm.s32 $_scs_section_size  }
0xa1: {  	s8 =	simm.s32 $_size__tile_overlayer_lowered;
	s9 =	simm.s32 $_tile_overlayer_lowered  }
0xa2: {  	s10 =	simm.s32 $0x1BFF;
	s21 =	sshll.u32 s9, $0x1;
	s7 =	sadd.s32 s7, s20  }
0xa3: {  	s22 =	simm.s32 $0x0;
	s8 =	sshll.u32 s8, $0x1;
	s9 =	sadd.s32 s21, s7  }
0xa4: {  	[timem:s22], [sflag:s10] =	dma.local [hbm:s9], s8  }
0xa5: {  	_ =	swait.ge [sflag:s10], s8  }
0xa6: {  	s8 =	ssub.s32 $0x0, s8;
	[sflag:s10] =	ssyncset.done $0x0  }
0xa7: {  	[sflag:s10] =	ssyncadd.s32 s8;
	_ =	sdelay $0x1  }
0xa8: {  	s23 =	simm.s32 $0x1B8B  }
0xa9: {  	_ =	swait.ge [sflag:s23], $0x1  }
0xaa: {  	[sflag:s23] =	ssyncset.done $0x0  }
0xab: {  	[sflag:s23] =	ssyncadd.s32 $0xFFFFFFFF  }
0xac: {  	s8 =	sld [smem:$0x0]  }
0xad: {  	s9 =	sand.u32 $0xFFFFFFFE, s1  }
0xae: {  	p0 =	sne.s32 s1, s9  }
0xaf: {  	s9 =	sshll.u32 @p0 s9, $0xE  }
0xb0: {  	s9 =	sadd.s32 @p0 $0x11B8D, s9;
	s10 =	sshll.u32 @p0 s8, $0x11  }
0xb1: {  	s9 =	sor.u32 @p0 s10, s9  }
0xb2: {  	[sflag:s9] =	ssyncadd.remote.s32 @p0 $0x1;
	_ =	sdelay $0x1  }
0xb3: {  	s9 =	simm.s32 @p0 $0x1B8D  }
0xb4: {  	_ =	swait.eq @p0 [sflag:s9], $0x1  }
0xb5: {  	[sflag:s9] =	ssyncadd.s32 @p0 $0xFFFFFFFF  }
0xb6: {  	s10 =	sshll.u32 @!p0 s1, $0xE  }
0xb7: {  	s10 =	sor.u32 @!p0 $0x4000, s10;
	s9 =	simm.s32 @!p0 $0x1B8D  }
0xb8: {  	s8 =	sshll.u32 @!p0 s8, $0x11;
	s10 =	sadd.s32 @!p0 $0x11B8D, s10;
	_ =	swait.eq @!p0 [sflag:s9], $0x1  }
0xb9: {  	s8 =	sor.u32 @!p0 s8, s10;
	[sflag:s9] =	ssyncadd.s32 @!p0 $0xFFFFFFFF  }
0xba: {  	s25 =	simm.s32 $0x1B8E;
	s24 =	sld [smem:$0x3FFE];
	[sflag:s8] =	ssyncadd.remote.s32 @!p0 $0x1  }
0xbb: {  	s26 =	simm.s32 $execute0_lowered;
	[smem:$0x3FD2] =	sst s25  }
0xbc: {  	s9 =	sshll.u32 s26, $0x1;
	_ =	strace $0x8000004C;
	[dreg:$0x1] =	wrdreg $0xFFFFFFFF  }
0xbd: {  	s28 =	simm.s32 $_size_execute0_lowered;
	s7 =	sadd.s32 s7, s9;
	[dreg:$0x0] =	wrdreg $0x0  }
0xbe: {  	s9 =	sshll.u32 s28, $0x1;
	[dreg:$0x2] =	wrdreg s7  }
0xbf: {  	[dreg:$0x3] =	wrdreg s9  }
0xc0: {  	[dreg:$0x4] =	wrdreg $0xC0  }
0xc1: {  	_ =	task [dreg:s22], $0x5FFFF  }
0xc2: {  	[dreg:$0x1] =	wrdreg $0xFFFFFFFF  }
0xc3: {  	[dreg:$0x0] =	wrdreg $0x60  }
0xc4: {  	[dreg:$0x2] =	wrdreg s24  }
0xc5: {  	[dreg:$0x3] =	wrdreg s18  }
0xc6: {  	[dreg:$0x4] =	wrdreg s4  }
0xc7: {  	[dreg:$0x5] =	wrdreg s2  }
0xc8: {  	[dreg:$0x6] =	wrdreg s17  }
0xc9: {  	[dreg:$0x7] =	wrdreg $0x0  }
0xca: {  	[dreg:$0x8] =	wrdreg $0x9C400  }
0xcb: {  	[dreg:$0x9] =	wrdreg $0xB  }
0xcc: {  	_ =	task.clear_ibuf [dreg:s22], $0xAFFFF;
	_ =	strace $0x9000004C  }
0xcd: {  	s29 =	simm.s32 $0xB;
	_ =	strace $0x8000004E  }
0xce: {  	_ =	swait.ge [sflag:s29], $0x1  }
0xcf: {  	[sflag:s29] =	ssyncadd.s32 $0xFFFFFFFF  }
0xd0: {  	_ =	strace $0x9000004E  }
0xd1: {  	_ =	sfence  }
0xd2: {  	s30 =	sld [smem:$0x0];
	_ =	sdelay $0x2  }
0xd3: {  	s31 =	sshll.u32 s1, $0xD;
	s1 =	sshrl.u32 s1, $0x2  }
0xd4: {  	s4 =	sand.u32 $0x4000, s31;
	s1 =	sadd.s32 s1, s30  }
0xd5: {  	s0 =	sor.u32 s4, s0;
	s1 =	sshll.u32 s1, $0x11  }
0xd6: {  	s0 =	sor.u32 s1, s0  }
0xd7: {  	s0 =	sadd.s32 $0x8F2B, s0  }
0xd8: {  	[sflag:s0] =	ssyncadd.remote.s32 $0x1  }
0xd9: {  	_ =	sfence.sel $0xFFFF  }
0xda: {  	[dreg:$0x0] =	wrdreg $0xFFFFFFFF;
	(pc) =	sbr.abs _section_cstart, $3  }
0xdb: {  	[dreg:$0x1] =	wrdreg $0xFFFFFFFF  }
0xdc: {  	_ =	task.clear_ibuf [dreg:s22], $0x2FFFF;
	_ =	strace $0x9FFFFFFF  }
0xdd: {  	(tm) =	ssettm $0x7FFFFFFF  }
tec
execute0_lowered:
.L_overlay_start_1:
0x0: {  	(tag) =	ssettag $0x1  }
0x1: {  	s0 =	rddreg [dreg:$0x0]  }
0x2: {  	s1 =	rddreg [dreg:$0x1]  }
0x3: {  	s4 =	rddreg [dreg:$0x2]  }
0x4: {  	s5 =	rddreg [dreg:$0x3]  }
0x5: {  	s8 =	rddreg [dreg:$0x4]  }
0x6: {  	s2 =	rddreg [dreg:$0x5]  }
0x7: {  	s3 =	rddreg [dreg:$0x6];
	s16 =	stileid.u32  }
0x8: {  	s6 =	simm.s32 $0x0;
	s25 =	srdreg.scid;
	s10 =	smul.u32 $0x13880, s16  }
0x9: {  	s29 =	simm.s32 $0x40;
	s30 =	simm.s32 $0x80;
	s12 =	smul.u32 $0x9C40, s16  }
0xa: {  	s31 =	simm.s32 $0x186A0;
	[smem:$0x7FF] =	sst s6;
	s14 =	smul.u32 $0x9C4, s16  }
0xb: {  	s9 =	sand.u32 $0x1, s25;
	s6 =	sadd.s32 $0xA23E00, s0;
	s15 =	smul.u32 $0x271000, s16  }
0xc: {  	s7 =	sadd.s32 $0x6400, s0;
	s28 =	sshll.u32 s16, $0x6;
	s16 =	smul.u32 $0x4E20, s16  }
0xd: {  	_ =	strace $0x8000004D;
	s11 =	sshll.u32 s9, $0x6;
	s9 =	ssub.s32 $0x2, s9  }
0xe: {  	s10 =	sor.u32 s11, s10;
	s13 =	sshrl.u32 s9, $0x1;
	s26 =	sadd.s32 s12, s2  }
0xf: {  	s12 =	sadd.s32 s12, s3;
	s11 =	sor.u32 s11, s15;
	s15 =	sadd.s32 s4, s14  }
0x10: {  	s18 =	sshrl.u32 s16, $0x3;
	s14 =	sadd.s32 s5, s14;
	[dreg:$0x8] =	wrdreg s26  }
0x11: {  	s10 =	sshrl.u32 s10, $0x3;
	s13 =	ssub.s32 s9, s13;
	[dreg:$0x9] =	wrdreg s12  }
0x12: {  	s9 =	sor.u32 $0x1C03, s28;
	[dreg:$0xa] =	wrdreg s15;
	s17 =	sshrl.u32 s11, $0x3  }
0x13: {  	[dreg:$0xb] =	wrdreg s14;
	s15 =	sadd.s32 $0x4E2, s18;
	s23 =	sadd.s32 $0x2800, s11  }
0x14: {  	s0 =	sadd.s32 s10, s0;
	s19 =	sadd.s32 s6, s17;
	s14 =	sadd.s32 s4, s15  }
0x15: {  	s15 =	sadd.s32 s5, s15;
	s20 =	sadd.s32 s8, s10;
	[dreg:$0xc] =	wrdreg s19  }
0x16: {  	s22 =	sadd.s32 s1, s17;
	s25 =	sshrl.u32 s23, $0x3;
	[dreg:$0xd] =	wrdreg s20  }
0x17: {  	s26 =	smax.u32 s13, $0x1;
	s4 =	simm.s32 $0x1;
	[dreg:$0xf] =	wrdreg s22  }
0x18: {  	s5 =	simm.s32 $0x19AA0;
	s21 =	sadd.s32 $0x11C00, s0;
	[dreg:$0x12] =	wrdreg s26  }
0x19: {  	s8 =	simm.s32 $0x50;
	s24 =	sadd.s32 $0x38E00, s0;
	[dreg:$0xe] =	wrdreg s21  }
0x1a: {  	s10 =	simm.s32 $0x2;
	s0 =	sadd.s32 $0x60000, s0;
	[dreg:$0x10] =	wrdreg s24  }
0x1b: {  	s17 =	simm.s32 $0x0;
	s28 =	sadd.s32 s25, s6;
	[dreg:$0x11] =	wrdreg s0  }
0x1c: {  	s22 =	sadd.s32 $0x5000, s11;
	[dreg:$0x13] =	wrdreg s28;
	s0 =	sadd.s32 s25, s1  }
0x1d: {  	s26 =	simm.s32 $0x4;
	[dreg:$0x14] =	wrdreg s0;
	s0 =	simm.s32 $0x3  }
.LBB2_1:
0x1e: {  	s11 =	rddreg [dreg:$0x8]  }
0x1f: {  	s18 =	sshrl.u32 s11, $0x3  }
0x20: {  	[spmem:s18], [sflag:s9] =	dma.local [hbm:s7], $0x1388  }
0x21: {  	s13 =	rddreg [dreg:$0x9]  }
0x22: {  	s25 =	sshrl.u32 s13, $0x3  }
0x23: {  	[spmem:s25], [sflag:s9] =	dma.local [hbm:s7], $0x1388  }
0x24: {  	s16 =	simm.s32 $0x0;
	s13 =	simm.s32 $0x13880;
	s12 =	rddreg [dreg:$0xa]  }
0x25: {  	[tilespmem:s13], [sflag:$0x4] =	stream.linear.gather [hbm4b:s12+s16], $0x2710, $0x38;
	[tilespmem:$0x1AEA0] =	vst v63  }
0x26: {  	_ =	swait.ge [sflag:s26], $0x2710  }
0x27: {  	[sflag:s26] =	ssyncset.done $0x0  }
0x28: {  	s20 =	simm.s32 $0x15F90;
	s19 =	rddreg [dreg:$0xb];
	[sflag:s26] =	ssyncadd.s32 $0xFFFFD8F0  }
0x29: {  	[tilespmem:s20], [sflag:$0x4] =	stream.linear.gather [hbm4b:s19+s16], $0x2710, $0x38;
	[tilespmem:$0x1AEA0] =	vst v63  }
0x2a: {  	_ =	swait.ge [sflag:s26], $0x2710  }
0x2b: {  	[sflag:s26] =	ssyncset.done $0x0  }
0x2c: {  	s21 =	rddreg [dreg:$0xc];
	[sflag:s26] =	ssyncadd.s32 $0xFFFFD8F0  }
0x2d: {  	[tilespmem:s31], [sflag:$0x1] =	stream.strided.gather [hbm4b:s21+s29], $0x1400, s30, s29, $0x38;
	[tilespmem:$0x1AEA0] =	vst v63  }
0x2e: {  	_ =	swait.ge [sflag:s0], $0x1388  }
0x2f: {  	[sflag:s0] =	ssyncset.done $0x0  }
0x30: {  	[sflag:s0] =	ssyncadd.s32 $0xFFFFEC78  }
0x31: {  	_ =	swait.ge [sflag:s0], $0x1388  }
0x32: {  	p0 =	por $0x1, $0x1;
	[sflag:s0] =	ssyncset.done $0x0  }
0x33: {  	p0 =	por p0, p0;
	[sflag:s0] =	ssyncadd.s32 $0xFFFFEC78  }
0x34: {  	s11 =	simm.s32 @!p0 $0x2;
	[bflag:$0x0] =	sbarrier.arrive $0xFFFF  }
0x35: {  	_ =	swait.ge @!p0 [sflag:s11], $0x1400  }
0x36: {  	[sflag:s11] =	ssyncset.done @!p0 $0x0  }
0x37: {  	[sflag:s11] =	ssyncadd.s32 @!p0 $0xFFFFEC00  }
0x38: {  	_ =	swait.ge @!p0 [sflag:s11], $0x1400  }
0x39: {  	[sflag:s11] =	ssyncset.done @!p0 $0x0  }
0x3a: {  	s12 =	simm.s32 $0x0;
	[sflag:s11] =	ssyncadd.s32 @!p0 $0xFFFFEC00  }
0x3b: {  	p0 =	por $0x0, $0x0;
	s11 =	simm.s32 $0xFFFFFF83;
	_ =	swait.ge [sflag:s4], $0x1400  }
0x3c: {  	s12 =	smov.u32 @p0 s11;
	[sflag:s4] =	ssyncset.done $0x0  }
0x3d: {  	s11 =	smul.u32 $0x50, s12;
	s23 =	rddreg [dreg:$0x13];
	[sflag:s4] =	ssyncadd.s32 $0xFFFFEC00  }
0x3e: {  	[tilespmem:s5], [sflag:$0x1] =	stream.strided.gather [hbm4b:s23+s29], $0x1400, s30, s29, $0x38;
	[tilespmem:$0x1AEA0] =	vst v63  }
0x3f: {  	s12 =	sadd.s32 $0x13880, s11  }
0x40: {  	[spmem:s2] =	stream.indirect.scatter.add.f32 [tilespmem:s31], [sflag:$0x2], $0x40, s12, s8, $0xb8;
	[tilespmem:$0x1AEA0] =	vst v63  }
0x41: {  	s11 =	sadd.s32 $0x15F90, s11  }
0x42: {  	[spmem:s3] =	stream.indirect.scatter.add.f32 [tilespmem:s31], [sflag:$0x2], $0x40, s11, s8, $0xb8;
	[tilespmem:$0x1AEA0] =	vst v63  }
0x43: {  	_ =	swait.ge [sflag:s10], $0x1400  }
0x44: {  	[sflag:s10] =	ssyncset.done $0x0  }
0x45: {  	[sflag:s10] =	ssyncadd.s32 $0xFFFFEC00  }
0x46: {  	_ =	swait.ge [sflag:s10], $0x1400  }
0x47: {  	p0 =	por $0x1, $0x1;
	[sflag:s10] =	ssyncset.done $0x0  }
0x48: {  	s12 =	simm.s32 @!p0 $0x13880;
	s11 =	simm.s32 @!p0 $0x0;
	[sflag:s10] =	ssyncadd.s32 $0xFFFFEC00  }
0x49: {  	[tilespmem:s12], [sflag:$0x4] =	stream.linear.gather @!p0 [hbm4b:s14+s11], $0x2710, $0x38;
	[tilespmem:$0x1AEA0] =	vst v63  }
0x4a: {  	s12 =	simm.s32 @!p0 $0x4  }
0x4b: {  	_ =	swait.ge @!p0 [sflag:s12], $0x2710  }
0x4c: {  	p1 =	por $0x0, $0x0;
	[sflag:s12] =	ssyncset.done @!p0 $0x0  }
0x4d: {  	p6 =	por $0x0, $0x0;
	s19 =	simm.s32 @!p0 $0x15F90;
	[sflag:s12] =	ssyncadd.s32 @!p0 $0xFFFFD8F0  }
0x4e: {  	[tilespmem:s19], [sflag:$0x4] =	stream.linear.gather @!p0 [hbm4b:s15+s11], $0x2710, $0x38;
	[tilespmem:$0x1AEA0] =	vst v63  }
0x4f: {  	s28 =	sadd.s32 $0x5000, s22;
	s21 =	simm.s32 @!p1 $0x80;
	_ =	swait.ge @!p0 [sflag:s12], $0x2710  }
0x50: {  	s11 =	simm.s32 $0xFFFFFF84;
	s19 =	simm.s32 $0x1;
	[sflag:s12] =	ssyncset.done @!p0 $0x0  }
0x51: {  	[sflag:s12] =	ssyncadd.s32 @!p0 $0xFFFFD8F0;
	p0 =	por $0x0, $0x0;
	s12 =	simm.s32 @!p1 $0x186A0  }
0x52: {  	s19 =	smov.u32 @p0 s11;
	_ =	swait.ge [sflag:s4], $0x1400;
	s11 =	sshrl.u32 @!p1 s22, $0x3  }
0x53: {  	p0 =	por p6, p6;
	[sflag:s4] =	ssyncset.done $0x0;
	s11 =	sadd.s32 @!p1 s6, s11  }
0x54: {  	s20 =	smul.u32 $0x50, s19;
	s19 =	simm.s32 @!p1 $0x40;
	[sflag:s4] =	ssyncadd.s32 $0xFFFFEC00  }
0x55: {  	[tilespmem:s12], [sflag:$0x1] =	stream.strided.gather @!p1 [hbm4b:s11+s19], $0x1400, s21, s19, $0x38;
	[tilespmem:$0x1AEA0] =	vst v63  }
0x56: {  	s19 =	simm.s32 $0x3;
	s24 =	sadd.s32 $0x13880, s20;
	s11 =	simm.s32 $0x5  }
0x57: {  	[spmem:s2] =	stream.indirect.scatter.add.f32 [tilespmem:s5], [sflag:$0x2], $0x40, s24, s8, $0xb8;
	[tilespmem:$0x1AEA0] =	vst v63  }
0x58: {  	s21 =	sadd.s32 $0xA00, s23;
	s24 =	sadd.s32 $0x15F90, s20;
	s20 =	simm.s32 $0x1  }
.LBB2_2:
0x59: {  	p2 =	seq.s32 s11, $0x1;
	s13 =	simm.s32 @!p0 $0x2;
	s12 =	smov.u32 s19  }
0x5a: {  	s19 =	smov.u32 s11;
	s11 =	sadd.s32 $0x2, s11;
	s23 =	smov.u32 s28  }
0x5b: {  	[spmem:s3] =	stream.indirect.scatter.add.f32 [tilespmem:s5], [sflag:$0x2], $0x40, s24, s8, $0xb8;
	[tilespmem:$0x1AEA0] =	vst v63  }
0x5c: {  	p1 =	sne.s32 s11, $0xFB;
	_ =	swait.ge @!p0 [sflag:s13], $0x1400  }
0x5d: {  	[sflag:s13] =	ssyncset.done @!p0 $0x0  }
0x5e: {  	[sflag:s13] =	ssyncadd.s32 @!p0 $0xFFFFEC00  }
0x5f: {  	_ =	swait.ge @!p0 [sflag:s13], $0x1400  }
0x60: {  	[sflag:s13] =	ssyncset.done @!p0 $0x0  }
0x61: {  	s24 =	sadd.s32 $0xFFFFFFFF, s12;
	[sflag:s13] =	ssyncadd.s32 @!p0 $0xFFFFEC00;
	p0 =	por p2, p2  }
0x62: {  	p2 =	sgt.u32 s20, $0x3E;
	s13 =	sadd.s32 $0xFFFFFF82, s12;
	_ =	swait.ge [sflag:s4], $0x1400  }
0x63: {  	s24 =	smov.u32 @p2 s13;
	[sflag:s4] =	ssyncset.done $0x0  }
0x64: {  	s13 =	smul.u32 $0x50, s24;
	[sflag:s4] =	ssyncadd.s32 $0xFFFFEC00  }
0x65: {  	[tilespmem:s5], [sflag:$0x1] =	stream.strided.gather [hbm4b:s21+s29], $0x1400, s30, s29, $0x38;
	[tilespmem:$0x1AEA0] =	vst v63  }
0x66: {  	s24 =	sadd.s32 $0x13880, s13  }
0x67: {  	[spmem:s2] =	stream.indirect.scatter.add.f32 [tilespmem:s31], [sflag:$0x2], $0x40, s24, s8, $0xb8;
	[tilespmem:$0x1AEA0] =	vst v63  }
0x68: {  	s13 =	sadd.s32 $0x15F90, s13  }
0x69: {  	[spmem:s3] =	stream.indirect.scatter.add.f32 [tilespmem:s31], [sflag:$0x2], $0x40, s13, s8, $0xb8;
	[tilespmem:$0x1AEA0] =	vst v63  }
0x6a: {  	_ =	swait.ge [sflag:s10], $0x1400  }
0x6b: {  	[sflag:s10] =	ssyncset.done $0x0  }
0x6c: {  	[sflag:s10] =	ssyncadd.s32 $0xFFFFEC00  }
0x6d: {  	_ =	swait.ge [sflag:s10], $0x1400  }
0x6e: {  	p2 =	sne.s32 s12, $0x7D;
	[sflag:s10] =	ssyncset.done $0x0  }
0x6f: {  	s24 =	simm.s32 @!p2 $0x13880;
	s13 =	simm.s32 @!p2 $0x0;
	[sflag:s10] =	ssyncadd.s32 $0xFFFFEC00  }
0x70: {  	[tilespmem:s24], [sflag:$0x4] =	stream.linear.gather @!p2 [hbm4b:s14+s13], $0x2710, $0x38;
	[tilespmem:$0x1AEA0] =	vst v63  }
0x71: {  	s24 =	simm.s32 @!p2 $0x4  }
0x72: {  	_ =	swait.ge @!p2 [sflag:s24], $0x2710  }
0x73: {  	s16 =	simm.s32 @!p2 $0x15F90;
	[sflag:s24] =	ssyncset.done @!p2 $0x0  }
0x74: {  	[sflag:s24] =	ssyncadd.s32 @!p2 $0xFFFFD8F0  }
0x75: {  	[tilespmem:s16], [sflag:$0x4] =	stream.linear.gather @!p2 [hbm4b:s15+s13], $0x2710, $0x38;
	[tilespmem:$0x1AEA0] =	vst v63  }
0x76: {  	s28 =	sadd.s32 $0x5000, s28;
	s21 =	sadd.s32 $0xA00, s21;
	_ =	swait.ge @!p2 [sflag:s24], $0x2710  }
0x77: {  	p3 =	sgt.u32 s12, $0xF8;
	s13 =	sadd.s32 $0xFFFFFF83, s12;
	[sflag:s24] =	ssyncset.done @!p2 $0x0  }
0x78: {  	[sflag:s24] =	ssyncadd.s32 @!p2 $0xFFFFD8F0;
	p2 =	sgt.u32 s20, $0x3D  }
0x79: {  	s16 =	simm.s32 @!p3 $0x186A0;
	s12 =	smov.u32 @p2 s13  }
0x7a: {  	_ =	swait.ge [sflag:s4], $0x1400;
	s13 =	sshrl.u32 @!p3 s23, $0x3;
	s12 =	smul.u32 $0x50, s12  }
.Ltmp0:
0x7b: {  	[sflag:s4] =	ssyncset.done $0x0;
	s13 =	sadd.s32 @!p3 s6, s13;
	(pc) =	sbr.rel @p1 .LBB2_2-.Ltmp0, $4  }
0x7c: {  	s24 =	simm.s32 @!p3 $0x80;
	s23 =	simm.s32 @!p3 $0x40;
	[sflag:s4] =	ssyncadd.s32 $0xFFFFEC00  }
0x7d: {  	[tilespmem:s16], [sflag:$0x1] =	stream.strided.gather @!p3 [hbm4b:s13+s23], $0x1400, s24, s23, $0x38;
	[tilespmem:$0x1AEA0] =	vst v63  }
0x7e: {  	s20 =	sadd.s32 $0x1, s20;
	s13 =	sadd.s32 $0x13880, s12;
	s24 =	sadd.s32 $0x15F90, s12  }
0x7f: {  	[spmem:s2] =	stream.indirect.scatter.add.f32 [tilespmem:s5], [sflag:$0x2], $0x40, s13, s8, $0xb8;
	[tilespmem:$0x1AEA0] =	vst v63  }
0x80: {  	s11 =	simm.s32 @!p0 $0x2  }
0x81: {  	[spmem:s3] =	stream.indirect.scatter.add.f32 [tilespmem:s5], [sflag:$0x2], $0x40, s24, s8, $0xb8;
	[tilespmem:$0x1AEA0] =	vst v63  }
0x82: {  	_ =	swait.ge @!p0 [sflag:s11], $0x1400  }
0x83: {  	[sflag:s11] =	ssyncset.done @!p0 $0x0  }
0x84: {  	[sflag:s11] =	ssyncadd.s32 @!p0 $0xFFFFEC00  }
0x85: {  	_ =	swait.ge @!p0 [sflag:s11], $0x1400  }
0x86: {  	[sflag:s11] =	ssyncset.done @!p0 $0x0  }
0x87: {  	s12 =	sadd.s32 $0xFFFFFFFF, s19;
	[sflag:s11] =	ssyncadd.s32 @!p0 $0xFFFFEC00  }
0x88: {  	p0 =	sgt.u32 s20, $0x3E;
	s11 =	sadd.s32 $0xFFFFFF82, s19;
	_ =	swait.ge [sflag:s4], $0x1400  }
0x89: {  	s12 =	smov.u32 @p0 s11;
	[sflag:s4] =	ssyncset.done $0x0  }
0x8a: {  	s11 =	smul.u32 $0x50, s12;
	[sflag:s4] =	ssyncadd.s32 $0xFFFFEC00  }
0x8b: {  	[tilespmem:s5], [sflag:$0x1] =	stream.strided.gather [hbm4b:s21+s29], $0x1400, s30, s29, $0x38;
	[tilespmem:$0x1AEA0] =	vst v63  }
0x8c: {  	s12 =	sadd.s32 $0x13880, s11  }
0x8d: {  	[spmem:s2] =	stream.indirect.scatter.add.f32 [tilespmem:s31], [sflag:$0x2], $0x40, s12, s8, $0xb8;
	[tilespmem:$0x1AEA0] =	vst v63  }
0x8e: {  	s11 =	sadd.s32 $0x15F90, s11  }
0x8f: {  	[spmem:s3] =	stream.indirect.scatter.add.f32 [tilespmem:s31], [sflag:$0x2], $0x40, s11, s8, $0xb8;
	[tilespmem:$0x1AEA0] =	vst v63  }
0x90: {  	_ =	swait.ge [sflag:s10], $0x1400  }
0x91: {  	[sflag:s10] =	ssyncset.done $0x0  }
0x92: {  	[sflag:s10] =	ssyncadd.s32 $0xFFFFEC00  }
0x93: {  	_ =	swait.ge [sflag:s10], $0x1400  }
0x94: {  	p0 =	sne.s32 s19, $0x7D;
	[sflag:s10] =	ssyncset.done $0x0  }
0x95: {  	s12 =	simm.s32 @!p0 $0x13880;
	s11 =	simm.s32 @!p0 $0x0;
	[sflag:s10] =	ssyncadd.s32 $0xFFFFEC00  }
0x96: {  	[tilespmem:s12], [sflag:$0x4] =	stream.linear.gather @!p0 [hbm4b:s14+s11], $0x2710, $0x38;
	[tilespmem:$0x1AEA0] =	vst v63  }
0x97: {  	s12 =	simm.s32 @!p0 $0x4  }
0x98: {  	_ =	swait.ge @!p0 [sflag:s12], $0x2710  }
0x99: {  	[sflag:s12] =	ssyncset.done @!p0 $0x0  }
0x9a: {  	s13 =	simm.s32 @!p0 $0x15F90;
	[sflag:s12] =	ssyncadd.s32 @!p0 $0xFFFFD8F0  }
0x9b: {  	[tilespmem:s13], [sflag:$0x4] =	stream.linear.gather @!p0 [hbm4b:s15+s11], $0x2710, $0x38;
	[tilespmem:$0x1AEA0] =	vst v63  }
0x9c: {  	p1 =	sgt.u32 s19, $0xF8;
	_ =	swait.ge @!p0 [sflag:s12], $0x2710  }
0x9d: {  	s16 =	simm.s32 @!p1 $0x40;
	[sflag:s12] =	ssyncset.done @!p0 $0x0  }
0x9e: {  	s11 =	sadd.s32 $0xFFFFFF83, s19;
	[sflag:s12] =	ssyncadd.s32 @!p0 $0xFFFFD8F0;
	p0 =	sgt.u32 s20, $0x3D  }
0x9f: {  	s19 =	smov.u32 @p0 s11;
	_ =	swait.ge [sflag:s4], $0x1400;
	s11 =	sshrl.u32 @!p1 s28, $0x3  }
0xa0: {  	s12 =	simm.s32 @!p1 $0x186A0;
	[sflag:s4] =	ssyncset.done $0x0;
	s11 =	sadd.s32 @!p1 s6, s11  }
0xa1: {  	s24 =	smul.u32 $0x50, s19;
	s19 =	simm.s32 @!p1 $0x80;
	[sflag:s4] =	ssyncadd.s32 $0xFFFFEC00  }
0xa2: {  	[tilespmem:s12], [sflag:$0x1] =	stream.strided.gather @!p1 [hbm4b:s11+s16], $0x1400, s19, s16, $0x38;
	[tilespmem:$0x1AEA0] =	vst v63  }
0xa3: {  	s12 =	sadd.s32 $0x13880, s24  }
0xa4: {  	[spmem:s2] =	stream.indirect.scatter.add.f32 [tilespmem:s5], [sflag:$0x2], $0x40, s12, s8, $0xb8;
	[tilespmem:$0x1AEA0] =	vst v63  }
0xa5: {  	s13 =	sadd.s32 $0x15F90, s24  }
0xa6: {  	[spmem:s3] =	stream.indirect.scatter.add.f32 [tilespmem:s5], [sflag:$0x2], $0x40, s13, s8, $0xb8;
	[tilespmem:$0x1AEA0] =	vst v63  }
0xa7: {  	_ =	swait.ge [sflag:s10], $0x1400  }
0xa8: {  	[sflag:s10] =	ssyncset.done $0x0  }
0xa9: {  	[sflag:s10] =	ssyncadd.s32 $0xFFFFEC00  }
0xaa: {  	_ =	swait.ge [sflag:s10], $0x1400  }
0xab: {  	[sflag:s10] =	ssyncset.done $0x0  }
0xac: {  	[sflag:s10] =	ssyncadd.s32 $0xFFFFEC00  }
0xad: {  	s20 =	simm.s32 $0x8;
	[bflag:$0x0] =	sbarrier.arrive $0xFFFF  }
0xae: {  	s11 =	simm.s32 $0x1;
	s19 =	simm.s32 $0x10;
	s16 =	rddreg [dreg:$0xd]  }
0xaf: {  	[hbm:s16@s19], [sflag:s9] =	dma.strided [spmem:s18@s20], $0x1388, s11, $0x8   }
0xb0: {  	s12 =	rddreg [dreg:$0xe]  }
0xb1: {  	[hbm:s12@s19], [sflag:s9] =	dma.strided [spmem:s25@s20], $0x1388, s11, $0x8   }
0xb2: {  	_ =	swait.ge [sflag:s0], $0x1388  }
0xb3: {  	[sflag:s0] =	ssyncset.done $0x0  }
0xb4: {  	[sflag:s0] =	ssyncadd.s32 $0xFFFFEC78  }
0xb5: {  	_ =	swait.ge [sflag:s0], $0x1388  }
0xb6: {  	[sflag:s0] =	ssyncset.done $0x0  }
0xb7: {  	[sflag:s0] =	ssyncadd.s32 $0xFFFFEC78  }
0xb8: {  	[spmem:s18], [sflag:s9] =	dma.local [hbm:s7], $0x1388  }
0xb9: {  	[spmem:s25], [sflag:s9] =	dma.local [hbm:s7], $0x1388  }
0xba: {  	s21 =	simm.s32 $0x0;
	s24 =	simm.s32 $0x13880;
	s23 =	rddreg [dreg:$0xa]  }
0xbb: {  	[tilespmem:s24], [sflag:$0x4] =	stream.linear.gather [hbm4b:s23+s21], $0x2710, $0x38;
	[tilespmem:$0x1AEA0] =	vst v63  }
0xbc: {  	_ =	swait.ge [sflag:s26], $0x2710  }
0xbd: {  	[sflag:s26] =	ssyncset.done $0x0  }
0xbe: {  	s19 =	simm.s32 $0x15F90;
	s16 =	rddreg [dreg:$0xb];
	[sflag:s26] =	ssyncadd.s32 $0xFFFFD8F0  }
0xbf: {  	[tilespmem:s19], [sflag:$0x4] =	stream.linear.gather [hbm4b:s16+s21], $0x2710, $0x38;
	[tilespmem:$0x1AEA0] =	vst v63  }
0xc0: {  	_ =	swait.ge [sflag:s26], $0x2710  }
0xc1: {  	[sflag:s26] =	ssyncset.done $0x0  }
0xc2: {  	s20 =	rddreg [dreg:$0xf];
	[sflag:s26] =	ssyncadd.s32 $0xFFFFD8F0  }
0xc3: {  	[tilespmem:s31], [sflag:$0x1] =	stream.strided.gather [hbm4b:s20+s29], $0x1400, s30, s29, $0x38;
	[tilespmem:$0x1AEA0] =	vst v63  }
0xc4: {  	_ =	swait.ge [sflag:s0], $0x1388  }
0xc5: {  	[sflag:s0] =	ssyncset.done $0x0  }
0xc6: {  	[sflag:s0] =	ssyncadd.s32 $0xFFFFEC78  }
0xc7: {  	_ =	swait.ge [sflag:s0], $0x1388  }
0xc8: {  	p5 =	por $0x1, $0x1;
	[sflag:s0] =	ssyncset.done $0x0  }
0xc9: {  	p0 =	por p5, p5;
	[sflag:s0] =	ssyncadd.s32 $0xFFFFEC78  }
0xca: {  	s12 =	simm.s32 @!p0 $0x2;
	[bflag:$0x0] =	sbarrier.arrive $0xFFFF  }
0xcb: {  	_ =	swait.ge @!p0 [sflag:s12], $0x1400  }
0xcc: {  	[sflag:s12] =	ssyncset.done @!p0 $0x0  }
0xcd: {  	[sflag:s12] =	ssyncadd.s32 @!p0 $0xFFFFEC00  }
0xce: {  	_ =	swait.ge @!p0 [sflag:s12], $0x1400  }
0xcf: {  	[sflag:s12] =	ssyncset.done @!p0 $0x0  }
0xd0: {  	s13 =	simm.s32 $0x0;
	[sflag:s12] =	ssyncadd.s32 @!p0 $0xFFFFEC00  }
0xd1: {  	p0 =	por $0x0, $0x0;
	s12 =	simm.s32 $0xFFFFFF83;
	_ =	swait.ge [sflag:s4], $0x1400  }
0xd2: {  	s13 =	smov.u32 @p0 s12;
	[sflag:s4] =	ssyncset.done $0x0  }
0xd3: {  	s12 =	smul.u32 $0x50, s13;
	s21 =	rddreg [dreg:$0x14];
	[sflag:s4] =	ssyncadd.s32 $0xFFFFEC00  }
0xd4: {  	[tilespmem:s5], [sflag:$0x1] =	stream.strided.gather [hbm4b:s21+s29], $0x1400, s30, s29, $0x38;
	[tilespmem:$0x1AEA0] =	vst v63  }
0xd5: {  	s13 =	sadd.s32 $0x13880, s12  }
0xd6: {  	[spmem:s2] =	stream.indirect.scatter.add.f32 [tilespmem:s31], [sflag:$0x2], $0x40, s13, s8, $0xb8;
	[tilespmem:$0x1AEA0] =	vst v63  }
0xd7: {  	s12 =	sadd.s32 $0x15F90, s12  }
0xd8: {  	[spmem:s3] =	stream.indirect.scatter.add.f32 [tilespmem:s31], [sflag:$0x2], $0x40, s12, s8, $0xb8;
	[tilespmem:$0x1AEA0] =	vst v63  }
0xd9: {  	_ =	swait.ge [sflag:s10], $0x1400  }
0xda: {  	[sflag:s10] =	ssyncset.done $0x0  }
0xdb: {  	[sflag:s10] =	ssyncadd.s32 $0xFFFFEC00  }
0xdc: {  	_ =	swait.ge [sflag:s10], $0x1400  }
0xdd: {  	p0 =	por $0x1, $0x1;
	[sflag:s10] =	ssyncset.done $0x0  }
0xde: {  	s13 =	simm.s32 @!p0 $0x13880;
	s12 =	simm.s32 @!p0 $0x0;
	[sflag:s10] =	ssyncadd.s32 $0xFFFFEC00  }
0xdf: {  	[tilespmem:s13], [sflag:$0x4] =	stream.linear.gather @!p0 [hbm4b:s14+s12], $0x2710, $0x38;
	[tilespmem:$0x1AEA0] =	vst v63  }
0xe0: {  	s13 =	simm.s32 @!p0 $0x4  }
0xe1: {  	_ =	swait.ge @!p0 [sflag:s13], $0x2710  }
0xe2: {  	[sflag:s13] =	ssyncset.done @!p0 $0x0  }
0xe3: {  	p6 =	por $0x0, $0x0;
	s16 =	simm.s32 @!p0 $0x15F90;
	[sflag:s13] =	ssyncadd.s32 @!p0 $0xFFFFD8F0  }
0xe4: {  	[tilespmem:s16], [sflag:$0x4] =	stream.linear.gather @!p0 [hbm4b:s15+s12], $0x2710, $0x38;
	[tilespmem:$0x1AEA0] =	vst v63  }
0xe5: {  	s28 =	sadd.s32 $0x5000, s22;
	p1 =	por $0x0, $0x0;
	_ =	swait.ge @!p0 [sflag:s13], $0x2710  }
0xe6: {  	s19 =	simm.s32 @!p1 $0x80;
	s20 =	simm.s32 $0x1;
	[sflag:s13] =	ssyncset.done @!p0 $0x0  }
0xe7: {  	s12 =	simm.s32 $0xFFFFFF84;
	[sflag:s13] =	ssyncadd.s32 @!p0 $0xFFFFD8F0;
	p0 =	por $0x0, $0x0  }
0xe8: {  	s11 =	smov.u32 @p0 s12;
	_ =	swait.ge [sflag:s4], $0x1400;
	s12 =	sshrl.u32 @!p1 s22, $0x3  }
0xe9: {  	s13 =	simm.s32 @!p1 $0x186A0;
	[sflag:s4] =	ssyncset.done $0x0;
	s12 =	sadd.s32 @!p1 s1, s12  }
0xea: {  	s23 =	smul.u32 $0x50, s11;
	s11 =	simm.s32 @!p1 $0x40;
	[sflag:s4] =	ssyncadd.s32 $0xFFFFEC00  }
0xeb: {  	[tilespmem:s13], [sflag:$0x1] =	stream.strided.gather @!p1 [hbm4b:s12+s11], $0x1400, s19, s11, $0x38;
	[tilespmem:$0x1AEA0] =	vst v63  }
0xec: {  	s21 =	sadd.s32 $0xA00, s21;
	p0 =	por p6, p6;
	s24 =	sadd.s32 $0x13880, s23  }
0xed: {  	[spmem:s2] =	stream.indirect.scatter.add.f32 [tilespmem:s5], [sflag:$0x2], $0x40, s24, s8, $0xb8;
	[tilespmem:$0x1AEA0] =	vst v63  }
0xee: {  	s19 =	simm.s32 $0x3;
	s11 =	simm.s32 $0x5;
	s24 =	sadd.s32 $0x15F90, s23  }
.LBB2_4:
0xef: {  	p2 =	seq.s32 s11, $0x1;
	s13 =	simm.s32 @!p0 $0x2;
	s12 =	smov.u32 s19  }
0xf0: {  	s19 =	smov.u32 s11;
	s11 =	sadd.s32 $0x2, s11;
	s23 =	smov.u32 s28  }
0xf1: {  	[spmem:s3] =	stream.indirect.scatter.add.f32 [tilespmem:s5], [sflag:$0x2], $0x40, s24, s8, $0xb8;
	[tilespmem:$0x1AEA0] =	vst v63  }
0xf2: {  	p1 =	sne.s32 s11, $0xFB;
	_ =	swait.ge @!p0 [sflag:s13], $0x1400  }
0xf3: {  	[sflag:s13] =	ssyncset.done @!p0 $0x0  }
0xf4: {  	[sflag:s13] =	ssyncadd.s32 @!p0 $0xFFFFEC00  }
0xf5: {  	_ =	swait.ge @!p0 [sflag:s13], $0x1400  }
0xf6: {  	[sflag:s13] =	ssyncset.done @!p0 $0x0  }
0xf7: {  	s16 =	sadd.s32 $0xFFFFFFFF, s12;
	[sflag:s13] =	ssyncadd.s32 @!p0 $0xFFFFEC00;
	p0 =	por p2, p2  }
0xf8: {  	p2 =	sgt.u32 s20, $0x3E;
	s13 =	sadd.s32 $0xFFFFFF82, s12;
	_ =	swait.ge [sflag:s4], $0x1400  }
0xf9: {  	s16 =	smov.u32 @p2 s13;
	[sflag:s4] =	ssyncset.done $0x0  }
0xfa: {  	s13 =	smul.u32 $0x50, s16;
	[sflag:s4] =	ssyncadd.s32 $0xFFFFEC00  }
0xfb: {  	[tilespmem:s5], [sflag:$0x1] =	stream.strided.gather [hbm4b:s21+s29], $0x1400, s30, s29, $0x38;
	[tilespmem:$0x1AEA0] =	vst v63  }
0xfc: {  	s16 =	sadd.s32 $0x13880, s13  }
0xfd: {  	[spmem:s2] =	stream.indirect.scatter.add.f32 [tilespmem:s31], [sflag:$0x2], $0x40, s16, s8, $0xb8;
	[tilespmem:$0x1AEA0] =	vst v63  }
0xfe: {  	s13 =	sadd.s32 $0x15F90, s13  }
0xff: {  	[spmem:s3] =	stream.indirect.scatter.add.f32 [tilespmem:s31], [sflag:$0x2], $0x40, s13, s8, $0xb8;
	[tilespmem:$0x1AEA0] =	vst v63  }
0x100: {  	_ =	swait.ge [sflag:s10], $0x1400  }
0x101: {  	[sflag:s10] =	ssyncset.done $0x0  }
0x102: {  	[sflag:s10] =	ssyncadd.s32 $0xFFFFEC00  }
0x103: {  	_ =	swait.ge [sflag:s10], $0x1400  }
0x104: {  	p2 =	sne.s32 s12, $0x7D;
	[sflag:s10] =	ssyncset.done $0x0  }
0x105: {  	s16 =	simm.s32 @!p2 $0x13880;
	s13 =	simm.s32 @!p2 $0x0;
	[sflag:s10] =	ssyncadd.s32 $0xFFFFEC00  }
0x106: {  	[tilespmem:s16], [sflag:$0x4] =	stream.linear.gather @!p2 [hbm4b:s14+s13], $0x2710, $0x38;
	[tilespmem:$0x1AEA0] =	vst v63  }
0x107: {  	s16 =	simm.s32 @!p2 $0x4  }
0x108: {  	_ =	swait.ge @!p2 [sflag:s16], $0x2710  }
0x109: {  	s24 =	simm.s32 @!p2 $0x15F90;
	[sflag:s16] =	ssyncset.done @!p2 $0x0  }
0x10a: {  	[sflag:s16] =	ssyncadd.s32 @!p2 $0xFFFFD8F0  }
0x10b: {  	[tilespmem:s24], [sflag:$0x4] =	stream.linear.gather @!p2 [hbm4b:s15+s13], $0x2710, $0x38;
	[tilespmem:$0x1AEA0] =	vst v63  }
0x10c: {  	s28 =	sadd.s32 $0x5000, s28;
	s21 =	sadd.s32 $0xA00, s21;
	_ =	swait.ge @!p2 [sflag:s16], $0x2710  }
0x10d: {  	p3 =	sgt.u32 s12, $0xF8;
	s13 =	sadd.s32 $0xFFFFFF83, s12;
	[sflag:s16] =	ssyncset.done @!p2 $0x0  }
0x10e: {  	[sflag:s16] =	ssyncadd.s32 @!p2 $0xFFFFD8F0;
	p2 =	sgt.u32 s20, $0x3D  }
0x10f: {  	s16 =	simm.s32 @!p3 $0x186A0;
	s12 =	smov.u32 @p2 s13  }
0x110: {  	_ =	swait.ge [sflag:s4], $0x1400;
	s13 =	sshrl.u32 @!p3 s23, $0x3;
	s12 =	smul.u32 $0x50, s12  }
.Ltmp1:
0x111: {  	[sflag:s4] =	ssyncset.done $0x0;
	s13 =	sadd.s32 @!p3 s1, s13;
	(pc) =	sbr.rel @p1 .LBB2_4-.Ltmp1, $4  }
0x112: {  	s24 =	simm.s32 @!p3 $0x80;
	s23 =	simm.s32 @!p3 $0x40;
	[sflag:s4] =	ssyncadd.s32 $0xFFFFEC00  }
0x113: {  	[tilespmem:s16], [sflag:$0x1] =	stream.strided.gather @!p3 [hbm4b:s13+s23], $0x1400, s24, s23, $0x38;
	[tilespmem:$0x1AEA0] =	vst v63  }
0x114: {  	s20 =	sadd.s32 $0x1, s20;
	s13 =	sadd.s32 $0x13880, s12;
	s24 =	sadd.s32 $0x15F90, s12  }
0x115: {  	[spmem:s2] =	stream.indirect.scatter.add.f32 [tilespmem:s5], [sflag:$0x2], $0x40, s13, s8, $0xb8;
	[tilespmem:$0x1AEA0] =	vst v63  }
0x116: {  	s11 =	simm.s32 @!p0 $0x2  }
0x117: {  	[spmem:s3] =	stream.indirect.scatter.add.f32 [tilespmem:s5], [sflag:$0x2], $0x40, s24, s8, $0xb8;
	[tilespmem:$0x1AEA0] =	vst v63  }
0x118: {  	_ =	swait.ge @!p0 [sflag:s11], $0x1400  }
0x119: {  	[sflag:s11] =	ssyncset.done @!p0 $0x0  }
0x11a: {  	[sflag:s11] =	ssyncadd.s32 @!p0 $0xFFFFEC00  }
0x11b: {  	_ =	swait.ge @!p0 [sflag:s11], $0x1400  }
0x11c: {  	[sflag:s11] =	ssyncset.done @!p0 $0x0  }
0x11d: {  	s12 =	sadd.s32 $0xFFFFFFFF, s19;
	[sflag:s11] =	ssyncadd.s32 @!p0 $0xFFFFEC00  }
0x11e: {  	p0 =	sgt.u32 s20, $0x3E;
	s11 =	sadd.s32 $0xFFFFFF82, s19;
	_ =	swait.ge [sflag:s4], $0x1400  }
0x11f: {  	s12 =	smov.u32 @p0 s11;
	[sflag:s4] =	ssyncset.done $0x0  }
0x120: {  	s11 =	smul.u32 $0x50, s12;
	[sflag:s4] =	ssyncadd.s32 $0xFFFFEC00  }
0x121: {  	[tilespmem:s5], [sflag:$0x1] =	stream.strided.gather [hbm4b:s21+s29], $0x1400, s30, s29, $0x38;
	[tilespmem:$0x1AEA0] =	vst v63  }
0x122: {  	s12 =	sadd.s32 $0x13880, s11  }
0x123: {  	[spmem:s2] =	stream.indirect.scatter.add.f32 [tilespmem:s31], [sflag:$0x2], $0x40, s12, s8, $0xb8;
	[tilespmem:$0x1AEA0] =	vst v63  }
0x124: {  	s11 =	sadd.s32 $0x15F90, s11  }
0x125: {  	[spmem:s3] =	stream.indirect.scatter.add.f32 [tilespmem:s31], [sflag:$0x2], $0x40, s11, s8, $0xb8;
	[tilespmem:$0x1AEA0] =	vst v63  }
0x126: {  	_ =	swait.ge [sflag:s10], $0x1400  }
0x127: {  	[sflag:s10] =	ssyncset.done $0x0  }
0x128: {  	[sflag:s10] =	ssyncadd.s32 $0xFFFFEC00  }
0x129: {  	_ =	swait.ge [sflag:s10], $0x1400  }
0x12a: {  	p0 =	sne.s32 s19, $0x7D;
	[sflag:s10] =	ssyncset.done $0x0  }
0x12b: {  	s12 =	simm.s32 @!p0 $0x13880;
	s11 =	simm.s32 @!p0 $0x0;
	[sflag:s10] =	ssyncadd.s32 $0xFFFFEC00  }
0x12c: {  	[tilespmem:s12], [sflag:$0x4] =	stream.linear.gather @!p0 [hbm4b:s14+s11], $0x2710, $0x38;
	[tilespmem:$0x1AEA0] =	vst v63  }
0x12d: {  	s12 =	simm.s32 @!p0 $0x4  }
0x12e: {  	_ =	swait.ge @!p0 [sflag:s12], $0x2710  }
0x12f: {  	[sflag:s12] =	ssyncset.done @!p0 $0x0  }
0x130: {  	s13 =	simm.s32 @!p0 $0x15F90;
	[sflag:s12] =	ssyncadd.s32 @!p0 $0xFFFFD8F0  }
0x131: {  	[tilespmem:s13], [sflag:$0x4] =	stream.linear.gather @!p0 [hbm4b:s15+s11], $0x2710, $0x38;
	[tilespmem:$0x1AEA0] =	vst v63  }
0x132: {  	p1 =	sgt.u32 s19, $0xF8;
	_ =	swait.ge @!p0 [sflag:s12], $0x2710  }
0x133: {  	s16 =	simm.s32 @!p1 $0x40;
	[sflag:s12] =	ssyncset.done @!p0 $0x0  }
0x134: {  	s11 =	sadd.s32 $0xFFFFFF83, s19;
	[sflag:s12] =	ssyncadd.s32 @!p0 $0xFFFFD8F0;
	p0 =	sgt.u32 s20, $0x3D  }
0x135: {  	s19 =	smov.u32 @p0 s11;
	_ =	swait.ge [sflag:s4], $0x1400;
	s11 =	sshrl.u32 @!p1 s28, $0x3  }
0x136: {  	s12 =	simm.s32 @!p1 $0x186A0;
	[sflag:s4] =	ssyncset.done $0x0;
	s11 =	sadd.s32 @!p1 s1, s11  }
0x137: {  	s28 =	smul.u32 $0x50, s19;
	s19 =	simm.s32 @!p1 $0x80;
	[sflag:s4] =	ssyncadd.s32 $0xFFFFEC00  }
0x138: {  	[tilespmem:s12], [sflag:$0x1] =	stream.strided.gather @!p1 [hbm4b:s11+s16], $0x1400, s19, s16, $0x38;
	[tilespmem:$0x1AEA0] =	vst v63  }
0x139: {  	s19 =	sadd.s32 $0x13880, s28  }
0x13a: {  	[spmem:s2] =	stream.indirect.scatter.add.f32 [tilespmem:s5], [sflag:$0x2], $0x40, s19, s8, $0xb8;
	[tilespmem:$0x1AEA0] =	vst v63  }
0x13b: {  	s20 =	sadd.s32 $0x15F90, s28  }
0x13c: {  	[spmem:s3] =	stream.indirect.scatter.add.f32 [tilespmem:s5], [sflag:$0x2], $0x40, s20, s8, $0xb8;
	[tilespmem:$0x1AEA0] =	vst v63  }
0x13d: {  	_ =	swait.ge [sflag:s10], $0x1400  }
0x13e: {  	[sflag:s10] =	ssyncset.done $0x0  }
0x13f: {  	[sflag:s10] =	ssyncadd.s32 $0xFFFFEC00  }
0x140: {  	_ =	swait.ge [sflag:s10], $0x1400  }
0x141: {  	[sflag:s10] =	ssyncset.done $0x0  }
0x142: {  	[sflag:s10] =	ssyncadd.s32 $0xFFFFEC00  }
0x143: {  	[bflag:$0x0] =	sbarrier.arrive $0xFFFF  }
0x144: {  	s23 =	simm.s32 $0x10;
	s24 =	simm.s32 $0x8;
	s21 =	rddreg [dreg:$0x10]  }
0x145: {  	[hbm:s21@s23], [sflag:s9] =	dma.strided [spmem:s18@s24], $0x1388, s4, $0x8   }
0x146: {  	s11 =	rddreg [dreg:$0x11]  }
0x147: {  	[hbm:s11@s23], [sflag:s9] =	dma.strided [spmem:s25@s24], $0x1388, s4, $0x8   }
0x148: {  	_ =	swait.ge [sflag:s0], $0x1388  }
0x149: {  	[sflag:s0] =	ssyncset.done $0x0  }
0x14a: {  	[sflag:s0] =	ssyncadd.s32 $0xFFFFEC78  }
0x14b: {  	_ =	swait.ge [sflag:s0], $0x1388  }
0x14c: {  	s17 =	sadd.s32 $0x1, s17;
	s28 =	rddreg [dreg:$0x12]  }
0x14d: {  	p0 =	sne.s32 s17, s28  }
.Ltmp2:
0x14e: {  	_ = 	snop;
	(pc) =	sbr.rel @p0 .LBB2_1-.Ltmp2, $3  }
0x14f: {  	_ =	sdelay $0x1  }
0x150: {  	[sflag:s0] =	ssyncset.done $0x0  }
0x151: {  	[sflag:s0] =	ssyncadd.s32 $0xFFFFEC78  }
0x152: {  	_ =	sfence.sel $0x180000  }
0x153: {  	[bflag:$0x0] =	sbarrier.arrive $0xFFFF  }
0x154: {  	_ =	strace $0x9000004D  }
0x155: {  	s0 =	stileid.u32;
	[bflag:$0x2] =	sbarrier.arrive $0xFFFF  }
0x156: {  	p0 =	sne.s32 s0, $0x0;
	s0 =	rddreg [dreg:$0x7]  }
0x157: {  	s0 =	sadd.s32 @!p0 $0x100000, s0  }
0x158: {  	[sflag:s0] =	ssyncadd.tile.s32 @!p0 $0x1;
	_ =	shalt  }
.Lfunc_end2:
_tile_overlayer_lowered:
.L_overlay_start_2:
0x159: {  	(tag) =	ssettag $0x2  }
0x15a: {  	s0 =	rddreg [dreg:$0x0];
	s2 =	stileid.u32  }
0x15b: {  	s1 =	rddreg [dreg:$0x1];
	p0 =	sne.s32 s2, $0x0  }
0x15c: {  	s3 =	rddreg [dreg:$0x2];
	[bflag:$0x3] =	sbarrier.arrive $0xFFFF;
	s2 =	simm.s32 @!p0 $0x1C04  }
0x15d: {  	[timem:s3], [sflag:s2] =	dma.local @!p0 [hbm:s0], s1  }
0x15e: {  	s0 =	simm.s32 @!p0 $0x4  }
0x15f: {  	_ =	swait.ge @!p0 [sflag:s0], s1  }
0x160: {  	s1 =	ssub.s32 @!p0 $0x0, s1;
	[sflag:s0] =	ssyncset.done @!p0 $0x0  }
0x161: {  	[sflag:s0] =	ssyncadd.s32 @!p0 s1  }
0x162: {  	[bflag:$0x3] =	sbarrier.arrive $0xFFFF  }
0x163: {  	_ =	shalt  }

// kernel: kernel.8.cloned.1.call-start
scs
__scs_entry_jumppad:
0x0: {  	(pc) =	sbr.rel $0x88, $3  }
0x1: {  	(tag) =	ssettag $0x0;
	lr =	simm.s32 $0x1  }
0x2: {  	[smem:$0x3F88] =	sst lr;
	_ =	strace $0xD0000000  }
0x3: {  	_ = 	snop  }
0x4: {  	_ = 	snop  }
0x5: {  	_ = 	snop  }
0x6: {  	_ = 	snop  }
0x7: {  	_ = 	snop  }
__scs_overlays_trampoline_lowered:
0x8: {  	[smem:$0x3F97] =	sst s0  }
0x9: {  	[smem:$0x3F98] =	sst s1  }
0xa: {  	[smem:$0x3F99] =	sst s2  }
0xb: {  	[smem:$0x3F9A] =	sst s3  }
0xc: {  	[smem:$0x3F9B] =	sst s4  }
0xd: {  	[smem:$0x3F9C] =	sst s5  }
0xe: {  	[smem:$0x3F9D] =	sst s6  }
0xf: {  	[smem:$0x3F9E] =	sst s7  }
0x10: {  	[smem:$0x3F9F] =	sst s8  }
0x11: {  	[smem:$0x3FA0] =	sst s9;
	s0 =	simm.s32 @!p0 $0x0  }
0x12: {  	s1 =	sld [smem:$0x3F86];
	s0 =	simm.s32 @p0 $0x1  }
0x13: {  	[smem:$0x3FA1] =	sst s0;
	s0 =	simm.s32 @!p1 $0x0  }
0x14: {  	s2 =	sld [smem:$0x3F85];
	s0 =	simm.s32 @p1 $0x1  }
0x15: {  	[smem:$0x3FA2] =	sst s0;
	s0 =	simm.s32 @!p2 $0x0  }
0x16: {  	s3 =	sld [smem:$0x3FDB];
	s0 =	simm.s32 @p2 $0x1  }
0x17: {  	s4 =	simm.s32 $0x1BF5;
	[smem:$0x3FA4] =	sst s0  }
0x18: {  	s0 =	sld [smem:$0x3F87];
	_ =	swait.ge [sflag:s4], $0x0  }
0x19: {  	s7 =	sld [smem:$0x3F88]  }
0x1a: {  	s8 =	sadd.s32 $0xFFFFE003, lr  }
0x1b: {  	s9 =	sadd.s32 $0xFFFFFEF7, lr;
	s5 =	simm.s32 $0xFFFFFFFF;
	p2 =	slt.u32 s8, $0xFFFFF086  }
0x1c: {  	p1 =	slt.u32 s9, $0xF7A;
	s5 =	simm.s32 @!p2 $0x0  }
0x1d: {  	s5 =	simm.s32 @p1 $0x1;
	p0 =	seq.s32 s7, s2  }
0x1e: {  	s7 =	smul.u32 @!p0 $0xF7A, s2;
	p2 =	seq.s32 @!p0 s5, $0x0  }
0x1f: {  	s9 =	smul.u32 $0xF7A, s1;
	s8 =	simm.s32 @!p0 $0x1BF5;
	p2 =	por !p2, p0  }
0x20: {  	[sflag:s8] =	ssyncset.s32 @!p0 $0xFFFFF086;
	s6 =	sadd.s32 @!p0 s3, s7;
	s7 =	simm.s32 @!p0 $0x108  }
0x21: {  	s3 =	sadd.s32 s3, s9;
	s6 =	sadd.s32 @!p0 $0x88, s6;
	s7 =	simm.s32 @p2 $0x1082  }
0x22: {  	[simem:s7], [sflag:s8] =	dma.local @!p0 [hbm:s6], $0xF7A  }
0x23: {  	s9 =	sor.u32 $0xD0000000, s2;
	s6 =	simm.s32 $0x108;
	_ =	swait.ge @!p0 [sflag:s8], $0x0  }
0x24: {  	s3 =	sadd.s32 $0x88, s3;
	s6 =	simm.s32 @!p1 $0x1082;
	[sflag:s4] =	ssyncset.s32 $0xFFFFF086  }
0x25: {  	[simem:s6], [sflag:s4] =	dma.local [hbm:s3], $0xF7A  }
0x26: {  	[smem:$0x3F88] =	sst s1;
	(tag) =	ssettag s2;
	_ =	strace s9  }
0x27: {  	s1 =	sld [smem:$0x3F98]  }
0x28: {  	s2 =	sld [smem:$0x3F99]  }
0x29: {  	s4 =	sld [smem:$0x3F9B]  }
0x2a: {  	p0 =	seq.s32 s5, $0x0;
	s5 =	sld [smem:$0x3F9C]  }
0x2b: {  	s6 =	sld [smem:$0x3F9D]  }
0x2c: {  	s7 =	sld [smem:$0x3F9E]  }
0x2d: {  	s3 =	simm.s32 $0x108;
	s8 =	sld [smem:$0x3F9F]  }
0x2e: {  	s3 =	simm.s32 @!p0 $0x1082;
	s9 =	sld [smem:$0x3FA0]  }
0x2f: {  	lr =	sadd.s32 s0, s3;
	s0 =	sld [smem:$0x3F97]  }
0x30: {  	s3 =	sld [smem:$0x3F9A]  }
0x31: {  	[smem:$0x3FA3] =	sst s10  }
0x32: {  	s10 =	sld [smem:$0x3FA1];
	_ =	sdelay $0x3  }
0x33: {  	p0 =	seq.s32 s10, $0x1;
	s10 =	sld [smem:$0x3FA3];
	_ =	sdelay $0x3  }
0x34: {  	[smem:$0x3FA3] =	sst s10  }
0x35: {  	s10 =	sld [smem:$0x3FA2];
	_ =	sdelay $0x3  }
0x36: {  	p1 =	seq.s32 s10, $0x1;
	s10 =	sld [smem:$0x3FA3];
	_ =	sdelay $0x3  }
0x37: {  	[smem:$0x3FA3] =	sst s10  }
0x38: {  	s10 =	sld [smem:$0x3FA4]  }
0x39: {  	_ = 	snop;
	(pc) =	sbr.ind lr, $3  }
0x3a: {  	_ = 	snop  }
0x3b: {  	_ = 	snop  }
0x3c: {  	p2 =	seq.s32 s10, $0x1;
	s10 =	sld [smem:$0x3FA3]  }
0x3d: {  	_ =	shalt  }
0x3e: {  	_ =	shalt  }
0x3f: {  	_ =	shalt  }
0x40: {  	_ =	shalt  }
0x41: {  	_ =	shalt  }
0x42: {  	_ =	shalt  }
0x43: {  	_ =	shalt  }
0x44: {  	_ =	shalt  }
0x45: {  	_ =	shalt  }
0x46: {  	_ =	shalt  }
0x47: {  	_ =	shalt  }
0x48: {  	_ =	shalt  }
0x49: {  	_ =	shalt  }
0x4a: {  	_ =	shalt  }
0x4b: {  	_ =	shalt  }
0x4c: {  	_ =	shalt  }
0x4d: {  	_ =	shalt  }
0x4e: {  	_ =	shalt  }
0x4f: {  	_ =	shalt  }
0x50: {  	_ =	shalt  }
0x51: {  	_ =	shalt  }
0x52: {  	_ =	shalt  }
0x53: {  	_ =	shalt  }
0x54: {  	_ =	shalt  }
0x55: {  	_ =	shalt  }
0x56: {  	_ =	shalt  }
0x57: {  	_ =	shalt  }
0x58: {  	_ =	shalt  }
0x59: {  	_ =	shalt  }
0x5a: {  	_ =	shalt  }
0x5b: {  	_ =	shalt  }
0x5c: {  	_ =	shalt  }
0x5d: {  	_ =	shalt  }
0x5e: {  	_ =	shalt  }
0x5f: {  	_ =	shalt  }
0x60: {  	_ =	shalt  }
0x61: {  	_ =	shalt  }
0x62: {  	_ =	shalt  }
0x63: {  	_ =	shalt  }
0x64: {  	_ =	shalt  }
0x65: {  	_ =	shalt  }
0x66: {  	_ =	shalt  }
0x67: {  	_ =	shalt  }
0x68: {  	_ =	shalt  }
0x69: {  	_ =	shalt  }
0x6a: {  	_ =	shalt  }
0x6b: {  	_ =	shalt  }
0x6c: {  	_ =	shalt  }
0x6d: {  	_ =	shalt  }
0x6e: {  	_ =	shalt  }
0x6f: {  	_ =	shalt  }
0x70: {  	_ =	shalt  }
0x71: {  	_ =	shalt  }
0x72: {  	_ =	shalt  }
0x73: {  	_ =	shalt  }
0x74: {  	_ =	shalt  }
0x75: {  	_ =	shalt  }
0x76: {  	_ =	shalt  }
0x77: {  	_ =	shalt  }
0x78: {  	_ =	shalt  }
0x79: {  	_ =	shalt  }
0x7a: {  	_ =	shalt  }
0x7b: {  	_ =	shalt  }
0x7c: {  	_ =	shalt  }
0x7d: {  	_ =	shalt  }
0x7e: {  	_ =	shalt  }
0x7f: {  	_ =	shalt  }
0x80: {  	_ =	shalt  }
0x81: {  	_ =	shalt  }
0x82: {  	_ =	shalt  }
0x83: {  	_ =	shalt  }
0x84: {  	_ =	shalt  }
0x85: {  	_ =	shalt  }
0x86: {  	_ =	shalt  }
0x87: {  	_ =	shalt  }
.Lfunc_end0:
.L_simem_size_0:
called_computation_lowered:
.L_overlay_start_0:
0x88: {  	s2 =	sld [smem:$0x3FD9]  }
0x89: {  	s3 =	sld [smem:$0x3FFE];
	_ =	sdelay $0x1  }
0x8a: {  	s1 =	srdreg.scid  }
0x8b: {  	s0 =	sand.u32 $0x1, s1  }
0x8c: {  	s17 =	sshll.u32 s0, $0xA;
	s2 =	sadd.s32 s3, s2  }
0x8d: {  	s2 =	sadd.s32 s2, s17  }
0x8e: {  	[smem:$0x3FAF] =	sst s2  }
0x8f: {  	_ = 	snop  }
0x90: {  	s2 =	sld [smem:$0x3FC6]  }
0x91: {  	s18 =	sld [smem:$0x3FC5];
	(tm) =	ssettm $0x1  }
0x92: {  	s4 =	sld [smem:$0x3FFB];
	_ =	sdelay $0x3  }
0x93: {  	_ =	strace s4  }
0x94: {  	s4 =	sld [smem:$0x3FFC];
	_ =	sdelay $0x3  }
0x95: {  	_ =	strace s4  }
0x96: {  	s4 =	sld [smem:$0x3FFD];
	_ =	sdelay $0x3  }
0x97: {  	_ =	strace s4  }
0x98: {  	_ =	strace $0x8FFFFFFF  }
0x99: {  	s19 =	sld [smem:$0x3FDB];
	_ =	sdelay $0x1  }
0x9a: {  	s5 =	simm.s32 $_scs_section_size  }
0x9b: {  	s6 =	simm.s32 $_size__tile_overlayer_lowered;
	s7 =	simm.s32 $_tile_overlayer_lowered  }
0x9c: {  	s22 =	simm.s32 $0x1BFF;
	s21 =	sshll.u32 s7, $0x1;
	s4 =	sadd.s32 s5, s19  }
0x9d: {  	s8 =	simm.s32 $0x0;
	s20 =	sshll.u32 s6, $0x1;
	s6 =	sadd.s32 s21, s4  }
0x9e: {  	[timem:s8], [sflag:s22] =	dma.local [hbm:s6], s20  }
0x9f: {  	_ =	swait.ge [sflag:s22], s20  }
0xa0: {  	s5 =	ssub.s32 $0x0, s20;
	[sflag:s22] =	ssyncset.done $0x0  }
0xa1: {  	[sflag:s22] =	ssyncadd.s32 s5;
	_ =	sdelay $0x1  }
0xa2: {  	s23 =	simm.s32 $0x1B8B  }
0xa3: {  	_ =	swait.ge [sflag:s23], $0x1  }
0xa4: {  	[sflag:s23] =	ssyncset.done $0x0  }
0xa5: {  	s25 =	simm.s32 $0x1B8E;
	s24 =	sld [smem:$0x3FFE];
	[sflag:s23] =	ssyncadd.s32 $0xFFFFFFFF  }
0xa6: {  	s26 =	simm.s32 $execute0_lowered;
	[smem:$0x3FD2] =	sst s25  }
0xa7: {  	s6 =	sshll.u32 s26, $0x1;
	_ =	strace $0x80000046;
	[dreg:$0x1] =	wrdreg $0xFFFFFFFF  }
0xa8: {  	s28 =	simm.s32 $_size_execute0_lowered;
	s4 =	sadd.s32 s4, s6;
	[dreg:$0x0] =	wrdreg $0x0  }
0xa9: {  	s6 =	sshll.u32 s28, $0x1;
	[dreg:$0x2] =	wrdreg s4  }
0xaa: {  	[dreg:$0x3] =	wrdreg s6  }
0xab: {  	[dreg:$0x4] =	wrdreg $0xC0  }
0xac: {  	_ =	task [dreg:s8], $0x5FFFF  }
0xad: {  	[dreg:$0x1] =	wrdreg $0xFFFFFFFF  }
0xae: {  	[dreg:$0x0] =	wrdreg $0x60  }
0xaf: {  	[dreg:$0x2] =	wrdreg s18  }
0xb0: {  	[dreg:$0x3] =	wrdreg s2  }
0xb1: {  	[dreg:$0x4] =	wrdreg s24  }
0xb2: {  	[dreg:$0x5] =	wrdreg $0x0  }
0xb3: {  	[dreg:$0x6] =	wrdreg $0x9  }
0xb4: {  	_ =	task.clear_ibuf [dreg:s8], $0x7FFFF;
	_ =	strace $0x90000046  }
0xb5: {  	s29 =	simm.s32 $0x9;
	_ =	strace $0x80000048  }
0xb6: {  	_ =	swait.ge [sflag:s29], $0x1  }
0xb7: {  	[sflag:s29] =	ssyncadd.s32 $0xFFFFFFFF  }
0xb8: {  	_ =	strace $0x90000048  }
0xb9: {  	_ =	sfence  }
0xba: {  	s30 =	sld [smem:$0x0];
	_ =	sdelay $0x2  }
0xbb: {  	s31 =	sshll.u32 s1, $0xD;
	s1 =	sshrl.u32 s1, $0x2  }
0xbc: {  	s3 =	sand.u32 $0x4000, s31;
	s1 =	sadd.s32 s1, s30  }
0xbd: {  	s0 =	sor.u32 s3, s0;
	s1 =	sshll.u32 s1, $0x11  }
0xbe: {  	s0 =	sor.u32 s1, s0  }
0xbf: {  	s0 =	sadd.s32 $0x8F2B, s0  }
0xc0: {  	[sflag:s0] =	ssyncadd.remote.s32 $0x1  }
0xc1: {  	_ =	sfence.sel $0xFFFF  }
0xc2: {  	[dreg:$0x0] =	wrdreg $0xFFFFFFFF;
	(pc) =	sbr.abs _section_cstart, $3  }
0xc3: {  	[dreg:$0x1] =	wrdreg $0xFFFFFFFF  }
0xc4: {  	_ =	task.clear_ibuf [dreg:s8], $0x2FFFF;
	_ =	strace $0x9FFFFFFF  }
0xc5: {  	(tm) =	ssettm $0x7FFFFFFF  }
tec
execute0_lowered:
.L_overlay_start_1:
0x0: {  	(tag) =	ssettag $0x1  }
0x1: {  	s20 =	rddreg [dreg:$0x0]  }
0x2: {  	s15 =	rddreg [dreg:$0x1]  }
0x3: {  	s7 =	rddreg [dreg:$0x2]  }
0x4: {  	s1 =	rddreg [dreg:$0x3];
	s2 =	simm.s32 $0x0;
	s5 =	srdreg.scid  }
0x5: {  	s3 =	stileid.u32;
	s23 =	simm.s32 $0x1;
	s24 =	simm.s32 $0x8  }
0x6: {  	s25 =	simm.s32 $0x2710;
	s26 =	simm.s32 $0x50;
	s28 =	simm.s32 $0x0  }
0x7: {  	[smem:$0x7FF] =	sst s2;
	s4 =	sadd.s32 $0x6400, s7;
	s21 =	sand.u32 $0x1, s5  }
0x8: {  	s5 =	sadd.s32 $0x7800, s7;
	s9 =	smul.u32 $0x2710, s3;
	s6 =	sadd.s32 $0x7A00, s7  }
0x9: {  	s16 =	smul.u32 $0x9C4, s3;
	s7 =	sadd.s32 $0xCA00, s7;
	_ =	strace $0x80000047  }
0xa: {  	s8 =	ssub.s32 $0x2, s21;
	p0 =	seq.s32 s21, $0x0;
	s21 =	simm.s32 $0x36B0  }
0xb: {  	s10 =	sshrl.u32 s8, $0x1;
	s17 =	sadd.s32 $0x1F4, s16;
	s11 =	sadd.s32 s15, s16  }
0xc: {  	s18 =	sadd.s32 $0x3E8, s16;
	s19 =	sadd.s32 $0x5DC, s16;
	s22 =	sadd.s32 $0x7D0, s16  }
.Ltmp0:
0xd: {  	s16 =	sadd.s32 s20, s16;
	s10 =	ssub.s32 s8, s10;
	(pc) =	sbr.rel .LBB2_1-.Ltmp0, $4  }
0xe: {  	s8 =	sadd.s32 s9, s1;
	s9 =	sshrl.u32 s9, $0x3;
	s12 =	sadd.s32 s15, s17  }
0xf: {  	s13 =	sadd.s32 s15, s18;
	s14 =	sadd.s32 s15, s19;
	s15 =	sadd.s32 s15, s22  }
0x10: {  	s17 =	sadd.s32 s20, s17;
	s18 =	sadd.s32 s20, s18;
	s19 =	sadd.s32 s20, s19  }
0x11: {  	s20 =	sadd.s32 s20, s22;
	s22 =	simm.s32 $0x2;
	s10 =	smax.u32 s10, $0x1  }
.LBB2_43:
0x12: {  	[sflag:s23] =	ssyncadd.s32 $0xFFFFFB00;
	s31 =	smov.u32 s6  }
.LBB2_44:
0x13: {  	s28 =	sadd.s32 $0x1, s28  }
0x14: {  	p1 =	sne.s32 s28, s10  }
.Ltmp1:
0x15: {  	s0 =	sadd.s32 s31, s9;
	[bflag:$0x0] =	sbarrier.arrive $0xFFFF;
	(pc) =	sbr.rel @!p1 .LBB2_45-.Ltmp1, $4  }
0x16: {  	[hbm:s0], [sflag:s29] =	dma.local [spmem:s30], $0x4E2  }
0x17: {  	_ =	swait.ge [sflag:s22], $0x4E2  }
0x18: {  	[sflag:s22] =	ssyncset.done $0x0  }
0x19: {  	[sflag:s22] =	ssyncadd.s32 $0xFFFFFB1E  }
.LBB2_1:
0x1a: {  	[tilespmem:s21], [sflag:$0x2] =	stream.linear.gather [hbm4b:s5+s2], $0x500, $0x38;
	[tilespmem:$0x3BB0] =	vst v63  }
0x1b: {  	_ =	swait.ge [sflag:s22], $0x500  }
0x1c: {  	s29 =	sshll.u32 s3, $0x6;
	[sflag:s22] =	ssyncset.done $0x0  }
0x1d: {  	s30 =	sshrl.u32 s8, $0x3;
	s29 =	sor.u32 $0x1C02, s29;
	[sflag:s22] =	ssyncadd.s32 $0xFFFFFB00  }
0x1e: {  	[spmem:s30@s22], [sflag:s29] =	dma.strided [hbm:s4@s24], $0x4E2, s23, $0x2   }
.Ltmp2:
0x1f: {  	_ =	swait.ge [sflag:s22], $0x4E2;
	(pc) =	sbr.rel @!p0 .LBB2_2-.Ltmp2, $4  }
0x20: {  	[sflag:s22] =	ssyncset.done $0x0  }
0x21: {  	[sflag:s22] =	ssyncadd.s32 $0xFFFFFB1E  }
0x22: {  	[bflag:$0x0] =	sbarrier.arrive $0xFFFF  }
0x23: {  	s31 =	simm.s32 $0x0  }
0x24: {  	[tilespmem:s25], [sflag:$0x2] =	stream.linear.gather [hbm4b:s16+s31], $0xFA0, $0x38;
	[tilespmem:$0x3BB0] =	vst v63  }
0x25: {  	_ =	swait.ge [sflag:s22], $0xFA0  }
0x26: {  	[sflag:s22] =	ssyncset.done $0x0  }
0x27: {  	[sflag:s22] =	ssyncadd.s32 $0xFFFFF060  }
.LBB2_24:
0x28: {  	p1 =	sne.s32 s31, $0x3D40  }
.Ltmp3:
0x29: {  	_ = 	snop;
	(pc) =	sbr.rel @p1 .LBB2_24-.Ltmp3, $4  }
0x2a: {  	_ = 	snop  }
0x2b: {  	s0 =	sshra.s32 s31, $0x2  }
0x2c: {  	s31 =	sadd.s32 $0x140, s31;
	s0 =	sadd.s32 $0x2710, s0  }
0x2d: {  	[spmem:s1] =	stream.indirect.scatter.add.f32 [tilespmem:s21], [sflag:$0x1], $0x10, s0, s26, $0xb8;
	[tilespmem:$0x3BB0] =	vst v63  }
0x2e: {  	_ =	swait.ge [sflag:s23], $0x500  }
0x2f: {  	s31 =	simm.s32 $0x31;
	[sflag:s23] =	ssyncset.done $0x0  }
.LBB2_26:
0x30: {  	p1 =	sne.s32 s31, $0x1;
	s31 =	sadd.s32 $0xFFFFFFFF, s31;
	[sflag:s23] =	ssyncadd.s32 $0xFFFFFB00  }
.Ltmp4:
0x31: {  	(pc) =	sbr.rel @p1 .LBB2_26-.Ltmp4, $3  }
0x32: {  	_ =	sdelay $0x1  }
0x33: {  	_ =	swait.ge [sflag:s23], $0x500  }
0x34: {  	[sflag:s23] =	ssyncset.done $0x0  }
0x35: {  	[sflag:s23] =	ssyncadd.s32 $0xFFFFFB00;
	s31 =	simm.s32 $0x0  }
0x36: {  	[tilespmem:s25], [sflag:$0x2] =	stream.linear.gather [hbm4b:s17+s31], $0xFA0, $0x38;
	[tilespmem:$0x3BB0] =	vst v63  }
0x37: {  	_ =	swait.ge [sflag:s22], $0xFA0  }
0x38: {  	[sflag:s22] =	ssyncset.done $0x0  }
0x39: {  	[sflag:s22] =	ssyncadd.s32 $0xFFFFF060  }
.LBB2_28:
0x3a: {  	p1 =	sne.s32 s31, $0x3D40  }
.Ltmp5:
0x3b: {  	_ = 	snop;
	(pc) =	sbr.rel @p1 .LBB2_28-.Ltmp5, $4  }
0x3c: {  	_ = 	snop  }
0x3d: {  	s0 =	sshra.s32 s31, $0x2  }
0x3e: {  	s31 =	sadd.s32 $0x140, s31;
	s0 =	sadd.s32 $0x2710, s0  }
0x3f: {  	[spmem:s1] =	stream.indirect.scatter.add.f32 [tilespmem:s21], [sflag:$0x1], $0x10, s0, s26, $0xb8;
	[tilespmem:$0x3BB0] =	vst v63  }
0x40: {  	_ =	swait.ge [sflag:s23], $0x500  }
0x41: {  	s31 =	simm.s32 $0x31;
	[sflag:s23] =	ssyncset.done $0x0  }
.LBB2_30:
0x42: {  	p1 =	sne.s32 s31, $0x1;
	s31 =	sadd.s32 $0xFFFFFFFF, s31;
	[sflag:s23] =	ssyncadd.s32 $0xFFFFFB00  }
.Ltmp6:
0x43: {  	(pc) =	sbr.rel @p1 .LBB2_30-.Ltmp6, $3  }
0x44: {  	_ =	sdelay $0x1  }
0x45: {  	_ =	swait.ge [sflag:s23], $0x500  }
0x46: {  	[sflag:s23] =	ssyncset.done $0x0  }
0x47: {  	[sflag:s23] =	ssyncadd.s32 $0xFFFFFB00;
	s31 =	simm.s32 $0x0  }
0x48: {  	[tilespmem:s25], [sflag:$0x2] =	stream.linear.gather [hbm4b:s18+s31], $0xFA0, $0x38;
	[tilespmem:$0x3BB0] =	vst v63  }
0x49: {  	_ =	swait.ge [sflag:s22], $0xFA0  }
0x4a: {  	[sflag:s22] =	ssyncset.done $0x0  }
0x4b: {  	[sflag:s22] =	ssyncadd.s32 $0xFFFFF060  }
.LBB2_32:
0x4c: {  	p1 =	sne.s32 s31, $0x3D40  }
.Ltmp7:
0x4d: {  	_ = 	snop;
	(pc) =	sbr.rel @p1 .LBB2_32-.Ltmp7, $4  }
0x4e: {  	_ = 	snop  }
0x4f: {  	s0 =	sshra.s32 s31, $0x2  }
0x50: {  	s31 =	sadd.s32 $0x140, s31;
	s0 =	sadd.s32 $0x2710, s0  }
0x51: {  	[spmem:s1] =	stream.indirect.scatter.add.f32 [tilespmem:s21], [sflag:$0x1], $0x10, s0, s26, $0xb8;
	[tilespmem:$0x3BB0] =	vst v63  }
0x52: {  	_ =	swait.ge [sflag:s23], $0x500  }
0x53: {  	s31 =	simm.s32 $0x31;
	[sflag:s23] =	ssyncset.done $0x0  }
.LBB2_34:
0x54: {  	p1 =	sne.s32 s31, $0x1;
	s31 =	sadd.s32 $0xFFFFFFFF, s31;
	[sflag:s23] =	ssyncadd.s32 $0xFFFFFB00  }
.Ltmp8:
0x55: {  	(pc) =	sbr.rel @p1 .LBB2_34-.Ltmp8, $3  }
0x56: {  	_ =	sdelay $0x1  }
0x57: {  	_ =	swait.ge [sflag:s23], $0x500  }
0x58: {  	[sflag:s23] =	ssyncset.done $0x0  }
0x59: {  	[sflag:s23] =	ssyncadd.s32 $0xFFFFFB00;
	s31 =	simm.s32 $0x0  }
0x5a: {  	[tilespmem:s25], [sflag:$0x2] =	stream.linear.gather [hbm4b:s19+s31], $0xFA0, $0x38;
	[tilespmem:$0x3BB0] =	vst v63  }
0x5b: {  	_ =	swait.ge [sflag:s22], $0xFA0  }
0x5c: {  	[sflag:s22] =	ssyncset.done $0x0  }
0x5d: {  	[sflag:s22] =	ssyncadd.s32 $0xFFFFF060  }
.LBB2_36:
0x5e: {  	p1 =	sne.s32 s31, $0x3D40  }
.Ltmp9:
0x5f: {  	_ = 	snop;
	(pc) =	sbr.rel @p1 .LBB2_36-.Ltmp9, $4  }
0x60: {  	_ = 	snop  }
0x61: {  	s0 =	sshra.s32 s31, $0x2  }
0x62: {  	s31 =	sadd.s32 $0x140, s31;
	s0 =	sadd.s32 $0x2710, s0  }
0x63: {  	[spmem:s1] =	stream.indirect.scatter.add.f32 [tilespmem:s21], [sflag:$0x1], $0x10, s0, s26, $0xb8;
	[tilespmem:$0x3BB0] =	vst v63  }
0x64: {  	_ =	swait.ge [sflag:s23], $0x500  }
0x65: {  	s31 =	simm.s32 $0x31;
	[sflag:s23] =	ssyncset.done $0x0  }
.LBB2_38:
0x66: {  	p1 =	sne.s32 s31, $0x1;
	s31 =	sadd.s32 $0xFFFFFFFF, s31;
	[sflag:s23] =	ssyncadd.s32 $0xFFFFFB00  }
.Ltmp10:
0x67: {  	(pc) =	sbr.rel @p1 .LBB2_38-.Ltmp10, $3  }
0x68: {  	_ =	sdelay $0x1  }
0x69: {  	_ =	swait.ge [sflag:s23], $0x500  }
0x6a: {  	[sflag:s23] =	ssyncset.done $0x0  }
0x6b: {  	[sflag:s23] =	ssyncadd.s32 $0xFFFFFB00;
	s31 =	simm.s32 $0x0  }
0x6c: {  	[tilespmem:s25], [sflag:$0x2] =	stream.linear.gather [hbm4b:s20+s31], $0xFA0, $0x38;
	[tilespmem:$0x3BB0] =	vst v63  }
0x6d: {  	_ =	swait.ge [sflag:s22], $0xFA0  }
0x6e: {  	[sflag:s22] =	ssyncset.done $0x0  }
0x6f: {  	[sflag:s22] =	ssyncadd.s32 $0xFFFFF060  }
.LBB2_40:
0x70: {  	p1 =	sne.s32 s31, $0x3D40  }
.Ltmp11:
0x71: {  	_ = 	snop;
	(pc) =	sbr.rel @p1 .LBB2_40-.Ltmp11, $4  }
0x72: {  	_ = 	snop  }
0x73: {  	s0 =	sshra.s32 s31, $0x2  }
0x74: {  	s31 =	sadd.s32 $0x140, s31;
	s0 =	sadd.s32 $0x2710, s0  }
0x75: {  	[spmem:s1] =	stream.indirect.scatter.add.f32 [tilespmem:s21], [sflag:$0x1], $0x10, s0, s26, $0xb8;
	[tilespmem:$0x3BB0] =	vst v63  }
0x76: {  	_ =	swait.ge [sflag:s23], $0x500  }
0x77: {  	s31 =	simm.s32 $0x31;
	[sflag:s23] =	ssyncset.done $0x0  }
.LBB2_42:
0x78: {  	p1 =	seq.s32 s31, $0x1;
	s31 =	sadd.s32 $0xFFFFFFFF, s31;
	[sflag:s23] =	ssyncadd.s32 $0xFFFFFB00  }
.Ltmp12:
0x79: {  	(pc) =	sbr.rel @!p1 .LBB2_42-.Ltmp12, $3  }
0x7a: {  	_ =	sdelay $0x1  }
0x7b: {  	_ =	swait.ge [sflag:s23], $0x500  }
0x7c: {  	[sflag:s23] =	ssyncset.done $0x0  }
.Ltmp13:
0x7d: {  	_ = 	snop;
	(pc) =	sbr.rel .LBB2_43-.Ltmp13, $1  }
0x7e: {  	_ =	sdelay $0x3  }
.LBB2_2:
0x7f: {  	[tilespmem:s25], [sflag:$0x2] =	stream.linear.gather [hbm4b:s11+s31], $0xFA0, $0x38;
	[tilespmem:$0x3BB0] =	vst v63  }
0x80: {  	_ =	swait.ge [sflag:s22], $0xFA0  }
0x81: {  	[sflag:s22] =	ssyncset.done $0x0  }
0x82: {  	[sflag:s22] =	ssyncadd.s32 $0xFFFFF060  }
.LBB2_3:
0x83: {  	p1 =	sne.s32 s31, $0x3D40  }
.Ltmp14:
0x84: {  	_ = 	snop;
	(pc) =	sbr.rel @p1 .LBB2_3-.Ltmp14, $4  }
0x85: {  	_ = 	snop  }
0x86: {  	s0 =	sshra.s32 s31, $0x2  }
0x87: {  	s31 =	sadd.s32 $0x140, s31;
	s0 =	sadd.s32 $0x2710, s0  }
0x88: {  	[spmem:s1] =	stream.indirect.scatter.add.f32 [tilespmem:s21], [sflag:$0x1], $0x10, s0, s26, $0xb8;
	[tilespmem:$0x3BB0] =	vst v63  }
0x89: {  	_ =	swait.ge [sflag:s23], $0x500  }
0x8a: {  	s31 =	simm.s32 $0x31;
	[sflag:s23] =	ssyncset.done $0x0  }
.LBB2_5:
0x8b: {  	p1 =	sne.s32 s31, $0x1;
	s31 =	sadd.s32 $0xFFFFFFFF, s31;
	[sflag:s23] =	ssyncadd.s32 $0xFFFFFB00  }
.Ltmp15:
0x8c: {  	(pc) =	sbr.rel @p1 .LBB2_5-.Ltmp15, $3  }
0x8d: {  	_ =	sdelay $0x1  }
0x8e: {  	_ =	swait.ge [sflag:s23], $0x500  }
0x8f: {  	[sflag:s23] =	ssyncset.done $0x0  }
0x90: {  	[sflag:s23] =	ssyncadd.s32 $0xFFFFFB00;
	s31 =	simm.s32 $0x0  }
0x91: {  	[tilespmem:s25], [sflag:$0x2] =	stream.linear.gather [hbm4b:s12+s31], $0xFA0, $0x38;
	[tilespmem:$0x3BB0] =	vst v63  }
0x92: {  	_ =	swait.ge [sflag:s22], $0xFA0  }
0x93: {  	[sflag:s22] =	ssyncset.done $0x0  }
0x94: {  	[sflag:s22] =	ssyncadd.s32 $0xFFFFF060  }
.LBB2_7:
0x95: {  	p1 =	sne.s32 s31, $0x3D40  }
.Ltmp16:
0x96: {  	_ = 	snop;
	(pc) =	sbr.rel @p1 .LBB2_7-.Ltmp16, $4  }
0x97: {  	_ = 	snop  }
0x98: {  	s0 =	sshra.s32 s31, $0x2  }
0x99: {  	s31 =	sadd.s32 $0x140, s31;
	s0 =	sadd.s32 $0x2710, s0  }
0x9a: {  	[spmem:s1] =	stream.indirect.scatter.add.f32 [tilespmem:s21], [sflag:$0x1], $0x10, s0, s26, $0xb8;
	[tilespmem:$0x3BB0] =	vst v63  }
0x9b: {  	_ =	swait.ge [sflag:s23], $0x500  }
0x9c: {  	s31 =	simm.s32 $0x31;
	[sflag:s23] =	ssyncset.done $0x0  }
.LBB2_9:
0x9d: {  	p1 =	sne.s32 s31, $0x1;
	s31 =	sadd.s32 $0xFFFFFFFF, s31;
	[sflag:s23] =	ssyncadd.s32 $0xFFFFFB00  }
.Ltmp17:
0x9e: {  	(pc) =	sbr.rel @p1 .LBB2_9-.Ltmp17, $3  }
0x9f: {  	_ =	sdelay $0x1  }
0xa0: {  	_ =	swait.ge [sflag:s23], $0x500  }
0xa1: {  	[sflag:s23] =	ssyncset.done $0x0  }
0xa2: {  	[sflag:s23] =	ssyncadd.s32 $0xFFFFFB00;
	s31 =	simm.s32 $0x0  }
0xa3: {  	[tilespmem:s25], [sflag:$0x2] =	stream.linear.gather [hbm4b:s13+s31], $0xFA0, $0x38;
	[tilespmem:$0x3BB0] =	vst v63  }
0xa4: {  	_ =	swait.ge [sflag:s22], $0xFA0  }
0xa5: {  	[sflag:s22] =	ssyncset.done $0x0  }
0xa6: {  	[sflag:s22] =	ssyncadd.s32 $0xFFFFF060  }
.LBB2_11:
0xa7: {  	p1 =	sne.s32 s31, $0x3D40  }
.Ltmp18:
0xa8: {  	_ = 	snop;
	(pc) =	sbr.rel @p1 .LBB2_11-.Ltmp18, $4  }
0xa9: {  	_ = 	snop  }
0xaa: {  	s0 =	sshra.s32 s31, $0x2  }
0xab: {  	s31 =	sadd.s32 $0x140, s31;
	s0 =	sadd.s32 $0x2710, s0  }
0xac: {  	[spmem:s1] =	stream.indirect.scatter.add.f32 [tilespmem:s21], [sflag:$0x1], $0x10, s0, s26, $0xb8;
	[tilespmem:$0x3BB0] =	vst v63  }
0xad: {  	_ =	swait.ge [sflag:s23], $0x500  }
0xae: {  	s31 =	simm.s32 $0x31;
	[sflag:s23] =	ssyncset.done $0x0  }
.LBB2_13:
0xaf: {  	p1 =	sne.s32 s31, $0x1;
	s31 =	sadd.s32 $0xFFFFFFFF, s31;
	[sflag:s23] =	ssyncadd.s32 $0xFFFFFB00  }
.Ltmp19:
0xb0: {  	(pc) =	sbr.rel @p1 .LBB2_13-.Ltmp19, $3  }
0xb1: {  	_ =	sdelay $0x1  }
0xb2: {  	_ =	swait.ge [sflag:s23], $0x500  }
0xb3: {  	[sflag:s23] =	ssyncset.done $0x0  }
0xb4: {  	[sflag:s23] =	ssyncadd.s32 $0xFFFFFB00;
	s31 =	simm.s32 $0x0  }
0xb5: {  	[tilespmem:s25], [sflag:$0x2] =	stream.linear.gather [hbm4b:s14+s31], $0xFA0, $0x38;
	[tilespmem:$0x3BB0] =	vst v63  }
0xb6: {  	_ =	swait.ge [sflag:s22], $0xFA0  }
0xb7: {  	[sflag:s22] =	ssyncset.done $0x0  }
0xb8: {  	[sflag:s22] =	ssyncadd.s32 $0xFFFFF060  }
.LBB2_15:
0xb9: {  	p1 =	sne.s32 s31, $0x3D40  }
.Ltmp20:
0xba: {  	_ = 	snop;
	(pc) =	sbr.rel @p1 .LBB2_15-.Ltmp20, $4  }
0xbb: {  	_ = 	snop  }
0xbc: {  	s0 =	sshra.s32 s31, $0x2  }
0xbd: {  	s31 =	sadd.s32 $0x140, s31;
	s0 =	sadd.s32 $0x2710, s0  }
0xbe: {  	[spmem:s1] =	stream.indirect.scatter.add.f32 [tilespmem:s21], [sflag:$0x1], $0x10, s0, s26, $0xb8;
	[tilespmem:$0x3BB0] =	vst v63  }
0xbf: {  	_ =	swait.ge [sflag:s23], $0x500  }
0xc0: {  	s31 =	simm.s32 $0x31;
	[sflag:s23] =	ssyncset.done $0x0  }
.LBB2_17:
0xc1: {  	p1 =	sne.s32 s31, $0x1;
	s31 =	sadd.s32 $0xFFFFFFFF, s31;
	[sflag:s23] =	ssyncadd.s32 $0xFFFFFB00  }
.Ltmp21:
0xc2: {  	(pc) =	sbr.rel @p1 .LBB2_17-.Ltmp21, $3  }
0xc3: {  	_ =	sdelay $0x1  }
0xc4: {  	_ =	swait.ge [sflag:s23], $0x500  }
0xc5: {  	[sflag:s23] =	ssyncset.done $0x0  }
0xc6: {  	[sflag:s23] =	ssyncadd.s32 $0xFFFFFB00;
	s31 =	simm.s32 $0x0  }
0xc7: {  	[tilespmem:s25], [sflag:$0x2] =	stream.linear.gather [hbm4b:s15+s31], $0xFA0, $0x38;
	[tilespmem:$0x3BB0] =	vst v63  }
0xc8: {  	_ =	swait.ge [sflag:s22], $0xFA0  }
0xc9: {  	[sflag:s22] =	ssyncset.done $0x0  }
0xca: {  	[sflag:s22] =	ssyncadd.s32 $0xFFFFF060  }
.LBB2_19:
0xcb: {  	p1 =	sne.s32 s31, $0x3D40  }
.Ltmp22:
0xcc: {  	_ = 	snop;
	(pc) =	sbr.rel @p1 .LBB2_19-.Ltmp22, $4  }
0xcd: {  	_ = 	snop  }
0xce: {  	s0 =	sshra.s32 s31, $0x2  }
0xcf: {  	s31 =	sadd.s32 $0x140, s31;
	s0 =	sadd.s32 $0x2710, s0  }
0xd0: {  	[spmem:s1] =	stream.indirect.scatter.add.f32 [tilespmem:s21], [sflag:$0x1], $0x10, s0, s26, $0xb8;
	[tilespmem:$0x3BB0] =	vst v63  }
0xd1: {  	_ =	swait.ge [sflag:s23], $0x500  }
0xd2: {  	s31 =	simm.s32 $0x31;
	[sflag:s23] =	ssyncset.done $0x0  }
.LBB2_21:
0xd3: {  	p1 =	sne.s32 s31, $0x1;
	s31 =	sadd.s32 $0xFFFFFFFF, s31;
	[sflag:s23] =	ssyncadd.s32 $0xFFFFFB00  }
.Ltmp23:
0xd4: {  	(pc) =	sbr.rel @p1 .LBB2_21-.Ltmp23, $3  }
0xd5: {  	_ =	sdelay $0x1  }
0xd6: {  	_ =	swait.ge [sflag:s23], $0x500  }
0xd7: {  	[sflag:s23] =	ssyncset.done $0x0  }
.Ltmp24:
0xd8: {  	(pc) =	sbr.rel .LBB2_44-.Ltmp24, $2  }
0xd9: {  	_ =	sdelay $0x2  }
0xda: {  	[sflag:s23] =	ssyncadd.s32 $0xFFFFFB00;
	s31 =	smov.u32 s7  }
.LBB2_45:
0xdb: {  	_ =	sfence.sel $0x180000  }
0xdc: {  	[bflag:$0x0] =	sbarrier.arrive $0xFFFF  }
0xdd: {  	_ =	strace $0x90000047  }
0xde: {  	[bflag:$0x2] =	sbarrier.arrive $0xFFFF  }
0xdf: {  	p0 =	sne.s32 s3, $0x0;
	s0 =	rddreg [dreg:$0x4]  }
0xe0: {  	s0 =	sadd.s32 @!p0 $0x100000, s0  }
0xe1: {  	[sflag:s0] =	ssyncadd.tile.s32 @!p0 $0x1;
	_ =	shalt  }
.Lfunc_end2:
_tile_overlayer_lowered:
.L_overlay_start_2:
0xe2: {  	(tag) =	ssettag $0x2  }
0xe3: {  	s0 =	rddreg [dreg:$0x0];
	s2 =	stileid.u32  }
0xe4: {  	s1 =	rddreg [dreg:$0x1];
	p0 =	sne.s32 s2, $0x0  }
0xe5: {  	s3 =	rddreg [dreg:$0x2];
	[bflag:$0x3] =	sbarrier.arrive $0xFFFF;
	s2 =	simm.s32 @!p0 $0x1C02  }
0xe6: {  	[timem:s3], [sflag:s2] =	dma.local @!p0 [hbm:s0], s1  }
0xe7: {  	s0 =	simm.s32 @!p0 $0x2  }
0xe8: {  	_ =	swait.ge @!p0 [sflag:s0], s1  }
0xe9: {  	s1 =	ssub.s32 @!p0 $0x0, s1;
	[sflag:s0] =	ssyncset.done @!p0 $0x0  }
0xea: {  	[sflag:s0] =	ssyncadd.s32 @!p0 s1  }
0xeb: {  	[bflag:$0x3] =	sbarrier.arrive $0xFFFF  }
0xec: {  	_ =	shalt  }

</sc_bundles>
